<compile_context>
chip_gen: v7x
topology: tpu7x:2x2x1
jax: 0.10.2.dev20260603
libtpu: 0.0.44.dev20260713+nightly
codegen_flags: <defaults>
</compile_context>

<pallas_src>
import functools

import jax
import jax.numpy as jnp
from jax import lax
from jax.experimental import pallas as pl
from jax.experimental.pallas import tpu as pltpu
from jax.experimental.pallas import tpu_sc as plsc

EMBED = 128
RPC = 2
CPAD = 112
NB = 8
GD = 4
SD = 4


@functools.partial(jax.jit, static_argnums=(2, 3, 4))
def _sc_gather(table, idx3, nw, b, s):
    mesh = plsc.VectorSubcoreMesh(core_axis_name="c", subcore_axis_name="s")
    rows_per_w = b // nw
    k_per_w = rows_per_w // RPC
    assert k_per_w % NB == 0 and k_per_w >= NB

    @functools.partial(
        pl.kernel,
        mesh=mesh,
        out_type=jax.ShapeDtypeStruct((b, s, EMBED), jnp.float32),
        scratch_types=[
            pltpu.VMEM((k_per_w, CPAD), jnp.int32),
            pltpu.VMEM((NB, RPC * s, EMBED), jnp.float32),
            pltpu.SemaphoreType.DMA((NB,)),
            pltpu.SemaphoreType.DMA((NB,)),
        ],
    )
    def k(table_hbm, idx_hbm, out_hbm, idx_v, rows_v, gsem, ssem):
        nc = 2
        wid = lax.axis_index("s") * nc + lax.axis_index("c")
        row_base = wid * rows_per_w
        pltpu.sync_copy(idx_hbm.at[wid], idx_v)

        def gather(j, slot):
            return pltpu.make_async_copy(
                table_hbm.at[idx_v.at[j, pl.ds(0, RPC * s)]],
                rows_v.at[slot], gsem.at[slot])

        def stores(j, slot):
            return [
                pltpu.make_async_copy(
                    rows_v.at[slot, pl.ds(h * s, s)],
                    out_hbm.at[row_base + j * RPC + h],
                    ssem.at[slot])
                for h in range(RPC)
            ]

        for slot in range(GD):
            gather(slot, slot).start()

        def outer(i, _):
            g = i * NB
            for bslot in range(NB):
                j = g + bslot
                nslot = (bslot + GD) % NB
                @pl.when(j + GD - NB >= 0)
                def _():
                    for h_cp in stores(j + GD - NB, nslot):
                        h_cp.wait()

                @pl.when(j + GD < k_per_w)
                def _():
                    gather(j + GD, nslot).start()

                gather(j, bslot).wait()
                for h_cp in stores(j, bslot):
                    h_cp.start()
            return 0

        lax.fori_loop(0, k_per_w // NB, outer, 0)

        for j in range(k_per_w - SD, k_per_w):
            for h_cp in stores(j, j % NB):
                h_cp.wait()

    return k(table, idx3)


def kernel(cleavage_indices, pos_embed):
    b, s = cleavage_indices.shape
    info = plsc.get_sparse_core_info()
    nw = info.num_cores * info.num_subcores
    rows_per_w = b // nw
    k_per_w = rows_per_w // RPC
    idx = cleavage_indices.astype(jnp.int32).reshape(nw, k_per_w, RPC * s)
    npad = CPAD - RPC * s
    v = pos_embed.shape[0]
    pad = (jnp.arange(nw * k_per_w * npad, dtype=jnp.int32) * 97 % v)
    pad = pad.reshape(nw, k_per_w, npad)
    idx = jnp.concatenate([idx, pad], axis=2)
    return _sc_gather(pos_embed, idx, nw, b, s)

# --- scband reference (transcript-rebuilt; emitter-appended) ---
"""Pipeline reference for scband-positional-encoder1-d-16630113370243 (READ-ONLY COPY).

The authoritative reference and input builder live on the scoring server;
editing this copy changes nothing except your own understanding.
"""

import math
import jax, jax.numpy as jnp
import numpy as np

EMBED_SIZE = 128
MAX_LEN = 8192
BATCH = 4096
SEQ = 50

def _build_pos_embed():
    position = np.arange(MAX_LEN, dtype=np.float32)[:, None]
    div_term = np.exp(np.arange(0, EMBED_SIZE, 2, dtype=np.float32) * (-math.log(10000.0) / EMBED_SIZE))
    pe = np.zeros((MAX_LEN, EMBED_SIZE), dtype=np.float32)
    pe[:, 0::2] = np.sin(position * div_term)
    pe[:, 1::2] = np.cos(position * div_term)
    return jnp.asarray(pe)

def setup_inputs(seed: int = 0) -> dict:
    key = jax.random.key(seed)
    cleavage_indices = jax.random.randint(key, (BATCH, SEQ), 0, MAX_LEN)
    pos_embed = _build_pos_embed()
    return {"cleavage_indices": cleavage_indices, "pos_embed": pos_embed}

def reference(cleavage_indices, pos_embed):
    # torch.gather over dim=1 of the expanded [B, max_len, E] table with index
    # repeated along the embed dim is exactly a row-gather from pos_embed.
    idx = cleavage_indices.astype(jnp.int32)
    out = jnp.take(pos_embed, idx, axis=0)  # [B, SEQ, EMBED_SIZE]
    return out

if __name__ == "__main__":
    import jax
    _d = setup_inputs()
    print(jax.jit(kernel)(*tuple(_d.values())))

</pallas_src>

<mosaic_0001>
#map = affine_map<(d0, d1) -> (0, 0)>
#map1 = affine_map<(d0, d1) -> (0, 0, 0)>
module attributes {stable_mosaic.version = 14 : i64} {
  func.func @k(%arg0: i32, %arg1: i32, %arg2: memref<8192x128xf32, #tpu.memory_space<hbm>>, %arg3: memref<32x64x112xi32, #tpu.memory_space<hbm>>, %arg4: memref<4096x50x128xf32, #tpu.memory_space<hbm>>, %arg5: memref<64x112xi32, #tpu.memory_space<vmem>>, %arg6: memref<8x100x128xf32, #tpu.memory_space<vmem>>, %arg7: memref<8x!tpu.dma_semaphore, #tpu.memory_space<semaphore_mem>>, %arg8: memref<8x!tpu.dma_semaphore, #tpu.memory_space<semaphore_mem>>) attributes {dimension_semantics = [#tpu.dimension_semantics<core_parallel>, #tpu.dimension_semantics<subcore_parallel>], iteration_bounds = array<i64: 2, 16>, scalar_prefetch = 0 : i64, scratch_operands = 4 : i64, tpu.core_type = #tpu.core_type<sc_vector_subcore>, window_params = [{transform_indices = #map}, {transform_indices = #map1}, {transform_indices = #map1}]} {
    %mul3A = arith.constant 2 : i32
    %mul3A_0 = arith.muli %arg1, %mul3A : i32
    %add3A = arith.addi %mul3A_0, %arg0 : i32
    %mul3A_1 = arith.constant 128 : i32
    %mul3A_2 = arith.muli %add3A, %mul3A_1 : i32
    "tpu.region"() ({
      %run_scoped3A = tpu.sem_alloc : memref<!tpu.dma_semaphore, #tpu.memory_space<semaphore_mem>>
      %dma_start3A_259 = arith.constant 0 : i32
      %dma_start3A_260 = arith.constant 0 : i32
      %dma_start3A_261 = tpu.memref_slice %arg3[%add3A, %dma_start3A_259, %dma_start3A_260] : memref<32x64x112xi32, #tpu.memory_space<hbm>> -> memref<1x64x112xi32, #tpu.memory_space<hbm>>
      %dma_start3A_262 = tpu.memref_squeeze %dma_start3A_261 : memref<1x64x112xi32, #tpu.memory_space<hbm>> -> memref<64x112xi32, #tpu.memory_space<hbm>>
      %dma_start3A_263 = arith.constant 0 : i32
      %dma_start3A_264 = arith.constant 0 : i32
      %dma_start3A_265 = tpu.memref_slice %arg3[%add3A, %dma_start3A_263, %dma_start3A_264] : memref<32x64x112xi32, #tpu.memory_space<hbm>> -> memref<1x64x112xi32, #tpu.memory_space<hbm>>
      %dma_start3A_266 = tpu.memref_squeeze %dma_start3A_265 : memref<1x64x112xi32, #tpu.memory_space<hbm>> -> memref<64x112xi32, #tpu.memory_space<hbm>>
      tpu.enqueue_dma source(%dma_start3A_266 : memref<64x112xi32, #tpu.memory_space<hbm>>) target(%arg5 : memref<64x112xi32, #tpu.memory_space<vmem>>) target_semaphore(%run_scoped3A : memref<!tpu.dma_semaphore, #tpu.memory_space<semaphore_mem>>)
      %dma_wait3A_267 = arith.constant 0 : i32
      %dma_wait3A_268 = arith.constant 0 : i32
      %dma_wait3A_269 = tpu.memref_slice %arg3[%add3A, %dma_wait3A_267, %dma_wait3A_268] : memref<32x64x112xi32, #tpu.memory_space<hbm>> -> memref<1x64x112xi32, #tpu.memory_space<hbm>>
      %dma_wait3A_270 = tpu.memref_squeeze %dma_wait3A_269 : memref<1x64x112xi32, #tpu.memory_space<hbm>> -> memref<64x112xi32, #tpu.memory_space<hbm>>
      %dma_wait3A_271 = arith.constant 0 : i32
      %dma_wait3A_272 = arith.constant 0 : i32
      %dma_wait3A_273 = tpu.memref_slice %arg3[%add3A, %dma_wait3A_271, %dma_wait3A_272] : memref<32x64x112xi32, #tpu.memory_space<hbm>> -> memref<1x64x112xi32, #tpu.memory_space<hbm>>
      %dma_wait3A_274 = tpu.memref_squeeze %dma_wait3A_273 : memref<1x64x112xi32, #tpu.memory_space<hbm>> -> memref<64x112xi32, #tpu.memory_space<hbm>>
      tpu.wait_dma2 semaphore(%run_scoped3A : memref<!tpu.dma_semaphore, #tpu.memory_space<semaphore_mem>>) src(%dma_wait3A_274 : memref<64x112xi32, #tpu.memory_space<hbm>>) dst(%arg5 : memref<64x112xi32, #tpu.memory_space<vmem>>)
      tpu.yield
    }) : () -> ()
    %dma_start3A = arith.constant 0 : i32
    %dma_start3A_3 = arith.constant 0 : i32
    %dma_start3A_4 = arith.constant 0 : i32
    %dma_start3A_5 = arith.constant 0 : i32
    %dma_start3A_6 = arith.constant 0 : i32
    %dma_start3A_7 = tpu.memref_slice %arg6[%dma_start3A_3, %dma_start3A_5, %dma_start3A_6] : memref<8x100x128xf32, #tpu.memory_space<vmem>> -> memref<1x100x128xf32, #tpu.memory_space<vmem>>
    %dma_start3A_8 = tpu.memref_squeeze %dma_start3A_7 : memref<1x100x128xf32, #tpu.memory_space<vmem>> -> memref<100x128xf32, #tpu.memory_space<vmem>>
    %dma_start3A_9 = arith.constant 0 : i32
    %dma_start3A_10 = tpu.memref_slice %arg5[%dma_start3A, %dma_start3A_9] : memref<64x112xi32, #tpu.memory_space<vmem>> -> memref<1x100xi32, #tpu.memory_space<vmem>>
    %dma_start3A_11 = tpu.memref_squeeze %dma_start3A_10 : memref<1x100xi32, #tpu.memory_space<vmem>> -> memref<100xi32, #tpu.memory_space<vmem>>
    %dma_start3A_12 = arith.constant 0 : i32
    %dma_start3A_13 = arith.constant 0 : i32
    %dma_start3A_14 = tpu.memref_slice %arg2[%dma_start3A_12, %dma_start3A_13] : memref<8192x128xf32, #tpu.memory_space<hbm>> -> memref<8192x128xf32, #tpu.memory_space<hbm>>
    %dma_start3A_15 = tpu.memref_slice %arg7[%dma_start3A_4] : memref<8x!tpu.dma_semaphore, #tpu.memory_space<semaphore_mem>> -> memref<1x!tpu.dma_semaphore, #tpu.memory_space<semaphore_mem>>
    %dma_start3A_16 = tpu.memref_squeeze %dma_start3A_15 : memref<1x!tpu.dma_semaphore, #tpu.memory_space<semaphore_mem>> -> memref<!tpu.dma_semaphore, #tpu.memory_space<semaphore_mem>>
    tpu.enqueue_indirect_dma source(%dma_start3A_14 : memref<8192x128xf32, #tpu.memory_space<hbm>>) target(%dma_start3A_8 : memref<100x128xf32, #tpu.memory_space<vmem>>) offsets(%dma_start3A_11 : memref<100xi32, #tpu.memory_space<vmem>>) semaphore(%dma_start3A_16 : memref<!tpu.dma_semaphore, #tpu.memory_space<semaphore_mem>>)
    %dma_start3A_17 = arith.constant 1 : i32
    %dma_start3A_18 = arith.constant 1 : i32
    %dma_start3A_19 = arith.constant 1 : i32
    %dma_start3A_20 = arith.constant 0 : i32
    %dma_start3A_21 = arith.constant 0 : i32
    %dma_start3A_22 = tpu.memref_slice %arg6[%dma_start3A_18, %dma_start3A_20, %dma_start3A_21] : memref<8x100x128xf32, #tpu.memory_space<vmem>> -> memref<1x100x128xf32, #tpu.memory_space<vmem>>
    %dma_start3A_23 = tpu.memref_squeeze %dma_start3A_22 : memref<1x100x128xf32, #tpu.memory_space<vmem>> -> memref<100x128xf32, #tpu.memory_space<vmem>>
    %dma_start3A_24 = arith.constant 0 : i32
    %dma_start3A_25 = tpu.memref_slice %arg5[%dma_start3A_17, %dma_start3A_24] : memref<64x112xi32, #tpu.memory_space<vmem>> -> memref<1x100xi32, #tpu.memory_space<vmem>>
    %dma_start3A_26 = tpu.memref_squeeze %dma_start3A_25 : memref<1x100xi32, #tpu.memory_space<vmem>> -> memref<100xi32, #tpu.memory_space<vmem>>
    %dma_start3A_27 = arith.constant 0 : i32
    %dma_start3A_28 = arith.constant 0 : i32
    %dma_start3A_29 = tpu.memref_slice %arg2[%dma_start3A_27, %dma_start3A_28] : memref<8192x128xf32, #tpu.memory_space<hbm>> -> memref<8192x128xf32, #tpu.memory_space<hbm>>
    %dma_start3A_30 = tpu.memref_slice %arg7[%dma_start3A_19] : memref<8x!tpu.dma_semaphore, #tpu.memory_space<semaphore_mem>> -> memref<1x!tpu.dma_semaphore, #tpu.memory_space<semaphore_mem>>
    %dma_start3A_31 = tpu.memref_squeeze %dma_start3A_30 : memref<1x!tpu.dma_semaphore, #tpu.memory_space<semaphore_mem>> -> memref<!tpu.dma_semaphore, #tpu.memory_space<semaphore_mem>>
    tpu.enqueue_indirect_dma source(%dma_start3A_29 : memref<8192x128xf32, #tpu.memory_space<hbm>>) target(%dma_start3A_23 : memref<100x128xf32, #tpu.memory_space<vmem>>) offsets(%dma_start3A_26 : memref<100xi32, #tpu.memory_space<vmem>>) semaphore(%dma_start3A_31 : memref<!tpu.dma_semaphore, #tpu.memory_space<semaphore_mem>>)
    %dma_start3A_32 = arith.constant 2 : i32
    %dma_start3A_33 = arith.constant 2 : i32
    %dma_start3A_34 = arith.constant 2 : i32
    %dma_start3A_35 = arith.constant 0 : i32
    %dma_start3A_36 = arith.constant 0 : i32
    %dma_start3A_37 = tpu.memref_slice %arg6[%dma_start3A_33, %dma_start3A_35, %dma_start3A_36] : memref<8x100x128xf32, #tpu.memory_space<vmem>> -> memref<1x100x128xf32, #tpu.memory_space<vmem>>
    %dma_start3A_38 = tpu.memref_squeeze %dma_start3A_37 : memref<1x100x128xf32, #tpu.memory_space<vmem>> -> memref<100x128xf32, #tpu.memory_space<vmem>>
    %dma_start3A_39 = arith.constant 0 : i32
    %dma_start3A_40 = tpu.memref_slice %arg5[%dma_start3A_32, %dma_start3A_39] : memref<64x112xi32, #tpu.memory_space<vmem>> -> memref<1x100xi32, #tpu.memory_space<vmem>>
    %dma_start3A_41 = tpu.memref_squeeze %dma_start3A_40 : memref<1x100xi32, #tpu.memory_space<vmem>> -> memref<100xi32, #tpu.memory_space<vmem>>
    %dma_start3A_42 = arith.constant 0 : i32
    %dma_start3A_43 = arith.constant 0 : i32
    %dma_start3A_44 = tpu.memref_slice %arg2[%dma_start3A_42, %dma_start3A_43] : memref<8192x128xf32, #tpu.memory_space<hbm>> -> memref<8192x128xf32, #tpu.memory_space<hbm>>
    %dma_start3A_45 = tpu.memref_slice %arg7[%dma_start3A_34] : memref<8x!tpu.dma_semaphore, #tpu.memory_space<semaphore_mem>> -> memref<1x!tpu.dma_semaphore, #tpu.memory_space<semaphore_mem>>
    %dma_start3A_46 = tpu.memref_squeeze %dma_start3A_45 : memref<1x!tpu.dma_semaphore, #tpu.memory_space<semaphore_mem>> -> memref<!tpu.dma_semaphore, #tpu.memory_space<semaphore_mem>>
    tpu.enqueue_indirect_dma source(%dma_start3A_44 : memref<8192x128xf32, #tpu.memory_space<hbm>>) target(%dma_start3A_38 : memref<100x128xf32, #tpu.memory_space<vmem>>) offsets(%dma_start3A_41 : memref<100xi32, #tpu.memory_space<vmem>>) semaphore(%dma_start3A_46 : memref<!tpu.dma_semaphore, #tpu.memory_space<semaphore_mem>>)
    %dma_start3A_47 = arith.constant 3 : i32
    %dma_start3A_48 = arith.constant 3 : i32
    %dma_start3A_49 = arith.constant 3 : i32
    %dma_start3A_50 = arith.constant 0 : i32
    %dma_start3A_51 = arith.constant 0 : i32
    %dma_start3A_52 = tpu.memref_slice %arg6[%dma_start3A_48, %dma_start3A_50, %dma_start3A_51] : memref<8x100x128xf32, #tpu.memory_space<vmem>> -> memref<1x100x128xf32, #tpu.memory_space<vmem>>
    %dma_start3A_53 = tpu.memref_squeeze %dma_start3A_52 : memref<1x100x128xf32, #tpu.memory_space<vmem>> -> memref<100x128xf32, #tpu.memory_space<vmem>>
    %dma_start3A_54 = arith.constant 0 : i32
    %dma_start3A_55 = tpu.memref_slice %arg5[%dma_start3A_47, %dma_start3A_54] : memref<64x112xi32, #tpu.memory_space<vmem>> -> memref<1x100xi32, #tpu.memory_space<vmem>>
    %dma_start3A_56 = tpu.memref_squeeze %dma_start3A_55 : memref<1x100xi32, #tpu.memory_space<vmem>> -> memref<100xi32, #tpu.memory_space<vmem>>
    %dma_start3A_57 = arith.constant 0 : i32
    %dma_start3A_58 = arith.constant 0 : i32
    %dma_start3A_59 = tpu.memref_slice %arg2[%dma_start3A_57, %dma_start3A_58] : memref<8192x128xf32, #tpu.memory_space<hbm>> -> memref<8192x128xf32, #tpu.memory_space<hbm>>
    %dma_start3A_60 = tpu.memref_slice %arg7[%dma_start3A_49] : memref<8x!tpu.dma_semaphore, #tpu.memory_space<semaphore_mem>> -> memref<1x!tpu.dma_semaphore, #tpu.memory_space<semaphore_mem>>
    %dma_start3A_61 = tpu.memref_squeeze %dma_start3A_60 : memref<1x!tpu.dma_semaphore, #tpu.memory_space<semaphore_mem>> -> memref<!tpu.dma_semaphore, #tpu.memory_space<semaphore_mem>>
    tpu.enqueue_indirect_dma source(%dma_start3A_59 : memref<8192x128xf32, #tpu.memory_space<hbm>>) target(%dma_start3A_53 : memref<100x128xf32, #tpu.memory_space<vmem>>) offsets(%dma_start3A_56 : memref<100xi32, #tpu.memory_space<vmem>>) semaphore(%dma_start3A_61 : memref<!tpu.dma_semaphore, #tpu.memory_space<semaphore_mem>>)
    %scan3A = arith.constant 0 : i32
    %scan3A_62 = arith.constant 0 : i32
    %scan3A_63 = arith.constant 8 : i32
    %scan3A_64 = arith.addi %scan3A_62, %scan3A_63 : i32
    %scan3A_65 = arith.constant 1 : i32
    %scan3A_66 = scf.for %scan3A_259 = %scan3A_62 to %scan3A_64 step %scan3A_65 iter_args(%scan3A_260 = %scan3A) -> (i32)  : i32 {
      %mul3A_261 = arith.constant 8 : i32
      %mul3A_262 = arith.muli %scan3A_259, %mul3A_261 : i32
      %add3A_263 = arith.constant 0 : i32
      %add3A_264 = arith.addi %mul3A_262, %add3A_263 : i32
      %add3A_265 = arith.constant 4 : i32
      %add3A_266 = arith.addi %add3A_264, %add3A_265 : i32
      %sub3A = arith.constant 8 : i32
      %sub3A_267 = arith.subi %add3A_266, %sub3A : i32
      %ge3A = arith.constant 0 : i32
      %ge3A_268 = arith.cmpi sge, %sub3A_267, %ge3A : i32
      %convert_element_type3A = arith.extui %ge3A_268 : i1 to i32
      %cond3A = arith.constant 0 : i32
      %cond3A_269 = arith.cmpi ne, %convert_element_type3A, %cond3A : i32
      scf.if %cond3A_269 {
        %add3A_915 = arith.constant 4 : i32
        %add3A_916 = arith.addi %add3A_264, %add3A_915 : i32
        %sub3A_917 = arith.constant 8 : i32
        %sub3A_918 = arith.subi %add3A_916, %sub3A_917 : i32
        %mul3A_919 = arith.constant 2 : i32
        %mul3A_920 = arith.muli %sub3A_918, %mul3A_919 : i32
        %add3A_921 = arith.addi %mul3A_2, %mul3A_920 : i32
        %add3A_922 = arith.constant 0 : i32
        %add3A_923 = arith.addi %add3A_921, %add3A_922 : i32
        %mul3A_924 = arith.constant 2 : i32
        %mul3A_925 = arith.muli %sub3A_918, %mul3A_924 : i32
        %add3A_926 = arith.addi %mul3A_2, %mul3A_925 : i32
        %add3A_927 = arith.constant 1 : i32
        %add3A_928 = arith.addi %add3A_926, %add3A_927 : i32
        %dma_wait3A_929 = arith.constant 4 : i32
        %dma_wait3A_930 = arith.constant 4 : i32
        %dma_wait3A_931 = arith.constant 0 : i32
        %dma_wait3A_932 = arith.constant 0 : i32
        %dma_wait3A_933 = tpu.memref_slice %arg6[%dma_wait3A_929, %dma_wait3A_931, %dma_wait3A_932] : memref<8x100x128xf32, #tpu.memory_space<vmem>> -> memref<1x50x128xf32, #tpu.memory_space<vmem>>
        %dma_wait3A_934 = tpu.memref_squeeze %dma_wait3A_933 : memref<1x50x128xf32, #tpu.memory_space<vmem>> -> memref<50x128xf32, #tpu.memory_space<vmem>>
        %dma_wait3A_935 = arith.constant 0 : i32
        %dma_wait3A_936 = arith.constant 0 : i32
        %dma_wait3A_937 = tpu.memref_slice %arg4[%add3A_923, %dma_wait3A_935, %dma_wait3A_936] : memref<4096x50x128xf32, #tpu.memory_space<hbm>> -> memref<1x50x128xf32, #tpu.memory_space<hbm>>
        %dma_wait3A_938 = tpu.memref_squeeze %dma_wait3A_937 : memref<1x50x128xf32, #tpu.memory_space<hbm>> -> memref<50x128xf32, #tpu.memory_space<hbm>>
        %dma_wait3A_939 = tpu.memref_slice %arg8[%dma_wait3A_930] : memref<8x!tpu.dma_semaphore, #tpu.memory_space<semaphore_mem>> -> memref<1x!tpu.dma_semaphore, #tpu.memory_space<semaphore_mem>>
        %dma_wait3A_940 = tpu.memref_squeeze %dma_wait3A_939 : memref<1x!tpu.dma_semaphore, #tpu.memory_space<semaphore_mem>> -> memref<!tpu.dma_semaphore, #tpu.memory_space<semaphore_mem>>
        %dma_wait3A_941 = arith.constant 0 : i32
        %dma_wait3A_942 = arith.constant 0 : i32
        %dma_wait3A_943 = tpu.memref_slice %arg4[%add3A_923, %dma_wait3A_941, %dma_wait3A_942] : memref<4096x50x128xf32, #tpu.memory_space<hbm>> -> memref<1x50x128xf32, #tpu.memory_space<hbm>>
        %dma_wait3A_944 = tpu.memref_squeeze %dma_wait3A_943 : memref<1x50x128xf32, #tpu.memory_space<hbm>> -> memref<50x128xf32, #tpu.memory_space<hbm>>
        %dma_wait3A_945 = arith.constant 0 : i32
        %dma_wait3A_946 = arith.constant 0 : i32
        %dma_wait3A_947 = tpu.memref_slice %arg6[%dma_wait3A_929, %dma_wait3A_945, %dma_wait3A_946] : memref<8x100x128xf32, #tpu.memory_space<vmem>> -> memref<1x50x128xf32, #tpu.memory_space<vmem>>
        %dma_wait3A_948 = tpu.memref_squeeze %dma_wait3A_947 : memref<1x50x128xf32, #tpu.memory_space<vmem>> -> memref<50x128xf32, #tpu.memory_space<vmem>>
        tpu.wait_dma2 semaphore(%dma_wait3A_940 : memref<!tpu.dma_semaphore, #tpu.memory_space<semaphore_mem>>) src(%dma_wait3A_948 : memref<50x128xf32, #tpu.memory_space<vmem>>) dst(%dma_wait3A_944 : memref<50x128xf32, #tpu.memory_space<hbm>>)
        %dma_wait3A_949 = arith.constant 4 : i32
        %dma_wait3A_950 = arith.constant 4 : i32
        %dma_wait3A_951 = arith.constant 50 : i32
        %dma_wait3A_952 = arith.constant 0 : i32
        %dma_wait3A_953 = tpu.memref_slice %arg6[%dma_wait3A_949, %dma_wait3A_951, %dma_wait3A_952] : memref<8x100x128xf32, #tpu.memory_space<vmem>> -> memref<1x50x128xf32, #tpu.memory_space<vmem>>
        %dma_wait3A_954 = tpu.memref_squeeze %dma_wait3A_953 : memref<1x50x128xf32, #tpu.memory_space<vmem>> -> memref<50x128xf32, #tpu.memory_space<vmem>>
        %dma_wait3A_955 = arith.constant 0 : i32
        %dma_wait3A_956 = arith.constant 0 : i32
        %dma_wait3A_957 = tpu.memref_slice %arg4[%add3A_928, %dma_wait3A_955, %dma_wait3A_956] : memref<4096x50x128xf32, #tpu.memory_space<hbm>> -> memref<1x50x128xf32, #tpu.memory_space<hbm>>
        %dma_wait3A_958 = tpu.memref_squeeze %dma_wait3A_957 : memref<1x50x128xf32, #tpu.memory_space<hbm>> -> memref<50x128xf32, #tpu.memory_space<hbm>>
        %dma_wait3A_959 = tpu.memref_slice %arg8[%dma_wait3A_950] : memref<8x!tpu.dma_semaphore, #tpu.memory_space<semaphore_mem>> -> memref<1x!tpu.dma_semaphore, #tpu.memory_space<semaphore_mem>>
        %dma_wait3A_960 = tpu.memref_squeeze %dma_wait3A_959 : memref<1x!tpu.dma_semaphore, #tpu.memory_space<semaphore_mem>> -> memref<!tpu.dma_semaphore, #tpu.memory_space<semaphore_mem>>
        %dma_wait3A_961 = arith.constant 0 : i32
        %dma_wait3A_962 = arith.constant 0 : i32
        %dma_wait3A_963 = tpu.memref_slice %arg4[%add3A_928, %dma_wait3A_961, %dma_wait3A_962] : memref<4096x50x128xf32, #tpu.memory_space<hbm>> -> memref<1x50x128xf32, #tpu.memory_space<hbm>>
        %dma_wait3A_964 = tpu.memref_squeeze %dma_wait3A_963 : memref<1x50x128xf32, #tpu.memory_space<hbm>> -> memref<50x128xf32, #tpu.memory_space<hbm>>
        %dma_wait3A_965 = arith.constant 50 : i32
        %dma_wait3A_966 = arith.constant 0 : i32
        %dma_wait3A_967 = tpu.memref_slice %arg6[%dma_wait3A_949, %dma_wait3A_965, %dma_wait3A_966] : memref<8x100x128xf32, #tpu.memory_space<vmem>> -> memref<1x50x128xf32, #tpu.memory_space<vmem>>
        %dma_wait3A_968 = tpu.memref_squeeze %dma_wait3A_967 : memref<1x50x128xf32, #tpu.memory_space<vmem>> -> memref<50x128xf32, #tpu.memory_space<vmem>>
        tpu.wait_dma2 semaphore(%dma_wait3A_960 : memref<!tpu.dma_semaphore, #tpu.memory_space<semaphore_mem>>) src(%dma_wait3A_968 : memref<50x128xf32, #tpu.memory_space<vmem>>) dst(%dma_wait3A_964 : memref<50x128xf32, #tpu.memory_space<hbm>>)
      } else {
      }
      %add3A_270 = arith.constant 4 : i32
      %add3A_271 = arith.addi %add3A_264, %add3A_270 : i32
      %lt3A = arith.constant 64 : i32
      %lt3A_272 = arith.cmpi slt, %add3A_271, %lt3A : i32
      %convert_element_type3A_273 = arith.extui %lt3A_272 : i1 to i32
      %cond3A_274 = arith.constant 0 : i32
      %cond3A_275 = arith.cmpi ne, %convert_element_type3A_273, %cond3A_274 : i32
      scf.if %cond3A_275 {
        %add3A_915 = arith.constant 4 : i32
        %add3A_916 = arith.addi %add3A_264, %add3A_915 : i32
        %dma_start3A_917 = arith.constant 4 : i32
        %dma_start3A_918 = arith.constant 4 : i32
        %dma_start3A_919 = arith.constant 0 : i32
        %dma_start3A_920 = arith.constant 0 : i32
        %dma_start3A_921 = tpu.memref_slice %arg6[%dma_start3A_917, %dma_start3A_919, %dma_start3A_920] : memref<8x100x128xf32, #tpu.memory_space<vmem>> -> memref<1x100x128xf32, #tpu.memory_space<vmem>>
        %dma_start3A_922 = tpu.memref_squeeze %dma_start3A_921 : memref<1x100x128xf32, #tpu.memory_space<vmem>> -> memref<100x128xf32, #tpu.memory_space<vmem>>
        %dma_start3A_923 = arith.constant 0 : i32
        %dma_start3A_924 = tpu.memref_slice %arg5[%add3A_916, %dma_start3A_923] : memref<64x112xi32, #tpu.memory_space<vmem>> -> memref<1x100xi32, #tpu.memory_space<vmem>>
        %dma_start3A_925 = tpu.memref_squeeze %dma_start3A_924 : memref<1x100xi32, #tpu.memory_space<vmem>> -> memref<100xi32, #tpu.memory_space<vmem>>
        %dma_start3A_926 = arith.constant 0 : i32
        %dma_start3A_927 = arith.constant 0 : i32
        %dma_start3A_928 = tpu.memref_slice %arg2[%dma_start3A_926, %dma_start3A_927] : memref<8192x128xf32, #tpu.memory_space<hbm>> -> memref<8192x128xf32, #tpu.memory_space<hbm>>
        %dma_start3A_929 = tpu.memref_slice %arg7[%dma_start3A_918] : memref<8x!tpu.dma_semaphore, #tpu.memory_space<semaphore_mem>> -> memref<1x!tpu.dma_semaphore, #tpu.memory_space<semaphore_mem>>
        %dma_start3A_930 = tpu.memref_squeeze %dma_start3A_929 : memref<1x!tpu.dma_semaphore, #tpu.memory_space<semaphore_mem>> -> memref<!tpu.dma_semaphore, #tpu.memory_space<semaphore_mem>>
        tpu.enqueue_indirect_dma source(%dma_start3A_928 : memref<8192x128xf32, #tpu.memory_space<hbm>>) target(%dma_start3A_922 : memref<100x128xf32, #tpu.memory_space<vmem>>) offsets(%dma_start3A_925 : memref<100xi32, #tpu.memory_space<vmem>>) semaphore(%dma_start3A_930 : memref<!tpu.dma_semaphore, #tpu.memory_space<semaphore_mem>>)
      } else {
      }
      %dma_wait3A_276 = arith.constant 0 : i32
      %dma_wait3A_277 = arith.constant 0 : i32
      %dma_wait3A_278 = arith.constant 0 : i32
      %dma_wait3A_279 = arith.constant 0 : i32
      %dma_wait3A_280 = tpu.memref_slice %arg6[%dma_wait3A_276, %dma_wait3A_278, %dma_wait3A_279] : memref<8x100x128xf32, #tpu.memory_space<vmem>> -> memref<1x100x128xf32, #tpu.memory_space<vmem>>
      %dma_wait3A_281 = tpu.memref_squeeze %dma_wait3A_280 : memref<1x100x128xf32, #tpu.memory_space<vmem>> -> memref<100x128xf32, #tpu.memory_space<vmem>>
      %dma_wait3A_282 = arith.constant 0 : i32
      %dma_wait3A_283 = tpu.memref_slice %arg5[%add3A_264, %dma_wait3A_282] : memref<64x112xi32, #tpu.memory_space<vmem>> -> memref<1x100xi32, #tpu.memory_space<vmem>>
      %dma_wait3A_284 = tpu.memref_squeeze %dma_wait3A_283 : memref<1x100xi32, #tpu.memory_space<vmem>> -> memref<100xi32, #tpu.memory_space<vmem>>
      %dma_wait3A_285 = arith.constant 0 : i32
      %dma_wait3A_286 = arith.constant 0 : i32
      %dma_wait3A_287 = tpu.memref_slice %arg2[%dma_wait3A_285, %dma_wait3A_286] : memref<8192x128xf32, #tpu.memory_space<hbm>> -> memref<8192x128xf32, #tpu.memory_space<hbm>>
      %dma_wait3A_288 = tpu.memref_slice %arg7[%dma_wait3A_277] : memref<8x!tpu.dma_semaphore, #tpu.memory_space<semaphore_mem>> -> memref<1x!tpu.dma_semaphore, #tpu.memory_space<semaphore_mem>>
      %dma_wait3A_289 = tpu.memref_squeeze %dma_wait3A_288 : memref<1x!tpu.dma_semaphore, #tpu.memory_space<semaphore_mem>> -> memref<!tpu.dma_semaphore, #tpu.memory_space<semaphore_mem>>
      tpu.wait_indirect_dma semaphore(%dma_wait3A_289 : memref<!tpu.dma_semaphore, #tpu.memory_space<semaphore_mem>>) src(%dma_wait3A_287 : memref<8192x128xf32, #tpu.memory_space<hbm>>) dst(%dma_wait3A_281 : memref<100x128xf32, #tpu.memory_space<vmem>>)
      %mul3A_290 = arith.constant 2 : i32
      %mul3A_291 = arith.muli %add3A_264, %mul3A_290 : i32
      %add3A_292 = arith.addi %mul3A_2, %mul3A_291 : i32
      %add3A_293 = arith.constant 0 : i32
      %add3A_294 = arith.addi %add3A_292, %add3A_293 : i32
      %mul3A_295 = arith.constant 2 : i32
      %mul3A_296 = arith.muli %add3A_264, %mul3A_295 : i32
      %add3A_297 = arith.addi %mul3A_2, %mul3A_296 : i32
      %add3A_298 = arith.constant 1 : i32
      %add3A_299 = arith.addi %add3A_297, %add3A_298 : i32
      %dma_start3A_300 = arith.constant 0 : i32
      %dma_start3A_301 = arith.constant 0 : i32
      %dma_start3A_302 = arith.constant 0 : i32
      %dma_start3A_303 = arith.constant 0 : i32
      %dma_start3A_304 = tpu.memref_slice %arg6[%dma_start3A_300, %dma_start3A_302, %dma_start3A_303] : memref<8x100x128xf32, #tpu.memory_space<vmem>> -> memref<1x50x128xf32, #tpu.memory_space<vmem>>
      %dma_start3A_305 = tpu.memref_squeeze %dma_start3A_304 : memref<1x50x128xf32, #tpu.memory_space<vmem>> -> memref<50x128xf32, #tpu.memory_space<vmem>>
      %dma_start3A_306 = arith.constant 0 : i32
      %dma_start3A_307 = arith.constant 0 : i32
      %dma_start3A_308 = tpu.memref_slice %arg4[%add3A_294, %dma_start3A_306, %dma_start3A_307] : memref<4096x50x128xf32, #tpu.memory_space<hbm>> -> memref<1x50x128xf32, #tpu.memory_space<hbm>>
      %dma_start3A_309 = tpu.memref_squeeze %dma_start3A_308 : memref<1x50x128xf32, #tpu.memory_space<hbm>> -> memref<50x128xf32, #tpu.memory_space<hbm>>
      %dma_start3A_310 = tpu.memref_slice %arg8[%dma_start3A_301] : memref<8x!tpu.dma_semaphore, #tpu.memory_space<semaphore_mem>> -> memref<1x!tpu.dma_semaphore, #tpu.memory_space<semaphore_mem>>
      %dma_start3A_311 = tpu.memref_squeeze %dma_start3A_310 : memref<1x!tpu.dma_semaphore, #tpu.memory_space<semaphore_mem>> -> memref<!tpu.dma_semaphore, #tpu.memory_space<semaphore_mem>>
      %dma_start3A_312 = arith.constant 0 : i32
      %dma_start3A_313 = arith.constant 0 : i32
      %dma_start3A_314 = tpu.memref_slice %arg4[%add3A_294, %dma_start3A_312, %dma_start3A_313] : memref<4096x50x128xf32, #tpu.memory_space<hbm>> -> memref<1x50x128xf32, #tpu.memory_space<hbm>>
      %dma_start3A_315 = tpu.memref_squeeze %dma_start3A_314 : memref<1x50x128xf32, #tpu.memory_space<hbm>> -> memref<50x128xf32, #tpu.memory_space<hbm>>
      %dma_start3A_316 = arith.constant 0 : i32
      %dma_start3A_317 = arith.constant 0 : i32
      %dma_start3A_318 = tpu.memref_slice %arg6[%dma_start3A_300, %dma_start3A_316, %dma_start3A_317] : memref<8x100x128xf32, #tpu.memory_space<vmem>> -> memref<1x50x128xf32, #tpu.memory_space<vmem>>
      %dma_start3A_319 = tpu.memref_squeeze %dma_start3A_318 : memref<1x50x128xf32, #tpu.memory_space<vmem>> -> memref<50x128xf32, #tpu.memory_space<vmem>>
      tpu.enqueue_dma source(%dma_start3A_319 : memref<50x128xf32, #tpu.memory_space<vmem>>) target(%dma_start3A_315 : memref<50x128xf32, #tpu.memory_space<hbm>>) target_semaphore(%dma_start3A_311 : memref<!tpu.dma_semaphore, #tpu.memory_space<semaphore_mem>>)
      %dma_start3A_320 = arith.constant 0 : i32
      %dma_start3A_321 = arith.constant 0 : i32
      %dma_start3A_322 = arith.constant 50 : i32
      %dma_start3A_323 = arith.constant 0 : i32
      %dma_start3A_324 = tpu.memref_slice %arg6[%dma_start3A_320, %dma_start3A_322, %dma_start3A_323] : memref<8x100x128xf32, #tpu.memory_space<vmem>> -> memref<1x50x128xf32, #tpu.memory_space<vmem>>
      %dma_start3A_325 = tpu.memref_squeeze %dma_start3A_324 : memref<1x50x128xf32, #tpu.memory_space<vmem>> -> memref<50x128xf32, #tpu.memory_space<vmem>>
      %dma_start3A_326 = arith.constant 0 : i32
      %dma_start3A_327 = arith.constant 0 : i32
      %dma_start3A_328 = tpu.memref_slice %arg4[%add3A_299, %dma_start3A_326, %dma_start3A_327] : memref<4096x50x128xf32, #tpu.memory_space<hbm>> -> memref<1x50x128xf32, #tpu.memory_space<hbm>>
      %dma_start3A_329 = tpu.memref_squeeze %dma_start3A_328 : memref<1x50x128xf32, #tpu.memory_space<hbm>> -> memref<50x128xf32, #tpu.memory_space<hbm>>
      %dma_start3A_330 = tpu.memref_slice %arg8[%dma_start3A_321] : memref<8x!tpu.dma_semaphore, #tpu.memory_space<semaphore_mem>> -> memref<1x!tpu.dma_semaphore, #tpu.memory_space<semaphore_mem>>
      %dma_start3A_331 = tpu.memref_squeeze %dma_start3A_330 : memref<1x!tpu.dma_semaphore, #tpu.memory_space<semaphore_mem>> -> memref<!tpu.dma_semaphore, #tpu.memory_space<semaphore_mem>>
      %dma_start3A_332 = arith.constant 0 : i32
      %dma_start3A_333 = arith.constant 0 : i32
      %dma_start3A_334 = tpu.memref_slice %arg4[%add3A_299, %dma_start3A_332, %dma_start3A_333] : memref<4096x50x128xf32, #tpu.memory_space<hbm>> -> memref<1x50x128xf32, #tpu.memory_space<hbm>>
      %dma_start3A_335 = tpu.memref_squeeze %dma_start3A_334 : memref<1x50x128xf32, #tpu.memory_space<hbm>> -> memref<50x128xf32, #tpu.memory_space<hbm>>
      %dma_start3A_336 = arith.constant 50 : i32
      %dma_start3A_337 = arith.constant 0 : i32
      %dma_start3A_338 = tpu.memref_slice %arg6[%dma_start3A_320, %dma_start3A_336, %dma_start3A_337] : memref<8x100x128xf32, #tpu.memory_space<vmem>> -> memref<1x50x128xf32, #tpu.memory_space<vmem>>
      %dma_start3A_339 = tpu.memref_squeeze %dma_start3A_338 : memref<1x50x128xf32, #tpu.memory_space<vmem>> -> memref<50x128xf32, #tpu.memory_space<vmem>>
      tpu.enqueue_dma source(%dma_start3A_339 : memref<50x128xf32, #tpu.memory_space<vmem>>) target(%dma_start3A_335 : memref<50x128xf32, #tpu.memory_space<hbm>>) target_semaphore(%dma_start3A_331 : memref<!tpu.dma_semaphore, #tpu.memory_space<semaphore_mem>>)
      %add3A_340 = arith.constant 1 : i32
      %add3A_341 = arith.addi %mul3A_262, %add3A_340 : i32
      %add3A_342 = arith.constant 4 : i32
      %add3A_343 = arith.addi %add3A_341, %add3A_342 : i32
      %sub3A_344 = arith.constant 8 : i32
      %sub3A_345 = arith.subi %add3A_343, %sub3A_344 : i32
      %ge3A_346 = arith.constant 0 : i32
      %ge3A_347 = arith.cmpi sge, %sub3A_345, %ge3A_346 : i32
      %convert_element_type3A_348 = arith.extui %ge3A_347 : i1 to i32
      %cond3A_349 = arith.constant 0 : i32
      %cond3A_350 = arith.cmpi ne, %convert_element_type3A_348, %cond3A_349 : i32
      scf.if %cond3A_350 {
        %add3A_915 = arith.constant 4 : i32
        %add3A_916 = arith.addi %add3A_341, %add3A_915 : i32
        %sub3A_917 = arith.constant 8 : i32
        %sub3A_918 = arith.subi %add3A_916, %sub3A_917 : i32
        %mul3A_919 = arith.constant 2 : i32
        %mul3A_920 = arith.muli %sub3A_918, %mul3A_919 : i32
        %add3A_921 = arith.addi %mul3A_2, %mul3A_920 : i32
        %add3A_922 = arith.constant 0 : i32
        %add3A_923 = arith.addi %add3A_921, %add3A_922 : i32
        %mul3A_924 = arith.constant 2 : i32
        %mul3A_925 = arith.muli %sub3A_918, %mul3A_924 : i32
        %add3A_926 = arith.addi %mul3A_2, %mul3A_925 : i32
        %add3A_927 = arith.constant 1 : i32
        %add3A_928 = arith.addi %add3A_926, %add3A_927 : i32
        %dma_wait3A_929 = arith.constant 5 : i32
        %dma_wait3A_930 = arith.constant 5 : i32
        %dma_wait3A_931 = arith.constant 0 : i32
        %dma_wait3A_932 = arith.constant 0 : i32
        %dma_wait3A_933 = tpu.memref_slice %arg6[%dma_wait3A_929, %dma_wait3A_931, %dma_wait3A_932] : memref<8x100x128xf32, #tpu.memory_space<vmem>> -> memref<1x50x128xf32, #tpu.memory_space<vmem>>
        %dma_wait3A_934 = tpu.memref_squeeze %dma_wait3A_933 : memref<1x50x128xf32, #tpu.memory_space<vmem>> -> memref<50x128xf32, #tpu.memory_space<vmem>>
        %dma_wait3A_935 = arith.constant 0 : i32
        %dma_wait3A_936 = arith.constant 0 : i32
        %dma_wait3A_937 = tpu.memref_slice %arg4[%add3A_923, %dma_wait3A_935, %dma_wait3A_936] : memref<4096x50x128xf32, #tpu.memory_space<hbm>> -> memref<1x50x128xf32, #tpu.memory_space<hbm>>
        %dma_wait3A_938 = tpu.memref_squeeze %dma_wait3A_937 : memref<1x50x128xf32, #tpu.memory_space<hbm>> -> memref<50x128xf32, #tpu.memory_space<hbm>>
        %dma_wait3A_939 = tpu.memref_slice %arg8[%dma_wait3A_930] : memref<8x!tpu.dma_semaphore, #tpu.memory_space<semaphore_mem>> -> memref<1x!tpu.dma_semaphore, #tpu.memory_space<semaphore_mem>>
        %dma_wait3A_940 = tpu.memref_squeeze %dma_wait3A_939 : memref<1x!tpu.dma_semaphore, #tpu.memory_space<semaphore_mem>> -> memref<!tpu.dma_semaphore, #tpu.memory_space<semaphore_mem>>
        %dma_wait3A_941 = arith.constant 0 : i32
        %dma_wait3A_942 = arith.constant 0 : i32
        %dma_wait3A_943 = tpu.memref_slice %arg4[%add3A_923, %dma_wait3A_941, %dma_wait3A_942] : memref<4096x50x128xf32, #tpu.memory_space<hbm>> -> memref<1x50x128xf32, #tpu.memory_space<hbm>>
        %dma_wait3A_944 = tpu.memref_squeeze %dma_wait3A_943 : memref<1x50x128xf32, #tpu.memory_space<hbm>> -> memref<50x128xf32, #tpu.memory_space<hbm>>
        %dma_wait3A_945 = arith.constant 0 : i32
        %dma_wait3A_946 = arith.constant 0 : i32
        %dma_wait3A_947 = tpu.memref_slice %arg6[%dma_wait3A_929, %dma_wait3A_945, %dma_wait3A_946] : memref<8x100x128xf32, #tpu.memory_space<vmem>> -> memref<1x50x128xf32, #tpu.memory_space<vmem>>
        %dma_wait3A_948 = tpu.memref_squeeze %dma_wait3A_947 : memref<1x50x128xf32, #tpu.memory_space<vmem>> -> memref<50x128xf32, #tpu.memory_space<vmem>>
        tpu.wait_dma2 semaphore(%dma_wait3A_940 : memref<!tpu.dma_semaphore, #tpu.memory_space<semaphore_mem>>) src(%dma_wait3A_948 : memref<50x128xf32, #tpu.memory_space<vmem>>) dst(%dma_wait3A_944 : memref<50x128xf32, #tpu.memory_space<hbm>>)
        %dma_wait3A_949 = arith.constant 5 : i32
        %dma_wait3A_950 = arith.constant 5 : i32
        %dma_wait3A_951 = arith.constant 50 : i32
        %dma_wait3A_952 = arith.constant 0 : i32
        %dma_wait3A_953 = tpu.memref_slice %arg6[%dma_wait3A_949, %dma_wait3A_951, %dma_wait3A_952] : memref<8x100x128xf32, #tpu.memory_space<vmem>> -> memref<1x50x128xf32, #tpu.memory_space<vmem>>
        %dma_wait3A_954 = tpu.memref_squeeze %dma_wait3A_953 : memref<1x50x128xf32, #tpu.memory_space<vmem>> -> memref<50x128xf32, #tpu.memory_space<vmem>>
        %dma_wait3A_955 = arith.constant 0 : i32
        %dma_wait3A_956 = arith.constant 0 : i32
        %dma_wait3A_957 = tpu.memref_slice %arg4[%add3A_928, %dma_wait3A_955, %dma_wait3A_956] : memref<4096x50x128xf32, #tpu.memory_space<hbm>> -> memref<1x50x128xf32, #tpu.memory_space<hbm>>
        %dma_wait3A_958 = tpu.memref_squeeze %dma_wait3A_957 : memref<1x50x128xf32, #tpu.memory_space<hbm>> -> memref<50x128xf32, #tpu.memory_space<hbm>>
        %dma_wait3A_959 = tpu.memref_slice %arg8[%dma_wait3A_950] : memref<8x!tpu.dma_semaphore, #tpu.memory_space<semaphore_mem>> -> memref<1x!tpu.dma_semaphore, #tpu.memory_space<semaphore_mem>>
        %dma_wait3A_960 = tpu.memref_squeeze %dma_wait3A_959 : memref<1x!tpu.dma_semaphore, #tpu.memory_space<semaphore_mem>> -> memref<!tpu.dma_semaphore, #tpu.memory_space<semaphore_mem>>
        %dma_wait3A_961 = arith.constant 0 : i32
        %dma_wait3A_962 = arith.constant 0 : i32
        %dma_wait3A_963 = tpu.memref_slice %arg4[%add3A_928, %dma_wait3A_961, %dma_wait3A_962] : memref<4096x50x128xf32, #tpu.memory_space<hbm>> -> memref<1x50x128xf32, #tpu.memory_space<hbm>>
        %dma_wait3A_964 = tpu.memref_squeeze %dma_wait3A_963 : memref<1x50x128xf32, #tpu.memory_space<hbm>> -> memref<50x128xf32, #tpu.memory_space<hbm>>
        %dma_wait3A_965 = arith.constant 50 : i32
        %dma_wait3A_966 = arith.constant 0 : i32
        %dma_wait3A_967 = tpu.memref_slice %arg6[%dma_wait3A_949, %dma_wait3A_965, %dma_wait3A_966] : memref<8x100x128xf32, #tpu.memory_space<vmem>> -> memref<1x50x128xf32, #tpu.memory_space<vmem>>
        %dma_wait3A_968 = tpu.memref_squeeze %dma_wait3A_967 : memref<1x50x128xf32, #tpu.memory_space<vmem>> -> memref<50x128xf32, #tpu.memory_space<vmem>>
        tpu.wait_dma2 semaphore(%dma_wait3A_960 : memref<!tpu.dma_semaphore, #tpu.memory_space<semaphore_mem>>) src(%dma_wait3A_968 : memref<50x128xf32, #tpu.memory_space<vmem>>) dst(%dma_wait3A_964 : memref<50x128xf32, #tpu.memory_space<hbm>>)
      } else {
      }
      %add3A_351 = arith.constant 4 : i32
      %add3A_352 = arith.addi %add3A_341, %add3A_351 : i32
      %lt3A_353 = arith.constant 64 : i32
      %lt3A_354 = arith.cmpi slt, %add3A_352, %lt3A_353 : i32
      %convert_element_type3A_355 = arith.extui %lt3A_354 : i1 to i32
      %cond3A_356 = arith.constant 0 : i32
      %cond3A_357 = arith.cmpi ne, %convert_element_type3A_355, %cond3A_356 : i32
      scf.if %cond3A_357 {
        %add3A_915 = arith.constant 4 : i32
        %add3A_916 = arith.addi %add3A_341, %add3A_915 : i32
        %dma_start3A_917 = arith.constant 5 : i32
        %dma_start3A_918 = arith.constant 5 : i32
        %dma_start3A_919 = arith.constant 0 : i32
        %dma_start3A_920 = arith.constant 0 : i32
        %dma_start3A_921 = tpu.memref_slice %arg6[%dma_start3A_917, %dma_start3A_919, %dma_start3A_920] : memref<8x100x128xf32, #tpu.memory_space<vmem>> -> memref<1x100x128xf32, #tpu.memory_space<vmem>>
        %dma_start3A_922 = tpu.memref_squeeze %dma_start3A_921 : memref<1x100x128xf32, #tpu.memory_space<vmem>> -> memref<100x128xf32, #tpu.memory_space<vmem>>
        %dma_start3A_923 = arith.constant 0 : i32
        %dma_start3A_924 = tpu.memref_slice %arg5[%add3A_916, %dma_start3A_923] : memref<64x112xi32, #tpu.memory_space<vmem>> -> memref<1x100xi32, #tpu.memory_space<vmem>>
        %dma_start3A_925 = tpu.memref_squeeze %dma_start3A_924 : memref<1x100xi32, #tpu.memory_space<vmem>> -> memref<100xi32, #tpu.memory_space<vmem>>
        %dma_start3A_926 = arith.constant 0 : i32
        %dma_start3A_927 = arith.constant 0 : i32
        %dma_start3A_928 = tpu.memref_slice %arg2[%dma_start3A_926, %dma_start3A_927] : memref<8192x128xf32, #tpu.memory_space<hbm>> -> memref<8192x128xf32, #tpu.memory_space<hbm>>
        %dma_start3A_929 = tpu.memref_slice %arg7[%dma_start3A_918] : memref<8x!tpu.dma_semaphore, #tpu.memory_space<semaphore_mem>> -> memref<1x!tpu.dma_semaphore, #tpu.memory_space<semaphore_mem>>
        %dma_start3A_930 = tpu.memref_squeeze %dma_start3A_929 : memref<1x!tpu.dma_semaphore, #tpu.memory_space<semaphore_mem>> -> memref<!tpu.dma_semaphore, #tpu.memory_space<semaphore_mem>>
        tpu.enqueue_indirect_dma source(%dma_start3A_928 : memref<8192x128xf32, #tpu.memory_space<hbm>>) target(%dma_start3A_922 : memref<100x128xf32, #tpu.memory_space<vmem>>) offsets(%dma_start3A_925 : memref<100xi32, #tpu.memory_space<vmem>>) semaphore(%dma_start3A_930 : memref<!tpu.dma_semaphore, #tpu.memory_space<semaphore_mem>>)
      } else {
      }
      %dma_wait3A_358 = arith.constant 1 : i32
      %dma_wait3A_359 = arith.constant 1 : i32
      %dma_wait3A_360 = arith.constant 0 : i32
      %dma_wait3A_361 = arith.constant 0 : i32
      %dma_wait3A_362 = tpu.memref_slice %arg6[%dma_wait3A_358, %dma_wait3A_360, %dma_wait3A_361] : memref<8x100x128xf32, #tpu.memory_space<vmem>> -> memref<1x100x128xf32, #tpu.memory_space<vmem>>
      %dma_wait3A_363 = tpu.memref_squeeze %dma_wait3A_362 : memref<1x100x128xf32, #tpu.memory_space<vmem>> -> memref<100x128xf32, #tpu.memory_space<vmem>>
      %dma_wait3A_364 = arith.constant 0 : i32
      %dma_wait3A_365 = tpu.memref_slice %arg5[%add3A_341, %dma_wait3A_364] : memref<64x112xi32, #tpu.memory_space<vmem>> -> memref<1x100xi32, #tpu.memory_space<vmem>>
      %dma_wait3A_366 = tpu.memref_squeeze %dma_wait3A_365 : memref<1x100xi32, #tpu.memory_space<vmem>> -> memref<100xi32, #tpu.memory_space<vmem>>
      %dma_wait3A_367 = arith.constant 0 : i32
      %dma_wait3A_368 = arith.constant 0 : i32
      %dma_wait3A_369 = tpu.memref_slice %arg2[%dma_wait3A_367, %dma_wait3A_368] : memref<8192x128xf32, #tpu.memory_space<hbm>> -> memref<8192x128xf32, #tpu.memory_space<hbm>>
      %dma_wait3A_370 = tpu.memref_slice %arg7[%dma_wait3A_359] : memref<8x!tpu.dma_semaphore, #tpu.memory_space<semaphore_mem>> -> memref<1x!tpu.dma_semaphore, #tpu.memory_space<semaphore_mem>>
      %dma_wait3A_371 = tpu.memref_squeeze %dma_wait3A_370 : memref<1x!tpu.dma_semaphore, #tpu.memory_space<semaphore_mem>> -> memref<!tpu.dma_semaphore, #tpu.memory_space<semaphore_mem>>
      tpu.wait_indirect_dma semaphore(%dma_wait3A_371 : memref<!tpu.dma_semaphore, #tpu.memory_space<semaphore_mem>>) src(%dma_wait3A_369 : memref<8192x128xf32, #tpu.memory_space<hbm>>) dst(%dma_wait3A_363 : memref<100x128xf32, #tpu.memory_space<vmem>>)
      %mul3A_372 = arith.constant 2 : i32
      %mul3A_373 = arith.muli %add3A_341, %mul3A_372 : i32
      %add3A_374 = arith.addi %mul3A_2, %mul3A_373 : i32
      %add3A_375 = arith.constant 0 : i32
      %add3A_376 = arith.addi %add3A_374, %add3A_375 : i32
      %mul3A_377 = arith.constant 2 : i32
      %mul3A_378 = arith.muli %add3A_341, %mul3A_377 : i32
      %add3A_379 = arith.addi %mul3A_2, %mul3A_378 : i32
      %add3A_380 = arith.constant 1 : i32
      %add3A_381 = arith.addi %add3A_379, %add3A_380 : i32
      %dma_start3A_382 = arith.constant 1 : i32
      %dma_start3A_383 = arith.constant 1 : i32
      %dma_start3A_384 = arith.constant 0 : i32
      %dma_start3A_385 = arith.constant 0 : i32
      %dma_start3A_386 = tpu.memref_slice %arg6[%dma_start3A_382, %dma_start3A_384, %dma_start3A_385] : memref<8x100x128xf32, #tpu.memory_space<vmem>> -> memref<1x50x128xf32, #tpu.memory_space<vmem>>
      %dma_start3A_387 = tpu.memref_squeeze %dma_start3A_386 : memref<1x50x128xf32, #tpu.memory_space<vmem>> -> memref<50x128xf32, #tpu.memory_space<vmem>>
      %dma_start3A_388 = arith.constant 0 : i32
      %dma_start3A_389 = arith.constant 0 : i32
      %dma_start3A_390 = tpu.memref_slice %arg4[%add3A_376, %dma_start3A_388, %dma_start3A_389] : memref<4096x50x128xf32, #tpu.memory_space<hbm>> -> memref<1x50x128xf32, #tpu.memory_space<hbm>>
      %dma_start3A_391 = tpu.memref_squeeze %dma_start3A_390 : memref<1x50x128xf32, #tpu.memory_space<hbm>> -> memref<50x128xf32, #tpu.memory_space<hbm>>
      %dma_start3A_392 = tpu.memref_slice %arg8[%dma_start3A_383] : memref<8x!tpu.dma_semaphore, #tpu.memory_space<semaphore_mem>> -> memref<1x!tpu.dma_semaphore, #tpu.memory_space<semaphore_mem>>
      %dma_start3A_393 = tpu.memref_squeeze %dma_start3A_392 : memref<1x!tpu.dma_semaphore, #tpu.memory_space<semaphore_mem>> -> memref<!tpu.dma_semaphore, #tpu.memory_space<semaphore_mem>>
      %dma_start3A_394 = arith.constant 0 : i32
      %dma_start3A_395 = arith.constant 0 : i32
      %dma_start3A_396 = tpu.memref_slice %arg4[%add3A_376, %dma_start3A_394, %dma_start3A_395] : memref<4096x50x128xf32, #tpu.memory_space<hbm>> -> memref<1x50x128xf32, #tpu.memory_space<hbm>>
      %dma_start3A_397 = tpu.memref_squeeze %dma_start3A_396 : memref<1x50x128xf32, #tpu.memory_space<hbm>> -> memref<50x128xf32, #tpu.memory_space<hbm>>
      %dma_start3A_398 = arith.constant 0 : i32
      %dma_start3A_399 = arith.constant 0 : i32
      %dma_start3A_400 = tpu.memref_slice %arg6[%dma_start3A_382, %dma_start3A_398, %dma_start3A_399] : memref<8x100x128xf32, #tpu.memory_space<vmem>> -> memref<1x50x128xf32, #tpu.memory_space<vmem>>
      %dma_start3A_401 = tpu.memref_squeeze %dma_start3A_400 : memref<1x50x128xf32, #tpu.memory_space<vmem>> -> memref<50x128xf32, #tpu.memory_space<vmem>>
      tpu.enqueue_dma source(%dma_start3A_401 : memref<50x128xf32, #tpu.memory_space<vmem>>) target(%dma_start3A_397 : memref<50x128xf32, #tpu.memory_space<hbm>>) target_semaphore(%dma_start3A_393 : memref<!tpu.dma_semaphore, #tpu.memory_space<semaphore_mem>>)
      %dma_start3A_402 = arith.constant 1 : i32
      %dma_start3A_403 = arith.constant 1 : i32
      %dma_start3A_404 = arith.constant 50 : i32
      %dma_start3A_405 = arith.constant 0 : i32
      %dma_start3A_406 = tpu.memref_slice %arg6[%dma_start3A_402, %dma_start3A_404, %dma_start3A_405] : memref<8x100x128xf32, #tpu.memory_space<vmem>> -> memref<1x50x128xf32, #tpu.memory_space<vmem>>
      %dma_start3A_407 = tpu.memref_squeeze %dma_start3A_406 : memref<1x50x128xf32, #tpu.memory_space<vmem>> -> memref<50x128xf32, #tpu.memory_space<vmem>>
      %dma_start3A_408 = arith.constant 0 : i32
      %dma_start3A_409 = arith.constant 0 : i32
      %dma_start3A_410 = tpu.memref_slice %arg4[%add3A_381, %dma_start3A_408, %dma_start3A_409] : memref<4096x50x128xf32, #tpu.memory_space<hbm>> -> memref<1x50x128xf32, #tpu.memory_space<hbm>>
      %dma_start3A_411 = tpu.memref_squeeze %dma_start3A_410 : memref<1x50x128xf32, #tpu.memory_space<hbm>> -> memref<50x128xf32, #tpu.memory_space<hbm>>
      %dma_start3A_412 = tpu.memref_slice %arg8[%dma_start3A_403] : memref<8x!tpu.dma_semaphore, #tpu.memory_space<semaphore_mem>> -> memref<1x!tpu.dma_semaphore, #tpu.memory_space<semaphore_mem>>
      %dma_start3A_413 = tpu.memref_squeeze %dma_start3A_412 : memref<1x!tpu.dma_semaphore, #tpu.memory_space<semaphore_mem>> -> memref<!tpu.dma_semaphore, #tpu.memory_space<semaphore_mem>>
      %dma_start3A_414 = arith.constant 0 : i32
      %dma_start3A_415 = arith.constant 0 : i32
      %dma_start3A_416 = tpu.memref_slice %arg4[%add3A_381, %dma_start3A_414, %dma_start3A_415] : memref<4096x50x128xf32, #tpu.memory_space<hbm>> -> memref<1x50x128xf32, #tpu.memory_space<hbm>>
      %dma_start3A_417 = tpu.memref_squeeze %dma_start3A_416 : memref<1x50x128xf32, #tpu.memory_space<hbm>> -> memref<50x128xf32, #tpu.memory_space<hbm>>
      %dma_start3A_418 = arith.constant 50 : i32
      %dma_start3A_419 = arith.constant 0 : i32
      %dma_start3A_420 = tpu.memref_slice %arg6[%dma_start3A_402, %dma_start3A_418, %dma_start3A_419] : memref<8x100x128xf32, #tpu.memory_space<vmem>> -> memref<1x50x128xf32, #tpu.memory_space<vmem>>
      %dma_start3A_421 = tpu.memref_squeeze %dma_start3A_420 : memref<1x50x128xf32, #tpu.memory_space<vmem>> -> memref<50x128xf32, #tpu.memory_space<vmem>>
      tpu.enqueue_dma source(%dma_start3A_421 : memref<50x128xf32, #tpu.memory_space<vmem>>) target(%dma_start3A_417 : memref<50x128xf32, #tpu.memory_space<hbm>>) target_semaphore(%dma_start3A_413 : memref<!tpu.dma_semaphore, #tpu.memory_space<semaphore_mem>>)
      %add3A_422 = arith.constant 2 : i32
      %add3A_423 = arith.addi %mul3A_262, %add3A_422 : i32
      %add3A_424 = arith.constant 4 : i32
      %add3A_425 = arith.addi %add3A_423, %add3A_424 : i32
      %sub3A_426 = arith.constant 8 : i32
      %sub3A_427 = arith.subi %add3A_425, %sub3A_426 : i32
      %ge3A_428 = arith.constant 0 : i32
      %ge3A_429 = arith.cmpi sge, %sub3A_427, %ge3A_428 : i32
      %convert_element_type3A_430 = arith.extui %ge3A_429 : i1 to i32
      %cond3A_431 = arith.constant 0 : i32
      %cond3A_432 = arith.cmpi ne, %convert_element_type3A_430, %cond3A_431 : i32
      scf.if %cond3A_432 {
        %add3A_915 = arith.constant 4 : i32
        %add3A_916 = arith.addi %add3A_423, %add3A_915 : i32
        %sub3A_917 = arith.constant 8 : i32
        %sub3A_918 = arith.subi %add3A_916, %sub3A_917 : i32
        %mul3A_919 = arith.constant 2 : i32
        %mul3A_920 = arith.muli %sub3A_918, %mul3A_919 : i32
        %add3A_921 = arith.addi %mul3A_2, %mul3A_920 : i32
        %add3A_922 = arith.constant 0 : i32
        %add3A_923 = arith.addi %add3A_921, %add3A_922 : i32
        %mul3A_924 = arith.constant 2 : i32
        %mul3A_925 = arith.muli %sub3A_918, %mul3A_924 : i32
        %add3A_926 = arith.addi %mul3A_2, %mul3A_925 : i32
        %add3A_927 = arith.constant 1 : i32
        %add3A_928 = arith.addi %add3A_926, %add3A_927 : i32
        %dma_wait3A_929 = arith.constant 6 : i32
        %dma_wait3A_930 = arith.constant 6 : i32
        %dma_wait3A_931 = arith.constant 0 : i32
        %dma_wait3A_932 = arith.constant 0 : i32
        %dma_wait3A_933 = tpu.memref_slice %arg6[%dma_wait3A_929, %dma_wait3A_931, %dma_wait3A_932] : memref<8x100x128xf32, #tpu.memory_space<vmem>> -> memref<1x50x128xf32, #tpu.memory_space<vmem>>
        %dma_wait3A_934 = tpu.memref_squeeze %dma_wait3A_933 : memref<1x50x128xf32, #tpu.memory_space<vmem>> -> memref<50x128xf32, #tpu.memory_space<vmem>>
        %dma_wait3A_935 = arith.constant 0 : i32
        %dma_wait3A_936 = arith.constant 0 : i32
        %dma_wait3A_937 = tpu.memref_slice %arg4[%add3A_923, %dma_wait3A_935, %dma_wait3A_936] : memref<4096x50x128xf32, #tpu.memory_space<hbm>> -> memref<1x50x128xf32, #tpu.memory_space<hbm>>
        %dma_wait3A_938 = tpu.memref_squeeze %dma_wait3A_937 : memref<1x50x128xf32, #tpu.memory_space<hbm>> -> memref<50x128xf32, #tpu.memory_space<hbm>>
        %dma_wait3A_939 = tpu.memref_slice %arg8[%dma_wait3A_930] : memref<8x!tpu.dma_semaphore, #tpu.memory_space<semaphore_mem>> -> memref<1x!tpu.dma_semaphore, #tpu.memory_space<semaphore_mem>>
        %dma_wait3A_940 = tpu.memref_squeeze %dma_wait3A_939 : memref<1x!tpu.dma_semaphore, #tpu.memory_space<semaphore_mem>> -> memref<!tpu.dma_semaphore, #tpu.memory_space<semaphore_mem>>
        %dma_wait3A_941 = arith.constant 0 : i32
        %dma_wait3A_942 = arith.constant 0 : i32
        %dma_wait3A_943 = tpu.memref_slice %arg4[%add3A_923, %dma_wait3A_941, %dma_wait3A_942] : memref<4096x50x128xf32, #tpu.memory_space<hbm>> -> memref<1x50x128xf32, #tpu.memory_space<hbm>>
        %dma_wait3A_944 = tpu.memref_squeeze %dma_wait3A_943 : memref<1x50x128xf32, #tpu.memory_space<hbm>> -> memref<50x128xf32, #tpu.memory_space<hbm>>
        %dma_wait3A_945 = arith.constant 0 : i32
        %dma_wait3A_946 = arith.constant 0 : i32
        %dma_wait3A_947 = tpu.memref_slice %arg6[%dma_wait3A_929, %dma_wait3A_945, %dma_wait3A_946] : memref<8x100x128xf32, #tpu.memory_space<vmem>> -> memref<1x50x128xf32, #tpu.memory_space<vmem>>
        %dma_wait3A_948 = tpu.memref_squeeze %dma_wait3A_947 : memref<1x50x128xf32, #tpu.memory_space<vmem>> -> memref<50x128xf32, #tpu.memory_space<vmem>>
        tpu.wait_dma2 semaphore(%dma_wait3A_940 : memref<!tpu.dma_semaphore, #tpu.memory_space<semaphore_mem>>) src(%dma_wait3A_948 : memref<50x128xf32, #tpu.memory_space<vmem>>) dst(%dma_wait3A_944 : memref<50x128xf32, #tpu.memory_space<hbm>>)
        %dma_wait3A_949 = arith.constant 6 : i32
        %dma_wait3A_950 = arith.constant 6 : i32
        %dma_wait3A_951 = arith.constant 50 : i32
        %dma_wait3A_952 = arith.constant 0 : i32
        %dma_wait3A_953 = tpu.memref_slice %arg6[%dma_wait3A_949, %dma_wait3A_951, %dma_wait3A_952] : memref<8x100x128xf32, #tpu.memory_space<vmem>> -> memref<1x50x128xf32, #tpu.memory_space<vmem>>
        %dma_wait3A_954 = tpu.memref_squeeze %dma_wait3A_953 : memref<1x50x128xf32, #tpu.memory_space<vmem>> -> memref<50x128xf32, #tpu.memory_space<vmem>>
        %dma_wait3A_955 = arith.constant 0 : i32
        %dma_wait3A_956 = arith.constant 0 : i32
        %dma_wait3A_957 = tpu.memref_slice %arg4[%add3A_928, %dma_wait3A_955, %dma_wait3A_956] : memref<4096x50x128xf32, #tpu.memory_space<hbm>> -> memref<1x50x128xf32, #tpu.memory_space<hbm>>
        %dma_wait3A_958 = tpu.memref_squeeze %dma_wait3A_957 : memref<1x50x128xf32, #tpu.memory_space<hbm>> -> memref<50x128xf32, #tpu.memory_space<hbm>>
        %dma_wait3A_959 = tpu.memref_slice %arg8[%dma_wait3A_950] : memref<8x!tpu.dma_semaphore, #tpu.memory_space<semaphore_mem>> -> memref<1x!tpu.dma_semaphore, #tpu.memory_space<semaphore_mem>>
        %dma_wait3A_960 = tpu.memref_squeeze %dma_wait3A_959 : memref<1x!tpu.dma_semaphore, #tpu.memory_space<semaphore_mem>> -> memref<!tpu.dma_semaphore, #tpu.memory_space<semaphore_mem>>
        %dma_wait3A_961 = arith.constant 0 : i32
        %dma_wait3A_962 = arith.constant 0 : i32
        %dma_wait3A_963 = tpu.memref_slice %arg4[%add3A_928, %dma_wait3A_961, %dma_wait3A_962] : memref<4096x50x128xf32, #tpu.memory_space<hbm>> -> memref<1x50x128xf32, #tpu.memory_space<hbm>>
        %dma_wait3A_964 = tpu.memref_squeeze %dma_wait3A_963 : memref<1x50x128xf32, #tpu.memory_space<hbm>> -> memref<50x128xf32, #tpu.memory_space<hbm>>
        %dma_wait3A_965 = arith.constant 50 : i32
        %dma_wait3A_966 = arith.constant 0 : i32
        %dma_wait3A_967 = tpu.memref_slice %arg6[%dma_wait3A_949, %dma_wait3A_965, %dma_wait3A_966] : memref<8x100x128xf32, #tpu.memory_space<vmem>> -> memref<1x50x128xf32, #tpu.memory_space<vmem>>
        %dma_wait3A_968 = tpu.memref_squeeze %dma_wait3A_967 : memref<1x50x128xf32, #tpu.memory_space<vmem>> -> memref<50x128xf32, #tpu.memory_space<vmem>>
        tpu.wait_dma2 semaphore(%dma_wait3A_960 : memref<!tpu.dma_semaphore, #tpu.memory_space<semaphore_mem>>) src(%dma_wait3A_968 : memref<50x128xf32, #tpu.memory_space<vmem>>) dst(%dma_wait3A_964 : memref<50x128xf32, #tpu.memory_space<hbm>>)
      } else {
      }
      %add3A_433 = arith.constant 4 : i32
      %add3A_434 = arith.addi %add3A_423, %add3A_433 : i32
      %lt3A_435 = arith.constant 64 : i32
      %lt3A_436 = arith.cmpi slt, %add3A_434, %lt3A_435 : i32
      %convert_element_type3A_437 = arith.extui %lt3A_436 : i1 to i32
      %cond3A_438 = arith.constant 0 : i32
      %cond3A_439 = arith.cmpi ne, %convert_element_type3A_437, %cond3A_438 : i32
      scf.if %cond3A_439 {
        %add3A_915 = arith.constant 4 : i32
        %add3A_916 = arith.addi %add3A_423, %add3A_915 : i32
        %dma_start3A_917 = arith.constant 6 : i32
        %dma_start3A_918 = arith.constant 6 : i32
        %dma_start3A_919 = arith.constant 0 : i32
        %dma_start3A_920 = arith.constant 0 : i32
        %dma_start3A_921 = tpu.memref_slice %arg6[%dma_start3A_917, %dma_start3A_919, %dma_start3A_920] : memref<8x100x128xf32, #tpu.memory_space<vmem>> -> memref<1x100x128xf32, #tpu.memory_space<vmem>>
        %dma_start3A_922 = tpu.memref_squeeze %dma_start3A_921 : memref<1x100x128xf32, #tpu.memory_space<vmem>> -> memref<100x128xf32, #tpu.memory_space<vmem>>
        %dma_start3A_923 = arith.constant 0 : i32
        %dma_start3A_924 = tpu.memref_slice %arg5[%add3A_916, %dma_start3A_923] : memref<64x112xi32, #tpu.memory_space<vmem>> -> memref<1x100xi32, #tpu.memory_space<vmem>>
        %dma_start3A_925 = tpu.memref_squeeze %dma_start3A_924 : memref<1x100xi32, #tpu.memory_space<vmem>> -> memref<100xi32, #tpu.memory_space<vmem>>
        %dma_start3A_926 = arith.constant 0 : i32
        %dma_start3A_927 = arith.constant 0 : i32
        %dma_start3A_928 = tpu.memref_slice %arg2[%dma_start3A_926, %dma_start3A_927] : memref<8192x128xf32, #tpu.memory_space<hbm>> -> memref<8192x128xf32, #tpu.memory_space<hbm>>
        %dma_start3A_929 = tpu.memref_slice %arg7[%dma_start3A_918] : memref<8x!tpu.dma_semaphore, #tpu.memory_space<semaphore_mem>> -> memref<1x!tpu.dma_semaphore, #tpu.memory_space<semaphore_mem>>
        %dma_start3A_930 = tpu.memref_squeeze %dma_start3A_929 : memref<1x!tpu.dma_semaphore, #tpu.memory_space<semaphore_mem>> -> memref<!tpu.dma_semaphore, #tpu.memory_space<semaphore_mem>>
        tpu.enqueue_indirect_dma source(%dma_start3A_928 : memref<8192x128xf32, #tpu.memory_space<hbm>>) target(%dma_start3A_922 : memref<100x128xf32, #tpu.memory_space<vmem>>) offsets(%dma_start3A_925 : memref<100xi32, #tpu.memory_space<vmem>>) semaphore(%dma_start3A_930 : memref<!tpu.dma_semaphore, #tpu.memory_space<semaphore_mem>>)
      } else {
      }
      %dma_wait3A_440 = arith.constant 2 : i32
      %dma_wait3A_441 = arith.constant 2 : i32
      %dma_wait3A_442 = arith.constant 0 : i32
      %dma_wait3A_443 = arith.constant 0 : i32
      %dma_wait3A_444 = tpu.memref_slice %arg6[%dma_wait3A_440, %dma_wait3A_442, %dma_wait3A_443] : memref<8x100x128xf32, #tpu.memory_space<vmem>> -> memref<1x100x128xf32, #tpu.memory_space<vmem>>
      %dma_wait3A_445 = tpu.memref_squeeze %dma_wait3A_444 : memref<1x100x128xf32, #tpu.memory_space<vmem>> -> memref<100x128xf32, #tpu.memory_space<vmem>>
      %dma_wait3A_446 = arith.constant 0 : i32
      %dma_wait3A_447 = tpu.memref_slice %arg5[%add3A_423, %dma_wait3A_446] : memref<64x112xi32, #tpu.memory_space<vmem>> -> memref<1x100xi32, #tpu.memory_space<vmem>>
      %dma_wait3A_448 = tpu.memref_squeeze %dma_wait3A_447 : memref<1x100xi32, #tpu.memory_space<vmem>> -> memref<100xi32, #tpu.memory_space<vmem>>
      %dma_wait3A_449 = arith.constant 0 : i32
      %dma_wait3A_450 = arith.constant 0 : i32
      %dma_wait3A_451 = tpu.memref_slice %arg2[%dma_wait3A_449, %dma_wait3A_450] : memref<8192x128xf32, #tpu.memory_space<hbm>> -> memref<8192x128xf32, #tpu.memory_space<hbm>>
      %dma_wait3A_452 = tpu.memref_slice %arg7[%dma_wait3A_441] : memref<8x!tpu.dma_semaphore, #tpu.memory_space<semaphore_mem>> -> memref<1x!tpu.dma_semaphore, #tpu.memory_space<semaphore_mem>>
      %dma_wait3A_453 = tpu.memref_squeeze %dma_wait3A_452 : memref<1x!tpu.dma_semaphore, #tpu.memory_space<semaphore_mem>> -> memref<!tpu.dma_semaphore, #tpu.memory_space<semaphore_mem>>
      tpu.wait_indirect_dma semaphore(%dma_wait3A_453 : memref<!tpu.dma_semaphore, #tpu.memory_space<semaphore_mem>>) src(%dma_wait3A_451 : memref<8192x128xf32, #tpu.memory_space<hbm>>) dst(%dma_wait3A_445 : memref<100x128xf32, #tpu.memory_space<vmem>>)
      %mul3A_454 = arith.constant 2 : i32
      %mul3A_455 = arith.muli %add3A_423, %mul3A_454 : i32
      %add3A_456 = arith.addi %mul3A_2, %mul3A_455 : i32
      %add3A_457 = arith.constant 0 : i32
      %add3A_458 = arith.addi %add3A_456, %add3A_457 : i32
      %mul3A_459 = arith.constant 2 : i32
      %mul3A_460 = arith.muli %add3A_423, %mul3A_459 : i32
      %add3A_461 = arith.addi %mul3A_2, %mul3A_460 : i32
      %add3A_462 = arith.constant 1 : i32
      %add3A_463 = arith.addi %add3A_461, %add3A_462 : i32
      %dma_start3A_464 = arith.constant 2 : i32
      %dma_start3A_465 = arith.constant 2 : i32
      %dma_start3A_466 = arith.constant 0 : i32
      %dma_start3A_467 = arith.constant 0 : i32
      %dma_start3A_468 = tpu.memref_slice %arg6[%dma_start3A_464, %dma_start3A_466, %dma_start3A_467] : memref<8x100x128xf32, #tpu.memory_space<vmem>> -> memref<1x50x128xf32, #tpu.memory_space<vmem>>
      %dma_start3A_469 = tpu.memref_squeeze %dma_start3A_468 : memref<1x50x128xf32, #tpu.memory_space<vmem>> -> memref<50x128xf32, #tpu.memory_space<vmem>>
      %dma_start3A_470 = arith.constant 0 : i32
      %dma_start3A_471 = arith.constant 0 : i32
      %dma_start3A_472 = tpu.memref_slice %arg4[%add3A_458, %dma_start3A_470, %dma_start3A_471] : memref<4096x50x128xf32, #tpu.memory_space<hbm>> -> memref<1x50x128xf32, #tpu.memory_space<hbm>>
      %dma_start3A_473 = tpu.memref_squeeze %dma_start3A_472 : memref<1x50x128xf32, #tpu.memory_space<hbm>> -> memref<50x128xf32, #tpu.memory_space<hbm>>
      %dma_start3A_474 = tpu.memref_slice %arg8[%dma_start3A_465] : memref<8x!tpu.dma_semaphore, #tpu.memory_space<semaphore_mem>> -> memref<1x!tpu.dma_semaphore, #tpu.memory_space<semaphore_mem>>
      %dma_start3A_475 = tpu.memref_squeeze %dma_start3A_474 : memref<1x!tpu.dma_semaphore, #tpu.memory_space<semaphore_mem>> -> memref<!tpu.dma_semaphore, #tpu.memory_space<semaphore_mem>>
      %dma_start3A_476 = arith.constant 0 : i32
      %dma_start3A_477 = arith.constant 0 : i32
      %dma_start3A_478 = tpu.memref_slice %arg4[%add3A_458, %dma_start3A_476, %dma_start3A_477] : memref<4096x50x128xf32, #tpu.memory_space<hbm>> -> memref<1x50x128xf32, #tpu.memory_space<hbm>>
      %dma_start3A_479 = tpu.memref_squeeze %dma_start3A_478 : memref<1x50x128xf32, #tpu.memory_space<hbm>> -> memref<50x128xf32, #tpu.memory_space<hbm>>
      %dma_start3A_480 = arith.constant 0 : i32
      %dma_start3A_481 = arith.constant 0 : i32
      %dma_start3A_482 = tpu.memref_slice %arg6[%dma_start3A_464, %dma_start3A_480, %dma_start3A_481] : memref<8x100x128xf32, #tpu.memory_space<vmem>> -> memref<1x50x128xf32, #tpu.memory_space<vmem>>
      %dma_start3A_483 = tpu.memref_squeeze %dma_start3A_482 : memref<1x50x128xf32, #tpu.memory_space<vmem>> -> memref<50x128xf32, #tpu.memory_space<vmem>>
      tpu.enqueue_dma source(%dma_start3A_483 : memref<50x128xf32, #tpu.memory_space<vmem>>) target(%dma_start3A_479 : memref<50x128xf32, #tpu.memory_space<hbm>>) target_semaphore(%dma_start3A_475 : memref<!tpu.dma_semaphore, #tpu.memory_space<semaphore_mem>>)
      %dma_start3A_484 = arith.constant 2 : i32
      %dma_start3A_485 = arith.constant 2 : i32
      %dma_start3A_486 = arith.constant 50 : i32
      %dma_start3A_487 = arith.constant 0 : i32
      %dma_start3A_488 = tpu.memref_slice %arg6[%dma_start3A_484, %dma_start3A_486, %dma_start3A_487] : memref<8x100x128xf32, #tpu.memory_space<vmem>> -> memref<1x50x128xf32, #tpu.memory_space<vmem>>
      %dma_start3A_489 = tpu.memref_squeeze %dma_start3A_488 : memref<1x50x128xf32, #tpu.memory_space<vmem>> -> memref<50x128xf32, #tpu.memory_space<vmem>>
      %dma_start3A_490 = arith.constant 0 : i32
      %dma_start3A_491 = arith.constant 0 : i32
      %dma_start3A_492 = tpu.memref_slice %arg4[%add3A_463, %dma_start3A_490, %dma_start3A_491] : memref<4096x50x128xf32, #tpu.memory_space<hbm>> -> memref<1x50x128xf32, #tpu.memory_space<hbm>>
      %dma_start3A_493 = tpu.memref_squeeze %dma_start3A_492 : memref<1x50x128xf32, #tpu.memory_space<hbm>> -> memref<50x128xf32, #tpu.memory_space<hbm>>
      %dma_start3A_494 = tpu.memref_slice %arg8[%dma_start3A_485] : memref<8x!tpu.dma_semaphore, #tpu.memory_space<semaphore_mem>> -> memref<1x!tpu.dma_semaphore, #tpu.memory_space<semaphore_mem>>
      %dma_start3A_495 = tpu.memref_squeeze %dma_start3A_494 : memref<1x!tpu.dma_semaphore, #tpu.memory_space<semaphore_mem>> -> memref<!tpu.dma_semaphore, #tpu.memory_space<semaphore_mem>>
      %dma_start3A_496 = arith.constant 0 : i32
      %dma_start3A_497 = arith.constant 0 : i32
      %dma_start3A_498 = tpu.memref_slice %arg4[%add3A_463, %dma_start3A_496, %dma_start3A_497] : memref<4096x50x128xf32, #tpu.memory_space<hbm>> -> memref<1x50x128xf32, #tpu.memory_space<hbm>>
      %dma_start3A_499 = tpu.memref_squeeze %dma_start3A_498 : memref<1x50x128xf32, #tpu.memory_space<hbm>> -> memref<50x128xf32, #tpu.memory_space<hbm>>
      %dma_start3A_500 = arith.constant 50 : i32
      %dma_start3A_501 = arith.constant 0 : i32
      %dma_start3A_502 = tpu.memref_slice %arg6[%dma_start3A_484, %dma_start3A_500, %dma_start3A_501] : memref<8x100x128xf32, #tpu.memory_space<vmem>> -> memref<1x50x128xf32, #tpu.memory_space<vmem>>
      %dma_start3A_503 = tpu.memref_squeeze %dma_start3A_502 : memref<1x50x128xf32, #tpu.memory_space<vmem>> -> memref<50x128xf32, #tpu.memory_space<vmem>>
      tpu.enqueue_dma source(%dma_start3A_503 : memref<50x128xf32, #tpu.memory_space<vmem>>) target(%dma_start3A_499 : memref<50x128xf32, #tpu.memory_space<hbm>>) target_semaphore(%dma_start3A_495 : memref<!tpu.dma_semaphore, #tpu.memory_space<semaphore_mem>>)
      %add3A_504 = arith.constant 3 : i32
      %add3A_505 = arith.addi %mul3A_262, %add3A_504 : i32
      %add3A_506 = arith.constant 4 : i32
      %add3A_507 = arith.addi %add3A_505, %add3A_506 : i32
      %sub3A_508 = arith.constant 8 : i32
      %sub3A_509 = arith.subi %add3A_507, %sub3A_508 : i32
      %ge3A_510 = arith.constant 0 : i32
      %ge3A_511 = arith.cmpi sge, %sub3A_509, %ge3A_510 : i32
      %convert_element_type3A_512 = arith.extui %ge3A_511 : i1 to i32
      %cond3A_513 = arith.constant 0 : i32
      %cond3A_514 = arith.cmpi ne, %convert_element_type3A_512, %cond3A_513 : i32
      scf.if %cond3A_514 {
        %add3A_915 = arith.constant 4 : i32
        %add3A_916 = arith.addi %add3A_505, %add3A_915 : i32
        %sub3A_917 = arith.constant 8 : i32
        %sub3A_918 = arith.subi %add3A_916, %sub3A_917 : i32
        %mul3A_919 = arith.constant 2 : i32
        %mul3A_920 = arith.muli %sub3A_918, %mul3A_919 : i32
        %add3A_921 = arith.addi %mul3A_2, %mul3A_920 : i32
        %add3A_922 = arith.constant 0 : i32
        %add3A_923 = arith.addi %add3A_921, %add3A_922 : i32
        %mul3A_924 = arith.constant 2 : i32
        %mul3A_925 = arith.muli %sub3A_918, %mul3A_924 : i32
        %add3A_926 = arith.addi %mul3A_2, %mul3A_925 : i32
        %add3A_927 = arith.constant 1 : i32
        %add3A_928 = arith.addi %add3A_926, %add3A_927 : i32
        %dma_wait3A_929 = arith.constant 7 : i32
        %dma_wait3A_930 = arith.constant 7 : i32
        %dma_wait3A_931 = arith.constant 0 : i32
        %dma_wait3A_932 = arith.constant 0 : i32
        %dma_wait3A_933 = tpu.memref_slice %arg6[%dma_wait3A_929, %dma_wait3A_931, %dma_wait3A_932] : memref<8x100x128xf32, #tpu.memory_space<vmem>> -> memref<1x50x128xf32, #tpu.memory_space<vmem>>
        %dma_wait3A_934 = tpu.memref_squeeze %dma_wait3A_933 : memref<1x50x128xf32, #tpu.memory_space<vmem>> -> memref<50x128xf32, #tpu.memory_space<vmem>>
        %dma_wait3A_935 = arith.constant 0 : i32
        %dma_wait3A_936 = arith.constant 0 : i32
        %dma_wait3A_937 = tpu.memref_slice %arg4[%add3A_923, %dma_wait3A_935, %dma_wait3A_936] : memref<4096x50x128xf32, #tpu.memory_space<hbm>> -> memref<1x50x128xf32, #tpu.memory_space<hbm>>
        %dma_wait3A_938 = tpu.memref_squeeze %dma_wait3A_937 : memref<1x50x128xf32, #tpu.memory_space<hbm>> -> memref<50x128xf32, #tpu.memory_space<hbm>>
        %dma_wait3A_939 = tpu.memref_slice %arg8[%dma_wait3A_930] : memref<8x!tpu.dma_semaphore, #tpu.memory_space<semaphore_mem>> -> memref<1x!tpu.dma_semaphore, #tpu.memory_space<semaphore_mem>>
        %dma_wait3A_940 = tpu.memref_squeeze %dma_wait3A_939 : memref<1x!tpu.dma_semaphore, #tpu.memory_space<semaphore_mem>> -> memref<!tpu.dma_semaphore, #tpu.memory_space<semaphore_mem>>
        %dma_wait3A_941 = arith.constant 0 : i32
        %dma_wait3A_942 = arith.constant 0 : i32
        %dma_wait3A_943 = tpu.memref_slice %arg4[%add3A_923, %dma_wait3A_941, %dma_wait3A_942] : memref<4096x50x128xf32, #tpu.memory_space<hbm>> -> memref<1x50x128xf32, #tpu.memory_space<hbm>>
        %dma_wait3A_944 = tpu.memref_squeeze %dma_wait3A_943 : memref<1x50x128xf32, #tpu.memory_space<hbm>> -> memref<50x128xf32, #tpu.memory_space<hbm>>
        %dma_wait3A_945 = arith.constant 0 : i32
        %dma_wait3A_946 = arith.constant 0 : i32
        %dma_wait3A_947 = tpu.memref_slice %arg6[%dma_wait3A_929, %dma_wait3A_945, %dma_wait3A_946] : memref<8x100x128xf32, #tpu.memory_space<vmem>> -> memref<1x50x128xf32, #tpu.memory_space<vmem>>
        %dma_wait3A_948 = tpu.memref_squeeze %dma_wait3A_947 : memref<1x50x128xf32, #tpu.memory_space<vmem>> -> memref<50x128xf32, #tpu.memory_space<vmem>>
        tpu.wait_dma2 semaphore(%dma_wait3A_940 : memref<!tpu.dma_semaphore, #tpu.memory_space<semaphore_mem>>) src(%dma_wait3A_948 : memref<50x128xf32, #tpu.memory_space<vmem>>) dst(%dma_wait3A_944 : memref<50x128xf32, #tpu.memory_space<hbm>>)
        %dma_wait3A_949 = arith.constant 7 : i32
        %dma_wait3A_950 = arith.constant 7 : i32
        %dma_wait3A_951 = arith.constant 50 : i32
        %dma_wait3A_952 = arith.constant 0 : i32
        %dma_wait3A_953 = tpu.memref_slice %arg6[%dma_wait3A_949, %dma_wait3A_951, %dma_wait3A_952] : memref<8x100x128xf32, #tpu.memory_space<vmem>> -> memref<1x50x128xf32, #tpu.memory_space<vmem>>
        %dma_wait3A_954 = tpu.memref_squeeze %dma_wait3A_953 : memref<1x50x128xf32, #tpu.memory_space<vmem>> -> memref<50x128xf32, #tpu.memory_space<vmem>>
        %dma_wait3A_955 = arith.constant 0 : i32
        %dma_wait3A_956 = arith.constant 0 : i32
        %dma_wait3A_957 = tpu.memref_slice %arg4[%add3A_928, %dma_wait3A_955, %dma_wait3A_956] : memref<4096x50x128xf32, #tpu.memory_space<hbm>> -> memref<1x50x128xf32, #tpu.memory_space<hbm>>
        %dma_wait3A_958 = tpu.memref_squeeze %dma_wait3A_957 : memref<1x50x128xf32, #tpu.memory_space<hbm>> -> memref<50x128xf32, #tpu.memory_space<hbm>>
        %dma_wait3A_959 = tpu.memref_slice %arg8[%dma_wait3A_950] : memref<8x!tpu.dma_semaphore, #tpu.memory_space<semaphore_mem>> -> memref<1x!tpu.dma_semaphore, #tpu.memory_space<semaphore_mem>>
        %dma_wait3A_960 = tpu.memref_squeeze %dma_wait3A_959 : memref<1x!tpu.dma_semaphore, #tpu.memory_space<semaphore_mem>> -> memref<!tpu.dma_semaphore, #tpu.memory_space<semaphore_mem>>
        %dma_wait3A_961 = arith.constant 0 : i32
        %dma_wait3A_962 = arith.constant 0 : i32
        %dma_wait3A_963 = tpu.memref_slice %arg4[%add3A_928, %dma_wait3A_961, %dma_wait3A_962] : memref<4096x50x128xf32, #tpu.memory_space<hbm>> -> memref<1x50x128xf32, #tpu.memory_space<hbm>>
        %dma_wait3A_964 = tpu.memref_squeeze %dma_wait3A_963 : memref<1x50x128xf32, #tpu.memory_space<hbm>> -> memref<50x128xf32, #tpu.memory_space<hbm>>
        %dma_wait3A_965 = arith.constant 50 : i32
        %dma_wait3A_966 = arith.constant 0 : i32
        %dma_wait3A_967 = tpu.memref_slice %arg6[%dma_wait3A_949, %dma_wait3A_965, %dma_wait3A_966] : memref<8x100x128xf32, #tpu.memory_space<vmem>> -> memref<1x50x128xf32, #tpu.memory_space<vmem>>
        %dma_wait3A_968 = tpu.memref_squeeze %dma_wait3A_967 : memref<1x50x128xf32, #tpu.memory_space<vmem>> -> memref<50x128xf32, #tpu.memory_space<vmem>>
        tpu.wait_dma2 semaphore(%dma_wait3A_960 : memref<!tpu.dma_semaphore, #tpu.memory_space<semaphore_mem>>) src(%dma_wait3A_968 : memref<50x128xf32, #tpu.memory_space<vmem>>) dst(%dma_wait3A_964 : memref<50x128xf32, #tpu.memory_space<hbm>>)
      } else {
      }
      %add3A_515 = arith.constant 4 : i32
      %add3A_516 = arith.addi %add3A_505, %add3A_515 : i32
      %lt3A_517 = arith.constant 64 : i32
      %lt3A_518 = arith.cmpi slt, %add3A_516, %lt3A_517 : i32
      %convert_element_type3A_519 = arith.extui %lt3A_518 : i1 to i32
      %cond3A_520 = arith.constant 0 : i32
      %cond3A_521 = arith.cmpi ne, %convert_element_type3A_519, %cond3A_520 : i32
      scf.if %cond3A_521 {
        %add3A_915 = arith.constant 4 : i32
        %add3A_916 = arith.addi %add3A_505, %add3A_915 : i32
        %dma_start3A_917 = arith.constant 7 : i32
        %dma_start3A_918 = arith.constant 7 : i32
        %dma_start3A_919 = arith.constant 0 : i32
        %dma_start3A_920 = arith.constant 0 : i32
        %dma_start3A_921 = tpu.memref_slice %arg6[%dma_start3A_917, %dma_start3A_919, %dma_start3A_920] : memref<8x100x128xf32, #tpu.memory_space<vmem>> -> memref<1x100x128xf32, #tpu.memory_space<vmem>>
        %dma_start3A_922 = tpu.memref_squeeze %dma_start3A_921 : memref<1x100x128xf32, #tpu.memory_space<vmem>> -> memref<100x128xf32, #tpu.memory_space<vmem>>
        %dma_start3A_923 = arith.constant 0 : i32
        %dma_start3A_924 = tpu.memref_slice %arg5[%add3A_916, %dma_start3A_923] : memref<64x112xi32, #tpu.memory_space<vmem>> -> memref<1x100xi32, #tpu.memory_space<vmem>>
        %dma_start3A_925 = tpu.memref_squeeze %dma_start3A_924 : memref<1x100xi32, #tpu.memory_space<vmem>> -> memref<100xi32, #tpu.memory_space<vmem>>
        %dma_start3A_926 = arith.constant 0 : i32
        %dma_start3A_927 = arith.constant 0 : i32
        %dma_start3A_928 = tpu.memref_slice %arg2[%dma_start3A_926, %dma_start3A_927] : memref<8192x128xf32, #tpu.memory_space<hbm>> -> memref<8192x128xf32, #tpu.memory_space<hbm>>
        %dma_start3A_929 = tpu.memref_slice %arg7[%dma_start3A_918] : memref<8x!tpu.dma_semaphore, #tpu.memory_space<semaphore_mem>> -> memref<1x!tpu.dma_semaphore, #tpu.memory_space<semaphore_mem>>
        %dma_start3A_930 = tpu.memref_squeeze %dma_start3A_929 : memref<1x!tpu.dma_semaphore, #tpu.memory_space<semaphore_mem>> -> memref<!tpu.dma_semaphore, #tpu.memory_space<semaphore_mem>>
        tpu.enqueue_indirect_dma source(%dma_start3A_928 : memref<8192x128xf32, #tpu.memory_space<hbm>>) target(%dma_start3A_922 : memref<100x128xf32, #tpu.memory_space<vmem>>) offsets(%dma_start3A_925 : memref<100xi32, #tpu.memory_space<vmem>>) semaphore(%dma_start3A_930 : memref<!tpu.dma_semaphore, #tpu.memory_space<semaphore_mem>>)
      } else {
      }
      %dma_wait3A_522 = arith.constant 3 : i32
      %dma_wait3A_523 = arith.constant 3 : i32
      %dma_wait3A_524 = arith.constant 0 : i32
      %dma_wait3A_525 = arith.constant 0 : i32
      %dma_wait3A_526 = tpu.memref_slice %arg6[%dma_wait3A_522, %dma_wait3A_524, %dma_wait3A_525] : memref<8x100x128xf32, #tpu.memory_space<vmem>> -> memref<1x100x128xf32, #tpu.memory_space<vmem>>
      %dma_wait3A_527 = tpu.memref_squeeze %dma_wait3A_526 : memref<1x100x128xf32, #tpu.memory_space<vmem>> -> memref<100x128xf32, #tpu.memory_space<vmem>>
      %dma_wait3A_528 = arith.constant 0 : i32
      %dma_wait3A_529 = tpu.memref_slice %arg5[%add3A_505, %dma_wait3A_528] : memref<64x112xi32, #tpu.memory_space<vmem>> -> memref<1x100xi32, #tpu.memory_space<vmem>>
      %dma_wait3A_530 = tpu.memref_squeeze %dma_wait3A_529 : memref<1x100xi32, #tpu.memory_space<vmem>> -> memref<100xi32, #tpu.memory_space<vmem>>
      %dma_wait3A_531 = arith.constant 0 : i32
      %dma_wait3A_532 = arith.constant 0 : i32
      %dma_wait3A_533 = tpu.memref_slice %arg2[%dma_wait3A_531, %dma_wait3A_532] : memref<8192x128xf32, #tpu.memory_space<hbm>> -> memref<8192x128xf32, #tpu.memory_space<hbm>>
      %dma_wait3A_534 = tpu.memref_slice %arg7[%dma_wait3A_523] : memref<8x!tpu.dma_semaphore, #tpu.memory_space<semaphore_mem>> -> memref<1x!tpu.dma_semaphore, #tpu.memory_space<semaphore_mem>>
      %dma_wait3A_535 = tpu.memref_squeeze %dma_wait3A_534 : memref<1x!tpu.dma_semaphore, #tpu.memory_space<semaphore_mem>> -> memref<!tpu.dma_semaphore, #tpu.memory_space<semaphore_mem>>
      tpu.wait_indirect_dma semaphore(%dma_wait3A_535 : memref<!tpu.dma_semaphore, #tpu.memory_space<semaphore_mem>>) src(%dma_wait3A_533 : memref<8192x128xf32, #tpu.memory_space<hbm>>) dst(%dma_wait3A_527 : memref<100x128xf32, #tpu.memory_space<vmem>>)
      %mul3A_536 = arith.constant 2 : i32
      %mul3A_537 = arith.muli %add3A_505, %mul3A_536 : i32
      %add3A_538 = arith.addi %mul3A_2, %mul3A_537 : i32
      %add3A_539 = arith.constant 0 : i32
      %add3A_540 = arith.addi %add3A_538, %add3A_539 : i32
      %mul3A_541 = arith.constant 2 : i32
      %mul3A_542 = arith.muli %add3A_505, %mul3A_541 : i32
      %add3A_543 = arith.addi %mul3A_2, %mul3A_542 : i32
      %add3A_544 = arith.constant 1 : i32
      %add3A_545 = arith.addi %add3A_543, %add3A_544 : i32
      %dma_start3A_546 = arith.constant 3 : i32
      %dma_start3A_547 = arith.constant 3 : i32
      %dma_start3A_548 = arith.constant 0 : i32
      %dma_start3A_549 = arith.constant 0 : i32
      %dma_start3A_550 = tpu.memref_slice %arg6[%dma_start3A_546, %dma_start3A_548, %dma_start3A_549] : memref<8x100x128xf32, #tpu.memory_space<vmem>> -> memref<1x50x128xf32, #tpu.memory_space<vmem>>
      %dma_start3A_551 = tpu.memref_squeeze %dma_start3A_550 : memref<1x50x128xf32, #tpu.memory_space<vmem>> -> memref<50x128xf32, #tpu.memory_space<vmem>>
      %dma_start3A_552 = arith.constant 0 : i32
      %dma_start3A_553 = arith.constant 0 : i32
      %dma_start3A_554 = tpu.memref_slice %arg4[%add3A_540, %dma_start3A_552, %dma_start3A_553] : memref<4096x50x128xf32, #tpu.memory_space<hbm>> -> memref<1x50x128xf32, #tpu.memory_space<hbm>>
      %dma_start3A_555 = tpu.memref_squeeze %dma_start3A_554 : memref<1x50x128xf32, #tpu.memory_space<hbm>> -> memref<50x128xf32, #tpu.memory_space<hbm>>
      %dma_start3A_556 = tpu.memref_slice %arg8[%dma_start3A_547] : memref<8x!tpu.dma_semaphore, #tpu.memory_space<semaphore_mem>> -> memref<1x!tpu.dma_semaphore, #tpu.memory_space<semaphore_mem>>
      %dma_start3A_557 = tpu.memref_squeeze %dma_start3A_556 : memref<1x!tpu.dma_semaphore, #tpu.memory_space<semaphore_mem>> -> memref<!tpu.dma_semaphore, #tpu.memory_space<semaphore_mem>>
      %dma_start3A_558 = arith.constant 0 : i32
      %dma_start3A_559 = arith.constant 0 : i32
      %dma_start3A_560 = tpu.memref_slice %arg4[%add3A_540, %dma_start3A_558, %dma_start3A_559] : memref<4096x50x128xf32, #tpu.memory_space<hbm>> -> memref<1x50x128xf32, #tpu.memory_space<hbm>>
      %dma_start3A_561 = tpu.memref_squeeze %dma_start3A_560 : memref<1x50x128xf32, #tpu.memory_space<hbm>> -> memref<50x128xf32, #tpu.memory_space<hbm>>
      %dma_start3A_562 = arith.constant 0 : i32
      %dma_start3A_563 = arith.constant 0 : i32
      %dma_start3A_564 = tpu.memref_slice %arg6[%dma_start3A_546, %dma_start3A_562, %dma_start3A_563] : memref<8x100x128xf32, #tpu.memory_space<vmem>> -> memref<1x50x128xf32, #tpu.memory_space<vmem>>
      %dma_start3A_565 = tpu.memref_squeeze %dma_start3A_564 : memref<1x50x128xf32, #tpu.memory_space<vmem>> -> memref<50x128xf32, #tpu.memory_space<vmem>>
      tpu.enqueue_dma source(%dma_start3A_565 : memref<50x128xf32, #tpu.memory_space<vmem>>) target(%dma_start3A_561 : memref<50x128xf32, #tpu.memory_space<hbm>>) target_semaphore(%dma_start3A_557 : memref<!tpu.dma_semaphore, #tpu.memory_space<semaphore_mem>>)
      %dma_start3A_566 = arith.constant 3 : i32
      %dma_start3A_567 = arith.constant 3 : i32
      %dma_start3A_568 = arith.constant 50 : i32
      %dma_start3A_569 = arith.constant 0 : i32
      %dma_start3A_570 = tpu.memref_slice %arg6[%dma_start3A_566, %dma_start3A_568, %dma_start3A_569] : memref<8x100x128xf32, #tpu.memory_space<vmem>> -> memref<1x50x128xf32, #tpu.memory_space<vmem>>
      %dma_start3A_571 = tpu.memref_squeeze %dma_start3A_570 : memref<1x50x128xf32, #tpu.memory_space<vmem>> -> memref<50x128xf32, #tpu.memory_space<vmem>>
      %dma_start3A_572 = arith.constant 0 : i32
      %dma_start3A_573 = arith.constant 0 : i32
      %dma_start3A_574 = tpu.memref_slice %arg4[%add3A_545, %dma_start3A_572, %dma_start3A_573] : memref<4096x50x128xf32, #tpu.memory_space<hbm>> -> memref<1x50x128xf32, #tpu.memory_space<hbm>>
      %dma_start3A_575 = tpu.memref_squeeze %dma_start3A_574 : memref<1x50x128xf32, #tpu.memory_space<hbm>> -> memref<50x128xf32, #tpu.memory_space<hbm>>
      %dma_start3A_576 = tpu.memref_slice %arg8[%dma_start3A_567] : memref<8x!tpu.dma_semaphore, #tpu.memory_space<semaphore_mem>> -> memref<1x!tpu.dma_semaphore, #tpu.memory_space<semaphore_mem>>
      %dma_start3A_577 = tpu.memref_squeeze %dma_start3A_576 : memref<1x!tpu.dma_semaphore, #tpu.memory_space<semaphore_mem>> -> memref<!tpu.dma_semaphore, #tpu.memory_space<semaphore_mem>>
      %dma_start3A_578 = arith.constant 0 : i32
      %dma_start3A_579 = arith.constant 0 : i32
      %dma_start3A_580 = tpu.memref_slice %arg4[%add3A_545, %dma_start3A_578, %dma_start3A_579] : memref<4096x50x128xf32, #tpu.memory_space<hbm>> -> memref<1x50x128xf32, #tpu.memory_space<hbm>>
      %dma_start3A_581 = tpu.memref_squeeze %dma_start3A_580 : memref<1x50x128xf32, #tpu.memory_space<hbm>> -> memref<50x128xf32, #tpu.memory_space<hbm>>
      %dma_start3A_582 = arith.constant 50 : i32
      %dma_start3A_583 = arith.constant 0 : i32
      %dma_start3A_584 = tpu.memref_slice %arg6[%dma_start3A_566, %dma_start3A_582, %dma_start3A_583] : memref<8x100x128xf32, #tpu.memory_space<vmem>> -> memref<1x50x128xf32, #tpu.memory_space<vmem>>
      %dma_start3A_585 = tpu.memref_squeeze %dma_start3A_584 : memref<1x50x128xf32, #tpu.memory_space<vmem>> -> memref<50x128xf32, #tpu.memory_space<vmem>>
      tpu.enqueue_dma source(%dma_start3A_585 : memref<50x128xf32, #tpu.memory_space<vmem>>) target(%dma_start3A_581 : memref<50x128xf32, #tpu.memory_space<hbm>>) target_semaphore(%dma_start3A_577 : memref<!tpu.dma_semaphore, #tpu.memory_space<semaphore_mem>>)
      %add3A_586 = arith.constant 4 : i32
      %add3A_587 = arith.addi %mul3A_262, %add3A_586 : i32
      %add3A_588 = arith.constant 4 : i32
      %add3A_589 = arith.addi %add3A_587, %add3A_588 : i32
      %sub3A_590 = arith.constant 8 : i32
      %sub3A_591 = arith.subi %add3A_589, %sub3A_590 : i32
      %ge3A_592 = arith.constant 0 : i32
      %ge3A_593 = arith.cmpi sge, %sub3A_591, %ge3A_592 : i32
      %convert_element_type3A_594 = arith.extui %ge3A_593 : i1 to i32
      %cond3A_595 = arith.constant 0 : i32
      %cond3A_596 = arith.cmpi ne, %convert_element_type3A_594, %cond3A_595 : i32
      scf.if %cond3A_596 {
        %add3A_915 = arith.constant 4 : i32
        %add3A_916 = arith.addi %add3A_587, %add3A_915 : i32
        %sub3A_917 = arith.constant 8 : i32
        %sub3A_918 = arith.subi %add3A_916, %sub3A_917 : i32
        %mul3A_919 = arith.constant 2 : i32
        %mul3A_920 = arith.muli %sub3A_918, %mul3A_919 : i32
        %add3A_921 = arith.addi %mul3A_2, %mul3A_920 : i32
        %add3A_922 = arith.constant 0 : i32
        %add3A_923 = arith.addi %add3A_921, %add3A_922 : i32
        %mul3A_924 = arith.constant 2 : i32
        %mul3A_925 = arith.muli %sub3A_918, %mul3A_924 : i32
        %add3A_926 = arith.addi %mul3A_2, %mul3A_925 : i32
        %add3A_927 = arith.constant 1 : i32
        %add3A_928 = arith.addi %add3A_926, %add3A_927 : i32
        %dma_wait3A_929 = arith.constant 0 : i32
        %dma_wait3A_930 = arith.constant 0 : i32
        %dma_wait3A_931 = arith.constant 0 : i32
        %dma_wait3A_932 = arith.constant 0 : i32
        %dma_wait3A_933 = tpu.memref_slice %arg6[%dma_wait3A_929, %dma_wait3A_931, %dma_wait3A_932] : memref<8x100x128xf32, #tpu.memory_space<vmem>> -> memref<1x50x128xf32, #tpu.memory_space<vmem>>
        %dma_wait3A_934 = tpu.memref_squeeze %dma_wait3A_933 : memref<1x50x128xf32, #tpu.memory_space<vmem>> -> memref<50x128xf32, #tpu.memory_space<vmem>>
        %dma_wait3A_935 = arith.constant 0 : i32
        %dma_wait3A_936 = arith.constant 0 : i32
        %dma_wait3A_937 = tpu.memref_slice %arg4[%add3A_923, %dma_wait3A_935, %dma_wait3A_936] : memref<4096x50x128xf32, #tpu.memory_space<hbm>> -> memref<1x50x128xf32, #tpu.memory_space<hbm>>
        %dma_wait3A_938 = tpu.memref_squeeze %dma_wait3A_937 : memref<1x50x128xf32, #tpu.memory_space<hbm>> -> memref<50x128xf32, #tpu.memory_space<hbm>>
        %dma_wait3A_939 = tpu.memref_slice %arg8[%dma_wait3A_930] : memref<8x!tpu.dma_semaphore, #tpu.memory_space<semaphore_mem>> -> memref<1x!tpu.dma_semaphore, #tpu.memory_space<semaphore_mem>>
        %dma_wait3A_940 = tpu.memref_squeeze %dma_wait3A_939 : memref<1x!tpu.dma_semaphore, #tpu.memory_space<semaphore_mem>> -> memref<!tpu.dma_semaphore, #tpu.memory_space<semaphore_mem>>
        %dma_wait3A_941 = arith.constant 0 : i32
        %dma_wait3A_942 = arith.constant 0 : i32
        %dma_wait3A_943 = tpu.memref_slice %arg4[%add3A_923, %dma_wait3A_941, %dma_wait3A_942] : memref<4096x50x128xf32, #tpu.memory_space<hbm>> -> memref<1x50x128xf32, #tpu.memory_space<hbm>>
        %dma_wait3A_944 = tpu.memref_squeeze %dma_wait3A_943 : memref<1x50x128xf32, #tpu.memory_space<hbm>> -> memref<50x128xf32, #tpu.memory_space<hbm>>
        %dma_wait3A_945 = arith.constant 0 : i32
        %dma_wait3A_946 = arith.constant 0 : i32
        %dma_wait3A_947 = tpu.memref_slice %arg6[%dma_wait3A_929, %dma_wait3A_945, %dma_wait3A_946] : memref<8x100x128xf32, #tpu.memory_space<vmem>> -> memref<1x50x128xf32, #tpu.memory_space<vmem>>
        %dma_wait3A_948 = tpu.memref_squeeze %dma_wait3A_947 : memref<1x50x128xf32, #tpu.memory_space<vmem>> -> memref<50x128xf32, #tpu.memory_space<vmem>>
        tpu.wait_dma2 semaphore(%dma_wait3A_940 : memref<!tpu.dma_semaphore, #tpu.memory_space<semaphore_mem>>) src(%dma_wait3A_948 : memref<50x128xf32, #tpu.memory_space<vmem>>) dst(%dma_wait3A_944 : memref<50x128xf32, #tpu.memory_space<hbm>>)
        %dma_wait3A_949 = arith.constant 0 : i32
        %dma_wait3A_950 = arith.constant 0 : i32
        %dma_wait3A_951 = arith.constant 50 : i32
        %dma_wait3A_952 = arith.constant 0 : i32
        %dma_wait3A_953 = tpu.memref_slice %arg6[%dma_wait3A_949, %dma_wait3A_951, %dma_wait3A_952] : memref<8x100x128xf32, #tpu.memory_space<vmem>> -> memref<1x50x128xf32, #tpu.memory_space<vmem>>
        %dma_wait3A_954 = tpu.memref_squeeze %dma_wait3A_953 : memref<1x50x128xf32, #tpu.memory_space<vmem>> -> memref<50x128xf32, #tpu.memory_space<vmem>>
        %dma_wait3A_955 = arith.constant 0 : i32
        %dma_wait3A_956 = arith.constant 0 : i32
        %dma_wait3A_957 = tpu.memref_slice %arg4[%add3A_928, %dma_wait3A_955, %dma_wait3A_956] : memref<4096x50x128xf32, #tpu.memory_space<hbm>> -> memref<1x50x128xf32, #tpu.memory_space<hbm>>
        %dma_wait3A_958 = tpu.memref_squeeze %dma_wait3A_957 : memref<1x50x128xf32, #tpu.memory_space<hbm>> -> memref<50x128xf32, #tpu.memory_space<hbm>>
        %dma_wait3A_959 = tpu.memref_slice %arg8[%dma_wait3A_950] : memref<8x!tpu.dma_semaphore, #tpu.memory_space<semaphore_mem>> -> memref<1x!tpu.dma_semaphore, #tpu.memory_space<semaphore_mem>>
        %dma_wait3A_960 = tpu.memref_squeeze %dma_wait3A_959 : memref<1x!tpu.dma_semaphore, #tpu.memory_space<semaphore_mem>> -> memref<!tpu.dma_semaphore, #tpu.memory_space<semaphore_mem>>
        %dma_wait3A_961 = arith.constant 0 : i32
        %dma_wait3A_962 = arith.constant 0 : i32
        %dma_wait3A_963 = tpu.memref_slice %arg4[%add3A_928, %dma_wait3A_961, %dma_wait3A_962] : memref<4096x50x128xf32, #tpu.memory_space<hbm>> -> memref<1x50x128xf32, #tpu.memory_space<hbm>>
        %dma_wait3A_964 = tpu.memref_squeeze %dma_wait3A_963 : memref<1x50x128xf32, #tpu.memory_space<hbm>> -> memref<50x128xf32, #tpu.memory_space<hbm>>
        %dma_wait3A_965 = arith.constant 50 : i32
        %dma_wait3A_966 = arith.constant 0 : i32
        %dma_wait3A_967 = tpu.memref_slice %arg6[%dma_wait3A_949, %dma_wait3A_965, %dma_wait3A_966] : memref<8x100x128xf32, #tpu.memory_space<vmem>> -> memref<1x50x128xf32, #tpu.memory_space<vmem>>
        %dma_wait3A_968 = tpu.memref_squeeze %dma_wait3A_967 : memref<1x50x128xf32, #tpu.memory_space<vmem>> -> memref<50x128xf32, #tpu.memory_space<vmem>>
        tpu.wait_dma2 semaphore(%dma_wait3A_960 : memref<!tpu.dma_semaphore, #tpu.memory_space<semaphore_mem>>) src(%dma_wait3A_968 : memref<50x128xf32, #tpu.memory_space<vmem>>) dst(%dma_wait3A_964 : memref<50x128xf32, #tpu.memory_space<hbm>>)
      } else {
      }
      %add3A_597 = arith.constant 4 : i32
      %add3A_598 = arith.addi %add3A_587, %add3A_597 : i32
      %lt3A_599 = arith.constant 64 : i32
      %lt3A_600 = arith.cmpi slt, %add3A_598, %lt3A_599 : i32
      %convert_element_type3A_601 = arith.extui %lt3A_600 : i1 to i32
      %cond3A_602 = arith.constant 0 : i32
      %cond3A_603 = arith.cmpi ne, %convert_element_type3A_601, %cond3A_602 : i32
      scf.if %cond3A_603 {
        %add3A_915 = arith.constant 4 : i32
        %add3A_916 = arith.addi %add3A_587, %add3A_915 : i32
        %dma_start3A_917 = arith.constant 0 : i32
        %dma_start3A_918 = arith.constant 0 : i32
        %dma_start3A_919 = arith.constant 0 : i32
        %dma_start3A_920 = arith.constant 0 : i32
        %dma_start3A_921 = tpu.memref_slice %arg6[%dma_start3A_917, %dma_start3A_919, %dma_start3A_920] : memref<8x100x128xf32, #tpu.memory_space<vmem>> -> memref<1x100x128xf32, #tpu.memory_space<vmem>>
        %dma_start3A_922 = tpu.memref_squeeze %dma_start3A_921 : memref<1x100x128xf32, #tpu.memory_space<vmem>> -> memref<100x128xf32, #tpu.memory_space<vmem>>
        %dma_start3A_923 = arith.constant 0 : i32
        %dma_start3A_924 = tpu.memref_slice %arg5[%add3A_916, %dma_start3A_923] : memref<64x112xi32, #tpu.memory_space<vmem>> -> memref<1x100xi32, #tpu.memory_space<vmem>>
        %dma_start3A_925 = tpu.memref_squeeze %dma_start3A_924 : memref<1x100xi32, #tpu.memory_space<vmem>> -> memref<100xi32, #tpu.memory_space<vmem>>
        %dma_start3A_926 = arith.constant 0 : i32
        %dma_start3A_927 = arith.constant 0 : i32
        %dma_start3A_928 = tpu.memref_slice %arg2[%dma_start3A_926, %dma_start3A_927] : memref<8192x128xf32, #tpu.memory_space<hbm>> -> memref<8192x128xf32, #tpu.memory_space<hbm>>
        %dma_start3A_929 = tpu.memref_slice %arg7[%dma_start3A_918] : memref<8x!tpu.dma_semaphore, #tpu.memory_space<semaphore_mem>> -> memref<1x!tpu.dma_semaphore, #tpu.memory_space<semaphore_mem>>
        %dma_start3A_930 = tpu.memref_squeeze %dma_start3A_929 : memref<1x!tpu.dma_semaphore, #tpu.memory_space<semaphore_mem>> -> memref<!tpu.dma_semaphore, #tpu.memory_space<semaphore_mem>>
        tpu.enqueue_indirect_dma source(%dma_start3A_928 : memref<8192x128xf32, #tpu.memory_space<hbm>>) target(%dma_start3A_922 : memref<100x128xf32, #tpu.memory_space<vmem>>) offsets(%dma_start3A_925 : memref<100xi32, #tpu.memory_space<vmem>>) semaphore(%dma_start3A_930 : memref<!tpu.dma_semaphore, #tpu.memory_space<semaphore_mem>>)
      } else {
      }
      %dma_wait3A_604 = arith.constant 4 : i32
      %dma_wait3A_605 = arith.constant 4 : i32
      %dma_wait3A_606 = arith.constant 0 : i32
      %dma_wait3A_607 = arith.constant 0 : i32
      %dma_wait3A_608 = tpu.memref_slice %arg6[%dma_wait3A_604, %dma_wait3A_606, %dma_wait3A_607] : memref<8x100x128xf32, #tpu.memory_space<vmem>> -> memref<1x100x128xf32, #tpu.memory_space<vmem>>
      %dma_wait3A_609 = tpu.memref_squeeze %dma_wait3A_608 : memref<1x100x128xf32, #tpu.memory_space<vmem>> -> memref<100x128xf32, #tpu.memory_space<vmem>>
      %dma_wait3A_610 = arith.constant 0 : i32
      %dma_wait3A_611 = tpu.memref_slice %arg5[%add3A_587, %dma_wait3A_610] : memref<64x112xi32, #tpu.memory_space<vmem>> -> memref<1x100xi32, #tpu.memory_space<vmem>>
      %dma_wait3A_612 = tpu.memref_squeeze %dma_wait3A_611 : memref<1x100xi32, #tpu.memory_space<vmem>> -> memref<100xi32, #tpu.memory_space<vmem>>
      %dma_wait3A_613 = arith.constant 0 : i32
      %dma_wait3A_614 = arith.constant 0 : i32
      %dma_wait3A_615 = tpu.memref_slice %arg2[%dma_wait3A_613, %dma_wait3A_614] : memref<8192x128xf32, #tpu.memory_space<hbm>> -> memref<8192x128xf32, #tpu.memory_space<hbm>>
      %dma_wait3A_616 = tpu.memref_slice %arg7[%dma_wait3A_605] : memref<8x!tpu.dma_semaphore, #tpu.memory_space<semaphore_mem>> -> memref<1x!tpu.dma_semaphore, #tpu.memory_space<semaphore_mem>>
      %dma_wait3A_617 = tpu.memref_squeeze %dma_wait3A_616 : memref<1x!tpu.dma_semaphore, #tpu.memory_space<semaphore_mem>> -> memref<!tpu.dma_semaphore, #tpu.memory_space<semaphore_mem>>
      tpu.wait_indirect_dma semaphore(%dma_wait3A_617 : memref<!tpu.dma_semaphore, #tpu.memory_space<semaphore_mem>>) src(%dma_wait3A_615 : memref<8192x128xf32, #tpu.memory_space<hbm>>) dst(%dma_wait3A_609 : memref<100x128xf32, #tpu.memory_space<vmem>>)
      %mul3A_618 = arith.constant 2 : i32
      %mul3A_619 = arith.muli %add3A_587, %mul3A_618 : i32
      %add3A_620 = arith.addi %mul3A_2, %mul3A_619 : i32
      %add3A_621 = arith.constant 0 : i32
      %add3A_622 = arith.addi %add3A_620, %add3A_621 : i32
      %mul3A_623 = arith.constant 2 : i32
      %mul3A_624 = arith.muli %add3A_587, %mul3A_623 : i32
      %add3A_625 = arith.addi %mul3A_2, %mul3A_624 : i32
      %add3A_626 = arith.constant 1 : i32
      %add3A_627 = arith.addi %add3A_625, %add3A_626 : i32
      %dma_start3A_628 = arith.constant 4 : i32
      %dma_start3A_629 = arith.constant 4 : i32
      %dma_start3A_630 = arith.constant 0 : i32
      %dma_start3A_631 = arith.constant 0 : i32
      %dma_start3A_632 = tpu.memref_slice %arg6[%dma_start3A_628, %dma_start3A_630, %dma_start3A_631] : memref<8x100x128xf32, #tpu.memory_space<vmem>> -> memref<1x50x128xf32, #tpu.memory_space<vmem>>
      %dma_start3A_633 = tpu.memref_squeeze %dma_start3A_632 : memref<1x50x128xf32, #tpu.memory_space<vmem>> -> memref<50x128xf32, #tpu.memory_space<vmem>>
      %dma_start3A_634 = arith.constant 0 : i32
      %dma_start3A_635 = arith.constant 0 : i32
      %dma_start3A_636 = tpu.memref_slice %arg4[%add3A_622, %dma_start3A_634, %dma_start3A_635] : memref<4096x50x128xf32, #tpu.memory_space<hbm>> -> memref<1x50x128xf32, #tpu.memory_space<hbm>>
      %dma_start3A_637 = tpu.memref_squeeze %dma_start3A_636 : memref<1x50x128xf32, #tpu.memory_space<hbm>> -> memref<50x128xf32, #tpu.memory_space<hbm>>
      %dma_start3A_638 = tpu.memref_slice %arg8[%dma_start3A_629] : memref<8x!tpu.dma_semaphore, #tpu.memory_space<semaphore_mem>> -> memref<1x!tpu.dma_semaphore, #tpu.memory_space<semaphore_mem>>
      %dma_start3A_639 = tpu.memref_squeeze %dma_start3A_638 : memref<1x!tpu.dma_semaphore, #tpu.memory_space<semaphore_mem>> -> memref<!tpu.dma_semaphore, #tpu.memory_space<semaphore_mem>>
      %dma_start3A_640 = arith.constant 0 : i32
      %dma_start3A_641 = arith.constant 0 : i32
      %dma_start3A_642 = tpu.memref_slice %arg4[%add3A_622, %dma_start3A_640, %dma_start3A_641] : memref<4096x50x128xf32, #tpu.memory_space<hbm>> -> memref<1x50x128xf32, #tpu.memory_space<hbm>>
      %dma_start3A_643 = tpu.memref_squeeze %dma_start3A_642 : memref<1x50x128xf32, #tpu.memory_space<hbm>> -> memref<50x128xf32, #tpu.memory_space<hbm>>
      %dma_start3A_644 = arith.constant 0 : i32
      %dma_start3A_645 = arith.constant 0 : i32
      %dma_start3A_646 = tpu.memref_slice %arg6[%dma_start3A_628, %dma_start3A_644, %dma_start3A_645] : memref<8x100x128xf32, #tpu.memory_space<vmem>> -> memref<1x50x128xf32, #tpu.memory_space<vmem>>
      %dma_start3A_647 = tpu.memref_squeeze %dma_start3A_646 : memref<1x50x128xf32, #tpu.memory_space<vmem>> -> memref<50x128xf32, #tpu.memory_space<vmem>>
      tpu.enqueue_dma source(%dma_start3A_647 : memref<50x128xf32, #tpu.memory_space<vmem>>) target(%dma_start3A_643 : memref<50x128xf32, #tpu.memory_space<hbm>>) target_semaphore(%dma_start3A_639 : memref<!tpu.dma_semaphore, #tpu.memory_space<semaphore_mem>>)
      %dma_start3A_648 = arith.constant 4 : i32
      %dma_start3A_649 = arith.constant 4 : i32
      %dma_start3A_650 = arith.constant 50 : i32
      %dma_start3A_651 = arith.constant 0 : i32
      %dma_start3A_652 = tpu.memref_slice %arg6[%dma_start3A_648, %dma_start3A_650, %dma_start3A_651] : memref<8x100x128xf32, #tpu.memory_space<vmem>> -> memref<1x50x128xf32, #tpu.memory_space<vmem>>
      %dma_start3A_653 = tpu.memref_squeeze %dma_start3A_652 : memref<1x50x128xf32, #tpu.memory_space<vmem>> -> memref<50x128xf32, #tpu.memory_space<vmem>>
      %dma_start3A_654 = arith.constant 0 : i32
      %dma_start3A_655 = arith.constant 0 : i32
      %dma_start3A_656 = tpu.memref_slice %arg4[%add3A_627, %dma_start3A_654, %dma_start3A_655] : memref<4096x50x128xf32, #tpu.memory_space<hbm>> -> memref<1x50x128xf32, #tpu.memory_space<hbm>>
      %dma_start3A_657 = tpu.memref_squeeze %dma_start3A_656 : memref<1x50x128xf32, #tpu.memory_space<hbm>> -> memref<50x128xf32, #tpu.memory_space<hbm>>
      %dma_start3A_658 = tpu.memref_slice %arg8[%dma_start3A_649] : memref<8x!tpu.dma_semaphore, #tpu.memory_space<semaphore_mem>> -> memref<1x!tpu.dma_semaphore, #tpu.memory_space<semaphore_mem>>
      %dma_start3A_659 = tpu.memref_squeeze %dma_start3A_658 : memref<1x!tpu.dma_semaphore, #tpu.memory_space<semaphore_mem>> -> memref<!tpu.dma_semaphore, #tpu.memory_space<semaphore_mem>>
      %dma_start3A_660 = arith.constant 0 : i32
      %dma_start3A_661 = arith.constant 0 : i32
      %dma_start3A_662 = tpu.memref_slice %arg4[%add3A_627, %dma_start3A_660, %dma_start3A_661] : memref<4096x50x128xf32, #tpu.memory_space<hbm>> -> memref<1x50x128xf32, #tpu.memory_space<hbm>>
      %dma_start3A_663 = tpu.memref_squeeze %dma_start3A_662 : memref<1x50x128xf32, #tpu.memory_space<hbm>> -> memref<50x128xf32, #tpu.memory_space<hbm>>
      %dma_start3A_664 = arith.constant 50 : i32
      %dma_start3A_665 = arith.constant 0 : i32
      %dma_start3A_666 = tpu.memref_slice %arg6[%dma_start3A_648, %dma_start3A_664, %dma_start3A_665] : memref<8x100x128xf32, #tpu.memory_space<vmem>> -> memref<1x50x128xf32, #tpu.memory_space<vmem>>
      %dma_start3A_667 = tpu.memref_squeeze %dma_start3A_666 : memref<1x50x128xf32, #tpu.memory_space<vmem>> -> memref<50x128xf32, #tpu.memory_space<vmem>>
      tpu.enqueue_dma source(%dma_start3A_667 : memref<50x128xf32, #tpu.memory_space<vmem>>) target(%dma_start3A_663 : memref<50x128xf32, #tpu.memory_space<hbm>>) target_semaphore(%dma_start3A_659 : memref<!tpu.dma_semaphore, #tpu.memory_space<semaphore_mem>>)
      %add3A_668 = arith.constant 5 : i32
      %add3A_669 = arith.addi %mul3A_262, %add3A_668 : i32
      %add3A_670 = arith.constant 4 : i32
      %add3A_671 = arith.addi %add3A_669, %add3A_670 : i32
      %sub3A_672 = arith.constant 8 : i32
      %sub3A_673 = arith.subi %add3A_671, %sub3A_672 : i32
      %ge3A_674 = arith.constant 0 : i32
      %ge3A_675 = arith.cmpi sge, %sub3A_673, %ge3A_674 : i32
      %convert_element_type3A_676 = arith.extui %ge3A_675 : i1 to i32
      %cond3A_677 = arith.constant 0 : i32
      %cond3A_678 = arith.cmpi ne, %convert_element_type3A_676, %cond3A_677 : i32
      scf.if %cond3A_678 {
        %add3A_915 = arith.constant 4 : i32
        %add3A_916 = arith.addi %add3A_669, %add3A_915 : i32
        %sub3A_917 = arith.constant 8 : i32
        %sub3A_918 = arith.subi %add3A_916, %sub3A_917 : i32
        %mul3A_919 = arith.constant 2 : i32
        %mul3A_920 = arith.muli %sub3A_918, %mul3A_919 : i32
        %add3A_921 = arith.addi %mul3A_2, %mul3A_920 : i32
        %add3A_922 = arith.constant 0 : i32
        %add3A_923 = arith.addi %add3A_921, %add3A_922 : i32
        %mul3A_924 = arith.constant 2 : i32
        %mul3A_925 = arith.muli %sub3A_918, %mul3A_924 : i32
        %add3A_926 = arith.addi %mul3A_2, %mul3A_925 : i32
        %add3A_927 = arith.constant 1 : i32
        %add3A_928 = arith.addi %add3A_926, %add3A_927 : i32
        %dma_wait3A_929 = arith.constant 1 : i32
        %dma_wait3A_930 = arith.constant 1 : i32
        %dma_wait3A_931 = arith.constant 0 : i32
        %dma_wait3A_932 = arith.constant 0 : i32
        %dma_wait3A_933 = tpu.memref_slice %arg6[%dma_wait3A_929, %dma_wait3A_931, %dma_wait3A_932] : memref<8x100x128xf32, #tpu.memory_space<vmem>> -> memref<1x50x128xf32, #tpu.memory_space<vmem>>
        %dma_wait3A_934 = tpu.memref_squeeze %dma_wait3A_933 : memref<1x50x128xf32, #tpu.memory_space<vmem>> -> memref<50x128xf32, #tpu.memory_space<vmem>>
        %dma_wait3A_935 = arith.constant 0 : i32
        %dma_wait3A_936 = arith.constant 0 : i32
        %dma_wait3A_937 = tpu.memref_slice %arg4[%add3A_923, %dma_wait3A_935, %dma_wait3A_936] : memref<4096x50x128xf32, #tpu.memory_space<hbm>> -> memref<1x50x128xf32, #tpu.memory_space<hbm>>
        %dma_wait3A_938 = tpu.memref_squeeze %dma_wait3A_937 : memref<1x50x128xf32, #tpu.memory_space<hbm>> -> memref<50x128xf32, #tpu.memory_space<hbm>>
        %dma_wait3A_939 = tpu.memref_slice %arg8[%dma_wait3A_930] : memref<8x!tpu.dma_semaphore, #tpu.memory_space<semaphore_mem>> -> memref<1x!tpu.dma_semaphore, #tpu.memory_space<semaphore_mem>>
        %dma_wait3A_940 = tpu.memref_squeeze %dma_wait3A_939 : memref<1x!tpu.dma_semaphore, #tpu.memory_space<semaphore_mem>> -> memref<!tpu.dma_semaphore, #tpu.memory_space<semaphore_mem>>
        %dma_wait3A_941 = arith.constant 0 : i32
        %dma_wait3A_942 = arith.constant 0 : i32
        %dma_wait3A_943 = tpu.memref_slice %arg4[%add3A_923, %dma_wait3A_941, %dma_wait3A_942] : memref<4096x50x128xf32, #tpu.memory_space<hbm>> -> memref<1x50x128xf32, #tpu.memory_space<hbm>>
        %dma_wait3A_944 = tpu.memref_squeeze %dma_wait3A_943 : memref<1x50x128xf32, #tpu.memory_space<hbm>> -> memref<50x128xf32, #tpu.memory_space<hbm>>
        %dma_wait3A_945 = arith.constant 0 : i32
        %dma_wait3A_946 = arith.constant 0 : i32
        %dma_wait3A_947 = tpu.memref_slice %arg6[%dma_wait3A_929, %dma_wait3A_945, %dma_wait3A_946] : memref<8x100x128xf32, #tpu.memory_space<vmem>> -> memref<1x50x128xf32, #tpu.memory_space<vmem>>
        %dma_wait3A_948 = tpu.memref_squeeze %dma_wait3A_947 : memref<1x50x128xf32, #tpu.memory_space<vmem>> -> memref<50x128xf32, #tpu.memory_space<vmem>>
        tpu.wait_dma2 semaphore(%dma_wait3A_940 : memref<!tpu.dma_semaphore, #tpu.memory_space<semaphore_mem>>) src(%dma_wait3A_948 : memref<50x128xf32, #tpu.memory_space<vmem>>) dst(%dma_wait3A_944 : memref<50x128xf32, #tpu.memory_space<hbm>>)
        %dma_wait3A_949 = arith.constant 1 : i32
        %dma_wait3A_950 = arith.constant 1 : i32
        %dma_wait3A_951 = arith.constant 50 : i32
        %dma_wait3A_952 = arith.constant 0 : i32
        %dma_wait3A_953 = tpu.memref_slice %arg6[%dma_wait3A_949, %dma_wait3A_951, %dma_wait3A_952] : memref<8x100x128xf32, #tpu.memory_space<vmem>> -> memref<1x50x128xf32, #tpu.memory_space<vmem>>
        %dma_wait3A_954 = tpu.memref_squeeze %dma_wait3A_953 : memref<1x50x128xf32, #tpu.memory_space<vmem>> -> memref<50x128xf32, #tpu.memory_space<vmem>>
        %dma_wait3A_955 = arith.constant 0 : i32
        %dma_wait3A_956 = arith.constant 0 : i32
        %dma_wait3A_957 = tpu.memref_slice %arg4[%add3A_928, %dma_wait3A_955, %dma_wait3A_956] : memref<4096x50x128xf32, #tpu.memory_space<hbm>> -> memref<1x50x128xf32, #tpu.memory_space<hbm>>
        %dma_wait3A_958 = tpu.memref_squeeze %dma_wait3A_957 : memref<1x50x128xf32, #tpu.memory_space<hbm>> -> memref<50x128xf32, #tpu.memory_space<hbm>>
        %dma_wait3A_959 = tpu.memref_slice %arg8[%dma_wait3A_950] : memref<8x!tpu.dma_semaphore, #tpu.memory_space<semaphore_mem>> -> memref<1x!tpu.dma_semaphore, #tpu.memory_space<semaphore_mem>>
        %dma_wait3A_960 = tpu.memref_squeeze %dma_wait3A_959 : memref<1x!tpu.dma_semaphore, #tpu.memory_space<semaphore_mem>> -> memref<!tpu.dma_semaphore, #tpu.memory_space<semaphore_mem>>
        %dma_wait3A_961 = arith.constant 0 : i32
        %dma_wait3A_962 = arith.constant 0 : i32
        %dma_wait3A_963 = tpu.memref_slice %arg4[%add3A_928, %dma_wait3A_961, %dma_wait3A_962] : memref<4096x50x128xf32, #tpu.memory_space<hbm>> -> memref<1x50x128xf32, #tpu.memory_space<hbm>>
        %dma_wait3A_964 = tpu.memref_squeeze %dma_wait3A_963 : memref<1x50x128xf32, #tpu.memory_space<hbm>> -> memref<50x128xf32, #tpu.memory_space<hbm>>
        %dma_wait3A_965 = arith.constant 50 : i32
        %dma_wait3A_966 = arith.constant 0 : i32
        %dma_wait3A_967 = tpu.memref_slice %arg6[%dma_wait3A_949, %dma_wait3A_965, %dma_wait3A_966] : memref<8x100x128xf32, #tpu.memory_space<vmem>> -> memref<1x50x128xf32, #tpu.memory_space<vmem>>
        %dma_wait3A_968 = tpu.memref_squeeze %dma_wait3A_967 : memref<1x50x128xf32, #tpu.memory_space<vmem>> -> memref<50x128xf32, #tpu.memory_space<vmem>>
        tpu.wait_dma2 semaphore(%dma_wait3A_960 : memref<!tpu.dma_semaphore, #tpu.memory_space<semaphore_mem>>) src(%dma_wait3A_968 : memref<50x128xf32, #tpu.memory_space<vmem>>) dst(%dma_wait3A_964 : memref<50x128xf32, #tpu.memory_space<hbm>>)
      } else {
      }
      %add3A_679 = arith.constant 4 : i32
      %add3A_680 = arith.addi %add3A_669, %add3A_679 : i32
      %lt3A_681 = arith.constant 64 : i32
      %lt3A_682 = arith.cmpi slt, %add3A_680, %lt3A_681 : i32
      %convert_element_type3A_683 = arith.extui %lt3A_682 : i1 to i32
      %cond3A_684 = arith.constant 0 : i32
      %cond3A_685 = arith.cmpi ne, %convert_element_type3A_683, %cond3A_684 : i32
      scf.if %cond3A_685 {
        %add3A_915 = arith.constant 4 : i32
        %add3A_916 = arith.addi %add3A_669, %add3A_915 : i32
        %dma_start3A_917 = arith.constant 1 : i32
        %dma_start3A_918 = arith.constant 1 : i32
        %dma_start3A_919 = arith.constant 0 : i32
        %dma_start3A_920 = arith.constant 0 : i32
        %dma_start3A_921 = tpu.memref_slice %arg6[%dma_start3A_917, %dma_start3A_919, %dma_start3A_920] : memref<8x100x128xf32, #tpu.memory_space<vmem>> -> memref<1x100x128xf32, #tpu.memory_space<vmem>>
        %dma_start3A_922 = tpu.memref_squeeze %dma_start3A_921 : memref<1x100x128xf32, #tpu.memory_space<vmem>> -> memref<100x128xf32, #tpu.memory_space<vmem>>
        %dma_start3A_923 = arith.constant 0 : i32
        %dma_start3A_924 = tpu.memref_slice %arg5[%add3A_916, %dma_start3A_923] : memref<64x112xi32, #tpu.memory_space<vmem>> -> memref<1x100xi32, #tpu.memory_space<vmem>>
        %dma_start3A_925 = tpu.memref_squeeze %dma_start3A_924 : memref<1x100xi32, #tpu.memory_space<vmem>> -> memref<100xi32, #tpu.memory_space<vmem>>
        %dma_start3A_926 = arith.constant 0 : i32
        %dma_start3A_927 = arith.constant 0 : i32
        %dma_start3A_928 = tpu.memref_slice %arg2[%dma_start3A_926, %dma_start3A_927] : memref<8192x128xf32, #tpu.memory_space<hbm>> -> memref<8192x128xf32, #tpu.memory_space<hbm>>
        %dma_start3A_929 = tpu.memref_slice %arg7[%dma_start3A_918] : memref<8x!tpu.dma_semaphore, #tpu.memory_space<semaphore_mem>> -> memref<1x!tpu.dma_semaphore, #tpu.memory_space<semaphore_mem>>
        %dma_start3A_930 = tpu.memref_squeeze %dma_start3A_929 : memref<1x!tpu.dma_semaphore, #tpu.memory_space<semaphore_mem>> -> memref<!tpu.dma_semaphore, #tpu.memory_space<semaphore_mem>>
        tpu.enqueue_indirect_dma source(%dma_start3A_928 : memref<8192x128xf32, #tpu.memory_space<hbm>>) target(%dma_start3A_922 : memref<100x128xf32, #tpu.memory_space<vmem>>) offsets(%dma_start3A_925 : memref<100xi32, #tpu.memory_space<vmem>>) semaphore(%dma_start3A_930 : memref<!tpu.dma_semaphore, #tpu.memory_space<semaphore_mem>>)
      } else {
      }
      %dma_wait3A_686 = arith.constant 5 : i32
      %dma_wait3A_687 = arith.constant 5 : i32
      %dma_wait3A_688 = arith.constant 0 : i32
      %dma_wait3A_689 = arith.constant 0 : i32
      %dma_wait3A_690 = tpu.memref_slice %arg6[%dma_wait3A_686, %dma_wait3A_688, %dma_wait3A_689] : memref<8x100x128xf32, #tpu.memory_space<vmem>> -> memref<1x100x128xf32, #tpu.memory_space<vmem>>
      %dma_wait3A_691 = tpu.memref_squeeze %dma_wait3A_690 : memref<1x100x128xf32, #tpu.memory_space<vmem>> -> memref<100x128xf32, #tpu.memory_space<vmem>>
      %dma_wait3A_692 = arith.constant 0 : i32
      %dma_wait3A_693 = tpu.memref_slice %arg5[%add3A_669, %dma_wait3A_692] : memref<64x112xi32, #tpu.memory_space<vmem>> -> memref<1x100xi32, #tpu.memory_space<vmem>>
      %dma_wait3A_694 = tpu.memref_squeeze %dma_wait3A_693 : memref<1x100xi32, #tpu.memory_space<vmem>> -> memref<100xi32, #tpu.memory_space<vmem>>
      %dma_wait3A_695 = arith.constant 0 : i32
      %dma_wait3A_696 = arith.constant 0 : i32
      %dma_wait3A_697 = tpu.memref_slice %arg2[%dma_wait3A_695, %dma_wait3A_696] : memref<8192x128xf32, #tpu.memory_space<hbm>> -> memref<8192x128xf32, #tpu.memory_space<hbm>>
      %dma_wait3A_698 = tpu.memref_slice %arg7[%dma_wait3A_687] : memref<8x!tpu.dma_semaphore, #tpu.memory_space<semaphore_mem>> -> memref<1x!tpu.dma_semaphore, #tpu.memory_space<semaphore_mem>>
      %dma_wait3A_699 = tpu.memref_squeeze %dma_wait3A_698 : memref<1x!tpu.dma_semaphore, #tpu.memory_space<semaphore_mem>> -> memref<!tpu.dma_semaphore, #tpu.memory_space<semaphore_mem>>
      tpu.wait_indirect_dma semaphore(%dma_wait3A_699 : memref<!tpu.dma_semaphore, #tpu.memory_space<semaphore_mem>>) src(%dma_wait3A_697 : memref<8192x128xf32, #tpu.memory_space<hbm>>) dst(%dma_wait3A_691 : memref<100x128xf32, #tpu.memory_space<vmem>>)
      %mul3A_700 = arith.constant 2 : i32
      %mul3A_701 = arith.muli %add3A_669, %mul3A_700 : i32
      %add3A_702 = arith.addi %mul3A_2, %mul3A_701 : i32
      %add3A_703 = arith.constant 0 : i32
      %add3A_704 = arith.addi %add3A_702, %add3A_703 : i32
      %mul3A_705 = arith.constant 2 : i32
      %mul3A_706 = arith.muli %add3A_669, %mul3A_705 : i32
      %add3A_707 = arith.addi %mul3A_2, %mul3A_706 : i32
      %add3A_708 = arith.constant 1 : i32
      %add3A_709 = arith.addi %add3A_707, %add3A_708 : i32
      %dma_start3A_710 = arith.constant 5 : i32
      %dma_start3A_711 = arith.constant 5 : i32
      %dma_start3A_712 = arith.constant 0 : i32
      %dma_start3A_713 = arith.constant 0 : i32
      %dma_start3A_714 = tpu.memref_slice %arg6[%dma_start3A_710, %dma_start3A_712, %dma_start3A_713] : memref<8x100x128xf32, #tpu.memory_space<vmem>> -> memref<1x50x128xf32, #tpu.memory_space<vmem>>
      %dma_start3A_715 = tpu.memref_squeeze %dma_start3A_714 : memref<1x50x128xf32, #tpu.memory_space<vmem>> -> memref<50x128xf32, #tpu.memory_space<vmem>>
      %dma_start3A_716 = arith.constant 0 : i32
      %dma_start3A_717 = arith.constant 0 : i32
      %dma_start3A_718 = tpu.memref_slice %arg4[%add3A_704, %dma_start3A_716, %dma_start3A_717] : memref<4096x50x128xf32, #tpu.memory_space<hbm>> -> memref<1x50x128xf32, #tpu.memory_space<hbm>>
      %dma_start3A_719 = tpu.memref_squeeze %dma_start3A_718 : memref<1x50x128xf32, #tpu.memory_space<hbm>> -> memref<50x128xf32, #tpu.memory_space<hbm>>
      %dma_start3A_720 = tpu.memref_slice %arg8[%dma_start3A_711] : memref<8x!tpu.dma_semaphore, #tpu.memory_space<semaphore_mem>> -> memref<1x!tpu.dma_semaphore, #tpu.memory_space<semaphore_mem>>
      %dma_start3A_721 = tpu.memref_squeeze %dma_start3A_720 : memref<1x!tpu.dma_semaphore, #tpu.memory_space<semaphore_mem>> -> memref<!tpu.dma_semaphore, #tpu.memory_space<semaphore_mem>>
      %dma_start3A_722 = arith.constant 0 : i32
      %dma_start3A_723 = arith.constant 0 : i32
      %dma_start3A_724 = tpu.memref_slice %arg4[%add3A_704, %dma_start3A_722, %dma_start3A_723] : memref<4096x50x128xf32, #tpu.memory_space<hbm>> -> memref<1x50x128xf32, #tpu.memory_space<hbm>>
      %dma_start3A_725 = tpu.memref_squeeze %dma_start3A_724 : memref<1x50x128xf32, #tpu.memory_space<hbm>> -> memref<50x128xf32, #tpu.memory_space<hbm>>
      %dma_start3A_726 = arith.constant 0 : i32
      %dma_start3A_727 = arith.constant 0 : i32
      %dma_start3A_728 = tpu.memref_slice %arg6[%dma_start3A_710, %dma_start3A_726, %dma_start3A_727] : memref<8x100x128xf32, #tpu.memory_space<vmem>> -> memref<1x50x128xf32, #tpu.memory_space<vmem>>
      %dma_start3A_729 = tpu.memref_squeeze %dma_start3A_728 : memref<1x50x128xf32, #tpu.memory_space<vmem>> -> memref<50x128xf32, #tpu.memory_space<vmem>>
      tpu.enqueue_dma source(%dma_start3A_729 : memref<50x128xf32, #tpu.memory_space<vmem>>) target(%dma_start3A_725 : memref<50x128xf32, #tpu.memory_space<hbm>>) target_semaphore(%dma_start3A_721 : memref<!tpu.dma_semaphore, #tpu.memory_space<semaphore_mem>>)
      %dma_start3A_730 = arith.constant 5 : i32
      %dma_start3A_731 = arith.constant 5 : i32
      %dma_start3A_732 = arith.constant 50 : i32
      %dma_start3A_733 = arith.constant 0 : i32
      %dma_start3A_734 = tpu.memref_slice %arg6[%dma_start3A_730, %dma_start3A_732, %dma_start3A_733] : memref<8x100x128xf32, #tpu.memory_space<vmem>> -> memref<1x50x128xf32, #tpu.memory_space<vmem>>
      %dma_start3A_735 = tpu.memref_squeeze %dma_start3A_734 : memref<1x50x128xf32, #tpu.memory_space<vmem>> -> memref<50x128xf32, #tpu.memory_space<vmem>>
      %dma_start3A_736 = arith.constant 0 : i32
      %dma_start3A_737 = arith.constant 0 : i32
      %dma_start3A_738 = tpu.memref_slice %arg4[%add3A_709, %dma_start3A_736, %dma_start3A_737] : memref<4096x50x128xf32, #tpu.memory_space<hbm>> -> memref<1x50x128xf32, #tpu.memory_space<hbm>>
      %dma_start3A_739 = tpu.memref_squeeze %dma_start3A_738 : memref<1x50x128xf32, #tpu.memory_space<hbm>> -> memref<50x128xf32, #tpu.memory_space<hbm>>
      %dma_start3A_740 = tpu.memref_slice %arg8[%dma_start3A_731] : memref<8x!tpu.dma_semaphore, #tpu.memory_space<semaphore_mem>> -> memref<1x!tpu.dma_semaphore, #tpu.memory_space<semaphore_mem>>
      %dma_start3A_741 = tpu.memref_squeeze %dma_start3A_740 : memref<1x!tpu.dma_semaphore, #tpu.memory_space<semaphore_mem>> -> memref<!tpu.dma_semaphore, #tpu.memory_space<semaphore_mem>>
      %dma_start3A_742 = arith.constant 0 : i32
      %dma_start3A_743 = arith.constant 0 : i32
      %dma_start3A_744 = tpu.memref_slice %arg4[%add3A_709, %dma_start3A_742, %dma_start3A_743] : memref<4096x50x128xf32, #tpu.memory_space<hbm>> -> memref<1x50x128xf32, #tpu.memory_space<hbm>>
      %dma_start3A_745 = tpu.memref_squeeze %dma_start3A_744 : memref<1x50x128xf32, #tpu.memory_space<hbm>> -> memref<50x128xf32, #tpu.memory_space<hbm>>
      %dma_start3A_746 = arith.constant 50 : i32
      %dma_start3A_747 = arith.constant 0 : i32
      %dma_start3A_748 = tpu.memref_slice %arg6[%dma_start3A_730, %dma_start3A_746, %dma_start3A_747] : memref<8x100x128xf32, #tpu.memory_space<vmem>> -> memref<1x50x128xf32, #tpu.memory_space<vmem>>
      %dma_start3A_749 = tpu.memref_squeeze %dma_start3A_748 : memref<1x50x128xf32, #tpu.memory_space<vmem>> -> memref<50x128xf32, #tpu.memory_space<vmem>>
      tpu.enqueue_dma source(%dma_start3A_749 : memref<50x128xf32, #tpu.memory_space<vmem>>) target(%dma_start3A_745 : memref<50x128xf32, #tpu.memory_space<hbm>>) target_semaphore(%dma_start3A_741 : memref<!tpu.dma_semaphore, #tpu.memory_space<semaphore_mem>>)
      %add3A_750 = arith.constant 6 : i32
      %add3A_751 = arith.addi %mul3A_262, %add3A_750 : i32
      %add3A_752 = arith.constant 4 : i32
      %add3A_753 = arith.addi %add3A_751, %add3A_752 : i32
      %sub3A_754 = arith.constant 8 : i32
      %sub3A_755 = arith.subi %add3A_753, %sub3A_754 : i32
      %ge3A_756 = arith.constant 0 : i32
      %ge3A_757 = arith.cmpi sge, %sub3A_755, %ge3A_756 : i32
      %convert_element_type3A_758 = arith.extui %ge3A_757 : i1 to i32
      %cond3A_759 = arith.constant 0 : i32
      %cond3A_760 = arith.cmpi ne, %convert_element_type3A_758, %cond3A_759 : i32
      scf.if %cond3A_760 {
        %add3A_915 = arith.constant 4 : i32
        %add3A_916 = arith.addi %add3A_751, %add3A_915 : i32
        %sub3A_917 = arith.constant 8 : i32
        %sub3A_918 = arith.subi %add3A_916, %sub3A_917 : i32
        %mul3A_919 = arith.constant 2 : i32
        %mul3A_920 = arith.muli %sub3A_918, %mul3A_919 : i32
        %add3A_921 = arith.addi %mul3A_2, %mul3A_920 : i32
        %add3A_922 = arith.constant 0 : i32
        %add3A_923 = arith.addi %add3A_921, %add3A_922 : i32
        %mul3A_924 = arith.constant 2 : i32
        %mul3A_925 = arith.muli %sub3A_918, %mul3A_924 : i32
        %add3A_926 = arith.addi %mul3A_2, %mul3A_925 : i32
        %add3A_927 = arith.constant 1 : i32
        %add3A_928 = arith.addi %add3A_926, %add3A_927 : i32
        %dma_wait3A_929 = arith.constant 2 : i32
        %dma_wait3A_930 = arith.constant 2 : i32
        %dma_wait3A_931 = arith.constant 0 : i32
        %dma_wait3A_932 = arith.constant 0 : i32
        %dma_wait3A_933 = tpu.memref_slice %arg6[%dma_wait3A_929, %dma_wait3A_931, %dma_wait3A_932] : memref<8x100x128xf32, #tpu.memory_space<vmem>> -> memref<1x50x128xf32, #tpu.memory_space<vmem>>
        %dma_wait3A_934 = tpu.memref_squeeze %dma_wait3A_933 : memref<1x50x128xf32, #tpu.memory_space<vmem>> -> memref<50x128xf32, #tpu.memory_space<vmem>>
        %dma_wait3A_935 = arith.constant 0 : i32
        %dma_wait3A_936 = arith.constant 0 : i32
        %dma_wait3A_937 = tpu.memref_slice %arg4[%add3A_923, %dma_wait3A_935, %dma_wait3A_936] : memref<4096x50x128xf32, #tpu.memory_space<hbm>> -> memref<1x50x128xf32, #tpu.memory_space<hbm>>
        %dma_wait3A_938 = tpu.memref_squeeze %dma_wait3A_937 : memref<1x50x128xf32, #tpu.memory_space<hbm>> -> memref<50x128xf32, #tpu.memory_space<hbm>>
        %dma_wait3A_939 = tpu.memref_slice %arg8[%dma_wait3A_930] : memref<8x!tpu.dma_semaphore, #tpu.memory_space<semaphore_mem>> -> memref<1x!tpu.dma_semaphore, #tpu.memory_space<semaphore_mem>>
        %dma_wait3A_940 = tpu.memref_squeeze %dma_wait3A_939 : memref<1x!tpu.dma_semaphore, #tpu.memory_space<semaphore_mem>> -> memref<!tpu.dma_semaphore, #tpu.memory_space<semaphore_mem>>
        %dma_wait3A_941 = arith.constant 0 : i32
        %dma_wait3A_942 = arith.constant 0 : i32
        %dma_wait3A_943 = tpu.memref_slice %arg4[%add3A_923, %dma_wait3A_941, %dma_wait3A_942] : memref<4096x50x128xf32, #tpu.memory_space<hbm>> -> memref<1x50x128xf32, #tpu.memory_space<hbm>>
        %dma_wait3A_944 = tpu.memref_squeeze %dma_wait3A_943 : memref<1x50x128xf32, #tpu.memory_space<hbm>> -> memref<50x128xf32, #tpu.memory_space<hbm>>
        %dma_wait3A_945 = arith.constant 0 : i32
        %dma_wait3A_946 = arith.constant 0 : i32
        %dma_wait3A_947 = tpu.memref_slice %arg6[%dma_wait3A_929, %dma_wait3A_945, %dma_wait3A_946] : memref<8x100x128xf32, #tpu.memory_space<vmem>> -> memref<1x50x128xf32, #tpu.memory_space<vmem>>
        %dma_wait3A_948 = tpu.memref_squeeze %dma_wait3A_947 : memref<1x50x128xf32, #tpu.memory_space<vmem>> -> memref<50x128xf32, #tpu.memory_space<vmem>>
        tpu.wait_dma2 semaphore(%dma_wait3A_940 : memref<!tpu.dma_semaphore, #tpu.memory_space<semaphore_mem>>) src(%dma_wait3A_948 : memref<50x128xf32, #tpu.memory_space<vmem>>) dst(%dma_wait3A_944 : memref<50x128xf32, #tpu.memory_space<hbm>>)
        %dma_wait3A_949 = arith.constant 2 : i32
        %dma_wait3A_950 = arith.constant 2 : i32
        %dma_wait3A_951 = arith.constant 50 : i32
        %dma_wait3A_952 = arith.constant 0 : i32
        %dma_wait3A_953 = tpu.memref_slice %arg6[%dma_wait3A_949, %dma_wait3A_951, %dma_wait3A_952] : memref<8x100x128xf32, #tpu.memory_space<vmem>> -> memref<1x50x128xf32, #tpu.memory_space<vmem>>
        %dma_wait3A_954 = tpu.memref_squeeze %dma_wait3A_953 : memref<1x50x128xf32, #tpu.memory_space<vmem>> -> memref<50x128xf32, #tpu.memory_space<vmem>>
        %dma_wait3A_955 = arith.constant 0 : i32
        %dma_wait3A_956 = arith.constant 0 : i32
        %dma_wait3A_957 = tpu.memref_slice %arg4[%add3A_928, %dma_wait3A_955, %dma_wait3A_956] : memref<4096x50x128xf32, #tpu.memory_space<hbm>> -> memref<1x50x128xf32, #tpu.memory_space<hbm>>
        %dma_wait3A_958 = tpu.memref_squeeze %dma_wait3A_957 : memref<1x50x128xf32, #tpu.memory_space<hbm>> -> memref<50x128xf32, #tpu.memory_space<hbm>>
        %dma_wait3A_959 = tpu.memref_slice %arg8[%dma_wait3A_950] : memref<8x!tpu.dma_semaphore, #tpu.memory_space<semaphore_mem>> -> memref<1x!tpu.dma_semaphore, #tpu.memory_space<semaphore_mem>>
        %dma_wait3A_960 = tpu.memref_squeeze %dma_wait3A_959 : memref<1x!tpu.dma_semaphore, #tpu.memory_space<semaphore_mem>> -> memref<!tpu.dma_semaphore, #tpu.memory_space<semaphore_mem>>
        %dma_wait3A_961 = arith.constant 0 : i32
        %dma_wait3A_962 = arith.constant 0 : i32
        %dma_wait3A_963 = tpu.memref_slice %arg4[%add3A_928, %dma_wait3A_961, %dma_wait3A_962] : memref<4096x50x128xf32, #tpu.memory_space<hbm>> -> memref<1x50x128xf32, #tpu.memory_space<hbm>>
        %dma_wait3A_964 = tpu.memref_squeeze %dma_wait3A_963 : memref<1x50x128xf32, #tpu.memory_space<hbm>> -> memref<50x128xf32, #tpu.memory_space<hbm>>
        %dma_wait3A_965 = arith.constant 50 : i32
        %dma_wait3A_966 = arith.constant 0 : i32
        %dma_wait3A_967 = tpu.memref_slice %arg6[%dma_wait3A_949, %dma_wait3A_965, %dma_wait3A_966] : memref<8x100x128xf32, #tpu.memory_space<vmem>> -> memref<1x50x128xf32, #tpu.memory_space<vmem>>
        %dma_wait3A_968 = tpu.memref_squeeze %dma_wait3A_967 : memref<1x50x128xf32, #tpu.memory_space<vmem>> -> memref<50x128xf32, #tpu.memory_space<vmem>>
        tpu.wait_dma2 semaphore(%dma_wait3A_960 : memref<!tpu.dma_semaphore, #tpu.memory_space<semaphore_mem>>) src(%dma_wait3A_968 : memref<50x128xf32, #tpu.memory_space<vmem>>) dst(%dma_wait3A_964 : memref<50x128xf32, #tpu.memory_space<hbm>>)
      } else {
      }
      %add3A_761 = arith.constant 4 : i32
      %add3A_762 = arith.addi %add3A_751, %add3A_761 : i32
      %lt3A_763 = arith.constant 64 : i32
      %lt3A_764 = arith.cmpi slt, %add3A_762, %lt3A_763 : i32
      %convert_element_type3A_765 = arith.extui %lt3A_764 : i1 to i32
      %cond3A_766 = arith.constant 0 : i32
      %cond3A_767 = arith.cmpi ne, %convert_element_type3A_765, %cond3A_766 : i32
      scf.if %cond3A_767 {
        %add3A_915 = arith.constant 4 : i32
        %add3A_916 = arith.addi %add3A_751, %add3A_915 : i32
        %dma_start3A_917 = arith.constant 2 : i32
        %dma_start3A_918 = arith.constant 2 : i32
        %dma_start3A_919 = arith.constant 0 : i32
        %dma_start3A_920 = arith.constant 0 : i32
        %dma_start3A_921 = tpu.memref_slice %arg6[%dma_start3A_917, %dma_start3A_919, %dma_start3A_920] : memref<8x100x128xf32, #tpu.memory_space<vmem>> -> memref<1x100x128xf32, #tpu.memory_space<vmem>>
        %dma_start3A_922 = tpu.memref_squeeze %dma_start3A_921 : memref<1x100x128xf32, #tpu.memory_space<vmem>> -> memref<100x128xf32, #tpu.memory_space<vmem>>
        %dma_start3A_923 = arith.constant 0 : i32
        %dma_start3A_924 = tpu.memref_slice %arg5[%add3A_916, %dma_start3A_923] : memref<64x112xi32, #tpu.memory_space<vmem>> -> memref<1x100xi32, #tpu.memory_space<vmem>>
        %dma_start3A_925 = tpu.memref_squeeze %dma_start3A_924 : memref<1x100xi32, #tpu.memory_space<vmem>> -> memref<100xi32, #tpu.memory_space<vmem>>
        %dma_start3A_926 = arith.constant 0 : i32
        %dma_start3A_927 = arith.constant 0 : i32
        %dma_start3A_928 = tpu.memref_slice %arg2[%dma_start3A_926, %dma_start3A_927] : memref<8192x128xf32, #tpu.memory_space<hbm>> -> memref<8192x128xf32, #tpu.memory_space<hbm>>
        %dma_start3A_929 = tpu.memref_slice %arg7[%dma_start3A_918] : memref<8x!tpu.dma_semaphore, #tpu.memory_space<semaphore_mem>> -> memref<1x!tpu.dma_semaphore, #tpu.memory_space<semaphore_mem>>
        %dma_start3A_930 = tpu.memref_squeeze %dma_start3A_929 : memref<1x!tpu.dma_semaphore, #tpu.memory_space<semaphore_mem>> -> memref<!tpu.dma_semaphore, #tpu.memory_space<semaphore_mem>>
        tpu.enqueue_indirect_dma source(%dma_start3A_928 : memref<8192x128xf32, #tpu.memory_space<hbm>>) target(%dma_start3A_922 : memref<100x128xf32, #tpu.memory_space<vmem>>) offsets(%dma_start3A_925 : memref<100xi32, #tpu.memory_space<vmem>>) semaphore(%dma_start3A_930 : memref<!tpu.dma_semaphore, #tpu.memory_space<semaphore_mem>>)
      } else {
      }
      %dma_wait3A_768 = arith.constant 6 : i32
      %dma_wait3A_769 = arith.constant 6 : i32
      %dma_wait3A_770 = arith.constant 0 : i32
      %dma_wait3A_771 = arith.constant 0 : i32
      %dma_wait3A_772 = tpu.memref_slice %arg6[%dma_wait3A_768, %dma_wait3A_770, %dma_wait3A_771] : memref<8x100x128xf32, #tpu.memory_space<vmem>> -> memref<1x100x128xf32, #tpu.memory_space<vmem>>
      %dma_wait3A_773 = tpu.memref_squeeze %dma_wait3A_772 : memref<1x100x128xf32, #tpu.memory_space<vmem>> -> memref<100x128xf32, #tpu.memory_space<vmem>>
      %dma_wait3A_774 = arith.constant 0 : i32
      %dma_wait3A_775 = tpu.memref_slice %arg5[%add3A_751, %dma_wait3A_774] : memref<64x112xi32, #tpu.memory_space<vmem>> -> memref<1x100xi32, #tpu.memory_space<vmem>>
      %dma_wait3A_776 = tpu.memref_squeeze %dma_wait3A_775 : memref<1x100xi32, #tpu.memory_space<vmem>> -> memref<100xi32, #tpu.memory_space<vmem>>
      %dma_wait3A_777 = arith.constant 0 : i32
      %dma_wait3A_778 = arith.constant 0 : i32
      %dma_wait3A_779 = tpu.memref_slice %arg2[%dma_wait3A_777, %dma_wait3A_778] : memref<8192x128xf32, #tpu.memory_space<hbm>> -> memref<8192x128xf32, #tpu.memory_space<hbm>>
      %dma_wait3A_780 = tpu.memref_slice %arg7[%dma_wait3A_769] : memref<8x!tpu.dma_semaphore, #tpu.memory_space<semaphore_mem>> -> memref<1x!tpu.dma_semaphore, #tpu.memory_space<semaphore_mem>>
      %dma_wait3A_781 = tpu.memref_squeeze %dma_wait3A_780 : memref<1x!tpu.dma_semaphore, #tpu.memory_space<semaphore_mem>> -> memref<!tpu.dma_semaphore, #tpu.memory_space<semaphore_mem>>
      tpu.wait_indirect_dma semaphore(%dma_wait3A_781 : memref<!tpu.dma_semaphore, #tpu.memory_space<semaphore_mem>>) src(%dma_wait3A_779 : memref<8192x128xf32, #tpu.memory_space<hbm>>) dst(%dma_wait3A_773 : memref<100x128xf32, #tpu.memory_space<vmem>>)
      %mul3A_782 = arith.constant 2 : i32
      %mul3A_783 = arith.muli %add3A_751, %mul3A_782 : i32
      %add3A_784 = arith.addi %mul3A_2, %mul3A_783 : i32
      %add3A_785 = arith.constant 0 : i32
      %add3A_786 = arith.addi %add3A_784, %add3A_785 : i32
      %mul3A_787 = arith.constant 2 : i32
      %mul3A_788 = arith.muli %add3A_751, %mul3A_787 : i32
      %add3A_789 = arith.addi %mul3A_2, %mul3A_788 : i32
      %add3A_790 = arith.constant 1 : i32
      %add3A_791 = arith.addi %add3A_789, %add3A_790 : i32
      %dma_start3A_792 = arith.constant 6 : i32
      %dma_start3A_793 = arith.constant 6 : i32
      %dma_start3A_794 = arith.constant 0 : i32
      %dma_start3A_795 = arith.constant 0 : i32
      %dma_start3A_796 = tpu.memref_slice %arg6[%dma_start3A_792, %dma_start3A_794, %dma_start3A_795] : memref<8x100x128xf32, #tpu.memory_space<vmem>> -> memref<1x50x128xf32, #tpu.memory_space<vmem>>
      %dma_start3A_797 = tpu.memref_squeeze %dma_start3A_796 : memref<1x50x128xf32, #tpu.memory_space<vmem>> -> memref<50x128xf32, #tpu.memory_space<vmem>>
      %dma_start3A_798 = arith.constant 0 : i32
      %dma_start3A_799 = arith.constant 0 : i32
      %dma_start3A_800 = tpu.memref_slice %arg4[%add3A_786, %dma_start3A_798, %dma_start3A_799] : memref<4096x50x128xf32, #tpu.memory_space<hbm>> -> memref<1x50x128xf32, #tpu.memory_space<hbm>>
      %dma_start3A_801 = tpu.memref_squeeze %dma_start3A_800 : memref<1x50x128xf32, #tpu.memory_space<hbm>> -> memref<50x128xf32, #tpu.memory_space<hbm>>
      %dma_start3A_802 = tpu.memref_slice %arg8[%dma_start3A_793] : memref<8x!tpu.dma_semaphore, #tpu.memory_space<semaphore_mem>> -> memref<1x!tpu.dma_semaphore, #tpu.memory_space<semaphore_mem>>
      %dma_start3A_803 = tpu.memref_squeeze %dma_start3A_802 : memref<1x!tpu.dma_semaphore, #tpu.memory_space<semaphore_mem>> -> memref<!tpu.dma_semaphore, #tpu.memory_space<semaphore_mem>>
      %dma_start3A_804 = arith.constant 0 : i32
      %dma_start3A_805 = arith.constant 0 : i32
      %dma_start3A_806 = tpu.memref_slice %arg4[%add3A_786, %dma_start3A_804, %dma_start3A_805] : memref<4096x50x128xf32, #tpu.memory_space<hbm>> -> memref<1x50x128xf32, #tpu.memory_space<hbm>>
      %dma_start3A_807 = tpu.memref_squeeze %dma_start3A_806 : memref<1x50x128xf32, #tpu.memory_space<hbm>> -> memref<50x128xf32, #tpu.memory_space<hbm>>
      %dma_start3A_808 = arith.constant 0 : i32
      %dma_start3A_809 = arith.constant 0 : i32
      %dma_start3A_810 = tpu.memref_slice %arg6[%dma_start3A_792, %dma_start3A_808, %dma_start3A_809] : memref<8x100x128xf32, #tpu.memory_space<vmem>> -> memref<1x50x128xf32, #tpu.memory_space<vmem>>
      %dma_start3A_811 = tpu.memref_squeeze %dma_start3A_810 : memref<1x50x128xf32, #tpu.memory_space<vmem>> -> memref<50x128xf32, #tpu.memory_space<vmem>>
      tpu.enqueue_dma source(%dma_start3A_811 : memref<50x128xf32, #tpu.memory_space<vmem>>) target(%dma_start3A_807 : memref<50x128xf32, #tpu.memory_space<hbm>>) target_semaphore(%dma_start3A_803 : memref<!tpu.dma_semaphore, #tpu.memory_space<semaphore_mem>>)
      %dma_start3A_812 = arith.constant 6 : i32
      %dma_start3A_813 = arith.constant 6 : i32
      %dma_start3A_814 = arith.constant 50 : i32
      %dma_start3A_815 = arith.constant 0 : i32
      %dma_start3A_816 = tpu.memref_slice %arg6[%dma_start3A_812, %dma_start3A_814, %dma_start3A_815] : memref<8x100x128xf32, #tpu.memory_space<vmem>> -> memref<1x50x128xf32, #tpu.memory_space<vmem>>
      %dma_start3A_817 = tpu.memref_squeeze %dma_start3A_816 : memref<1x50x128xf32, #tpu.memory_space<vmem>> -> memref<50x128xf32, #tpu.memory_space<vmem>>
      %dma_start3A_818 = arith.constant 0 : i32
      %dma_start3A_819 = arith.constant 0 : i32
      %dma_start3A_820 = tpu.memref_slice %arg4[%add3A_791, %dma_start3A_818, %dma_start3A_819] : memref<4096x50x128xf32, #tpu.memory_space<hbm>> -> memref<1x50x128xf32, #tpu.memory_space<hbm>>
      %dma_start3A_821 = tpu.memref_squeeze %dma_start3A_820 : memref<1x50x128xf32, #tpu.memory_space<hbm>> -> memref<50x128xf32, #tpu.memory_space<hbm>>
      %dma_start3A_822 = tpu.memref_slice %arg8[%dma_start3A_813] : memref<8x!tpu.dma_semaphore, #tpu.memory_space<semaphore_mem>> -> memref<1x!tpu.dma_semaphore, #tpu.memory_space<semaphore_mem>>
      %dma_start3A_823 = tpu.memref_squeeze %dma_start3A_822 : memref<1x!tpu.dma_semaphore, #tpu.memory_space<semaphore_mem>> -> memref<!tpu.dma_semaphore, #tpu.memory_space<semaphore_mem>>
      %dma_start3A_824 = arith.constant 0 : i32
      %dma_start3A_825 = arith.constant 0 : i32
      %dma_start3A_826 = tpu.memref_slice %arg4[%add3A_791, %dma_start3A_824, %dma_start3A_825] : memref<4096x50x128xf32, #tpu.memory_space<hbm>> -> memref<1x50x128xf32, #tpu.memory_space<hbm>>
      %dma_start3A_827 = tpu.memref_squeeze %dma_start3A_826 : memref<1x50x128xf32, #tpu.memory_space<hbm>> -> memref<50x128xf32, #tpu.memory_space<hbm>>
      %dma_start3A_828 = arith.constant 50 : i32
      %dma_start3A_829 = arith.constant 0 : i32
      %dma_start3A_830 = tpu.memref_slice %arg6[%dma_start3A_812, %dma_start3A_828, %dma_start3A_829] : memref<8x100x128xf32, #tpu.memory_space<vmem>> -> memref<1x50x128xf32, #tpu.memory_space<vmem>>
      %dma_start3A_831 = tpu.memref_squeeze %dma_start3A_830 : memref<1x50x128xf32, #tpu.memory_space<vmem>> -> memref<50x128xf32, #tpu.memory_space<vmem>>
      tpu.enqueue_dma source(%dma_start3A_831 : memref<50x128xf32, #tpu.memory_space<vmem>>) target(%dma_start3A_827 : memref<50x128xf32, #tpu.memory_space<hbm>>) target_semaphore(%dma_start3A_823 : memref<!tpu.dma_semaphore, #tpu.memory_space<semaphore_mem>>)
      %add3A_832 = arith.constant 7 : i32
      %add3A_833 = arith.addi %mul3A_262, %add3A_832 : i32
      %add3A_834 = arith.constant 4 : i32
      %add3A_835 = arith.addi %add3A_833, %add3A_834 : i32
      %sub3A_836 = arith.constant 8 : i32
      %sub3A_837 = arith.subi %add3A_835, %sub3A_836 : i32
      %ge3A_838 = arith.constant 0 : i32
      %ge3A_839 = arith.cmpi sge, %sub3A_837, %ge3A_838 : i32
      %convert_element_type3A_840 = arith.extui %ge3A_839 : i1 to i32
      %cond3A_841 = arith.constant 0 : i32
      %cond3A_842 = arith.cmpi ne, %convert_element_type3A_840, %cond3A_841 : i32
      scf.if %cond3A_842 {
        %add3A_915 = arith.constant 4 : i32
        %add3A_916 = arith.addi %add3A_833, %add3A_915 : i32
        %sub3A_917 = arith.constant 8 : i32
        %sub3A_918 = arith.subi %add3A_916, %sub3A_917 : i32
        %mul3A_919 = arith.constant 2 : i32
        %mul3A_920 = arith.muli %sub3A_918, %mul3A_919 : i32
        %add3A_921 = arith.addi %mul3A_2, %mul3A_920 : i32
        %add3A_922 = arith.constant 0 : i32
        %add3A_923 = arith.addi %add3A_921, %add3A_922 : i32
        %mul3A_924 = arith.constant 2 : i32
        %mul3A_925 = arith.muli %sub3A_918, %mul3A_924 : i32
        %add3A_926 = arith.addi %mul3A_2, %mul3A_925 : i32
        %add3A_927 = arith.constant 1 : i32
        %add3A_928 = arith.addi %add3A_926, %add3A_927 : i32
        %dma_wait3A_929 = arith.constant 3 : i32
        %dma_wait3A_930 = arith.constant 3 : i32
        %dma_wait3A_931 = arith.constant 0 : i32
        %dma_wait3A_932 = arith.constant 0 : i32
        %dma_wait3A_933 = tpu.memref_slice %arg6[%dma_wait3A_929, %dma_wait3A_931, %dma_wait3A_932] : memref<8x100x128xf32, #tpu.memory_space<vmem>> -> memref<1x50x128xf32, #tpu.memory_space<vmem>>
        %dma_wait3A_934 = tpu.memref_squeeze %dma_wait3A_933 : memref<1x50x128xf32, #tpu.memory_space<vmem>> -> memref<50x128xf32, #tpu.memory_space<vmem>>
        %dma_wait3A_935 = arith.constant 0 : i32
        %dma_wait3A_936 = arith.constant 0 : i32
        %dma_wait3A_937 = tpu.memref_slice %arg4[%add3A_923, %dma_wait3A_935, %dma_wait3A_936] : memref<4096x50x128xf32, #tpu.memory_space<hbm>> -> memref<1x50x128xf32, #tpu.memory_space<hbm>>
        %dma_wait3A_938 = tpu.memref_squeeze %dma_wait3A_937 : memref<1x50x128xf32, #tpu.memory_space<hbm>> -> memref<50x128xf32, #tpu.memory_space<hbm>>
        %dma_wait3A_939 = tpu.memref_slice %arg8[%dma_wait3A_930] : memref<8x!tpu.dma_semaphore, #tpu.memory_space<semaphore_mem>> -> memref<1x!tpu.dma_semaphore, #tpu.memory_space<semaphore_mem>>
        %dma_wait3A_940 = tpu.memref_squeeze %dma_wait3A_939 : memref<1x!tpu.dma_semaphore, #tpu.memory_space<semaphore_mem>> -> memref<!tpu.dma_semaphore, #tpu.memory_space<semaphore_mem>>
        %dma_wait3A_941 = arith.constant 0 : i32
        %dma_wait3A_942 = arith.constant 0 : i32
        %dma_wait3A_943 = tpu.memref_slice %arg4[%add3A_923, %dma_wait3A_941, %dma_wait3A_942] : memref<4096x50x128xf32, #tpu.memory_space<hbm>> -> memref<1x50x128xf32, #tpu.memory_space<hbm>>
        %dma_wait3A_944 = tpu.memref_squeeze %dma_wait3A_943 : memref<1x50x128xf32, #tpu.memory_space<hbm>> -> memref<50x128xf32, #tpu.memory_space<hbm>>
        %dma_wait3A_945 = arith.constant 0 : i32
        %dma_wait3A_946 = arith.constant 0 : i32
        %dma_wait3A_947 = tpu.memref_slice %arg6[%dma_wait3A_929, %dma_wait3A_945, %dma_wait3A_946] : memref<8x100x128xf32, #tpu.memory_space<vmem>> -> memref<1x50x128xf32, #tpu.memory_space<vmem>>
        %dma_wait3A_948 = tpu.memref_squeeze %dma_wait3A_947 : memref<1x50x128xf32, #tpu.memory_space<vmem>> -> memref<50x128xf32, #tpu.memory_space<vmem>>
        tpu.wait_dma2 semaphore(%dma_wait3A_940 : memref<!tpu.dma_semaphore, #tpu.memory_space<semaphore_mem>>) src(%dma_wait3A_948 : memref<50x128xf32, #tpu.memory_space<vmem>>) dst(%dma_wait3A_944 : memref<50x128xf32, #tpu.memory_space<hbm>>)
        %dma_wait3A_949 = arith.constant 3 : i32
        %dma_wait3A_950 = arith.constant 3 : i32
        %dma_wait3A_951 = arith.constant 50 : i32
        %dma_wait3A_952 = arith.constant 0 : i32
        %dma_wait3A_953 = tpu.memref_slice %arg6[%dma_wait3A_949, %dma_wait3A_951, %dma_wait3A_952] : memref<8x100x128xf32, #tpu.memory_space<vmem>> -> memref<1x50x128xf32, #tpu.memory_space<vmem>>
        %dma_wait3A_954 = tpu.memref_squeeze %dma_wait3A_953 : memref<1x50x128xf32, #tpu.memory_space<vmem>> -> memref<50x128xf32, #tpu.memory_space<vmem>>
        %dma_wait3A_955 = arith.constant 0 : i32
        %dma_wait3A_956 = arith.constant 0 : i32
        %dma_wait3A_957 = tpu.memref_slice %arg4[%add3A_928, %dma_wait3A_955, %dma_wait3A_956] : memref<4096x50x128xf32, #tpu.memory_space<hbm>> -> memref<1x50x128xf32, #tpu.memory_space<hbm>>
        %dma_wait3A_958 = tpu.memref_squeeze %dma_wait3A_957 : memref<1x50x128xf32, #tpu.memory_space<hbm>> -> memref<50x128xf32, #tpu.memory_space<hbm>>
        %dma_wait3A_959 = tpu.memref_slice %arg8[%dma_wait3A_950] : memref<8x!tpu.dma_semaphore, #tpu.memory_space<semaphore_mem>> -> memref<1x!tpu.dma_semaphore, #tpu.memory_space<semaphore_mem>>
        %dma_wait3A_960 = tpu.memref_squeeze %dma_wait3A_959 : memref<1x!tpu.dma_semaphore, #tpu.memory_space<semaphore_mem>> -> memref<!tpu.dma_semaphore, #tpu.memory_space<semaphore_mem>>
        %dma_wait3A_961 = arith.constant 0 : i32
        %dma_wait3A_962 = arith.constant 0 : i32
        %dma_wait3A_963 = tpu.memref_slice %arg4[%add3A_928, %dma_wait3A_961, %dma_wait3A_962] : memref<4096x50x128xf32, #tpu.memory_space<hbm>> -> memref<1x50x128xf32, #tpu.memory_space<hbm>>
        %dma_wait3A_964 = tpu.memref_squeeze %dma_wait3A_963 : memref<1x50x128xf32, #tpu.memory_space<hbm>> -> memref<50x128xf32, #tpu.memory_space<hbm>>
        %dma_wait3A_965 = arith.constant 50 : i32
        %dma_wait3A_966 = arith.constant 0 : i32
        %dma_wait3A_967 = tpu.memref_slice %arg6[%dma_wait3A_949, %dma_wait3A_965, %dma_wait3A_966] : memref<8x100x128xf32, #tpu.memory_space<vmem>> -> memref<1x50x128xf32, #tpu.memory_space<vmem>>
        %dma_wait3A_968 = tpu.memref_squeeze %dma_wait3A_967 : memref<1x50x128xf32, #tpu.memory_space<vmem>> -> memref<50x128xf32, #tpu.memory_space<vmem>>
        tpu.wait_dma2 semaphore(%dma_wait3A_960 : memref<!tpu.dma_semaphore, #tpu.memory_space<semaphore_mem>>) src(%dma_wait3A_968 : memref<50x128xf32, #tpu.memory_space<vmem>>) dst(%dma_wait3A_964 : memref<50x128xf32, #tpu.memory_space<hbm>>)
      } else {
      }
      %add3A_843 = arith.constant 4 : i32
      %add3A_844 = arith.addi %add3A_833, %add3A_843 : i32
      %lt3A_845 = arith.constant 64 : i32
      %lt3A_846 = arith.cmpi slt, %add3A_844, %lt3A_845 : i32
      %convert_element_type3A_847 = arith.extui %lt3A_846 : i1 to i32
      %cond3A_848 = arith.constant 0 : i32
      %cond3A_849 = arith.cmpi ne, %convert_element_type3A_847, %cond3A_848 : i32
      scf.if %cond3A_849 {
        %add3A_915 = arith.constant 4 : i32
        %add3A_916 = arith.addi %add3A_833, %add3A_915 : i32
        %dma_start3A_917 = arith.constant 3 : i32
        %dma_start3A_918 = arith.constant 3 : i32
        %dma_start3A_919 = arith.constant 0 : i32
        %dma_start3A_920 = arith.constant 0 : i32
        %dma_start3A_921 = tpu.memref_slice %arg6[%dma_start3A_917, %dma_start3A_919, %dma_start3A_920] : memref<8x100x128xf32, #tpu.memory_space<vmem>> -> memref<1x100x128xf32, #tpu.memory_space<vmem>>
        %dma_start3A_922 = tpu.memref_squeeze %dma_start3A_921 : memref<1x100x128xf32, #tpu.memory_space<vmem>> -> memref<100x128xf32, #tpu.memory_space<vmem>>
        %dma_start3A_923 = arith.constant 0 : i32
        %dma_start3A_924 = tpu.memref_slice %arg5[%add3A_916, %dma_start3A_923] : memref<64x112xi32, #tpu.memory_space<vmem>> -> memref<1x100xi32, #tpu.memory_space<vmem>>
        %dma_start3A_925 = tpu.memref_squeeze %dma_start3A_924 : memref<1x100xi32, #tpu.memory_space<vmem>> -> memref<100xi32, #tpu.memory_space<vmem>>
        %dma_start3A_926 = arith.constant 0 : i32
        %dma_start3A_927 = arith.constant 0 : i32
        %dma_start3A_928 = tpu.memref_slice %arg2[%dma_start3A_926, %dma_start3A_927] : memref<8192x128xf32, #tpu.memory_space<hbm>> -> memref<8192x128xf32, #tpu.memory_space<hbm>>
        %dma_start3A_929 = tpu.memref_slice %arg7[%dma_start3A_918] : memref<8x!tpu.dma_semaphore, #tpu.memory_space<semaphore_mem>> -> memref<1x!tpu.dma_semaphore, #tpu.memory_space<semaphore_mem>>
        %dma_start3A_930 = tpu.memref_squeeze %dma_start3A_929 : memref<1x!tpu.dma_semaphore, #tpu.memory_space<semaphore_mem>> -> memref<!tpu.dma_semaphore, #tpu.memory_space<semaphore_mem>>
        tpu.enqueue_indirect_dma source(%dma_start3A_928 : memref<8192x128xf32, #tpu.memory_space<hbm>>) target(%dma_start3A_922 : memref<100x128xf32, #tpu.memory_space<vmem>>) offsets(%dma_start3A_925 : memref<100xi32, #tpu.memory_space<vmem>>) semaphore(%dma_start3A_930 : memref<!tpu.dma_semaphore, #tpu.memory_space<semaphore_mem>>)
      } else {
      }
      %dma_wait3A_850 = arith.constant 7 : i32
      %dma_wait3A_851 = arith.constant 7 : i32
      %dma_wait3A_852 = arith.constant 0 : i32
      %dma_wait3A_853 = arith.constant 0 : i32
      %dma_wait3A_854 = tpu.memref_slice %arg6[%dma_wait3A_850, %dma_wait3A_852, %dma_wait3A_853] : memref<8x100x128xf32, #tpu.memory_space<vmem>> -> memref<1x100x128xf32, #tpu.memory_space<vmem>>
      %dma_wait3A_855 = tpu.memref_squeeze %dma_wait3A_854 : memref<1x100x128xf32, #tpu.memory_space<vmem>> -> memref<100x128xf32, #tpu.memory_space<vmem>>
      %dma_wait3A_856 = arith.constant 0 : i32
      %dma_wait3A_857 = tpu.memref_slice %arg5[%add3A_833, %dma_wait3A_856] : memref<64x112xi32, #tpu.memory_space<vmem>> -> memref<1x100xi32, #tpu.memory_space<vmem>>
      %dma_wait3A_858 = tpu.memref_squeeze %dma_wait3A_857 : memref<1x100xi32, #tpu.memory_space<vmem>> -> memref<100xi32, #tpu.memory_space<vmem>>
      %dma_wait3A_859 = arith.constant 0 : i32
      %dma_wait3A_860 = arith.constant 0 : i32
      %dma_wait3A_861 = tpu.memref_slice %arg2[%dma_wait3A_859, %dma_wait3A_860] : memref<8192x128xf32, #tpu.memory_space<hbm>> -> memref<8192x128xf32, #tpu.memory_space<hbm>>
      %dma_wait3A_862 = tpu.memref_slice %arg7[%dma_wait3A_851] : memref<8x!tpu.dma_semaphore, #tpu.memory_space<semaphore_mem>> -> memref<1x!tpu.dma_semaphore, #tpu.memory_space<semaphore_mem>>
      %dma_wait3A_863 = tpu.memref_squeeze %dma_wait3A_862 : memref<1x!tpu.dma_semaphore, #tpu.memory_space<semaphore_mem>> -> memref<!tpu.dma_semaphore, #tpu.memory_space<semaphore_mem>>
      tpu.wait_indirect_dma semaphore(%dma_wait3A_863 : memref<!tpu.dma_semaphore, #tpu.memory_space<semaphore_mem>>) src(%dma_wait3A_861 : memref<8192x128xf32, #tpu.memory_space<hbm>>) dst(%dma_wait3A_855 : memref<100x128xf32, #tpu.memory_space<vmem>>)
      %mul3A_864 = arith.constant 2 : i32
      %mul3A_865 = arith.muli %add3A_833, %mul3A_864 : i32
      %add3A_866 = arith.addi %mul3A_2, %mul3A_865 : i32
      %add3A_867 = arith.constant 0 : i32
      %add3A_868 = arith.addi %add3A_866, %add3A_867 : i32
      %mul3A_869 = arith.constant 2 : i32
      %mul3A_870 = arith.muli %add3A_833, %mul3A_869 : i32
      %add3A_871 = arith.addi %mul3A_2, %mul3A_870 : i32
      %add3A_872 = arith.constant 1 : i32
      %add3A_873 = arith.addi %add3A_871, %add3A_872 : i32
      %dma_start3A_874 = arith.constant 7 : i32
      %dma_start3A_875 = arith.constant 7 : i32
      %dma_start3A_876 = arith.constant 0 : i32
      %dma_start3A_877 = arith.constant 0 : i32
      %dma_start3A_878 = tpu.memref_slice %arg6[%dma_start3A_874, %dma_start3A_876, %dma_start3A_877] : memref<8x100x128xf32, #tpu.memory_space<vmem>> -> memref<1x50x128xf32, #tpu.memory_space<vmem>>
      %dma_start3A_879 = tpu.memref_squeeze %dma_start3A_878 : memref<1x50x128xf32, #tpu.memory_space<vmem>> -> memref<50x128xf32, #tpu.memory_space<vmem>>
      %dma_start3A_880 = arith.constant 0 : i32
      %dma_start3A_881 = arith.constant 0 : i32
      %dma_start3A_882 = tpu.memref_slice %arg4[%add3A_868, %dma_start3A_880, %dma_start3A_881] : memref<4096x50x128xf32, #tpu.memory_space<hbm>> -> memref<1x50x128xf32, #tpu.memory_space<hbm>>
      %dma_start3A_883 = tpu.memref_squeeze %dma_start3A_882 : memref<1x50x128xf32, #tpu.memory_space<hbm>> -> memref<50x128xf32, #tpu.memory_space<hbm>>
      %dma_start3A_884 = tpu.memref_slice %arg8[%dma_start3A_875] : memref<8x!tpu.dma_semaphore, #tpu.memory_space<semaphore_mem>> -> memref<1x!tpu.dma_semaphore, #tpu.memory_space<semaphore_mem>>
      %dma_start3A_885 = tpu.memref_squeeze %dma_start3A_884 : memref<1x!tpu.dma_semaphore, #tpu.memory_space<semaphore_mem>> -> memref<!tpu.dma_semaphore, #tpu.memory_space<semaphore_mem>>
      %dma_start3A_886 = arith.constant 0 : i32
      %dma_start3A_887 = arith.constant 0 : i32
      %dma_start3A_888 = tpu.memref_slice %arg4[%add3A_868, %dma_start3A_886, %dma_start3A_887] : memref<4096x50x128xf32, #tpu.memory_space<hbm>> -> memref<1x50x128xf32, #tpu.memory_space<hbm>>
      %dma_start3A_889 = tpu.memref_squeeze %dma_start3A_888 : memref<1x50x128xf32, #tpu.memory_space<hbm>> -> memref<50x128xf32, #tpu.memory_space<hbm>>
      %dma_start3A_890 = arith.constant 0 : i32
      %dma_start3A_891 = arith.constant 0 : i32
      %dma_start3A_892 = tpu.memref_slice %arg6[%dma_start3A_874, %dma_start3A_890, %dma_start3A_891] : memref<8x100x128xf32, #tpu.memory_space<vmem>> -> memref<1x50x128xf32, #tpu.memory_space<vmem>>
      %dma_start3A_893 = tpu.memref_squeeze %dma_start3A_892 : memref<1x50x128xf32, #tpu.memory_space<vmem>> -> memref<50x128xf32, #tpu.memory_space<vmem>>
      tpu.enqueue_dma source(%dma_start3A_893 : memref<50x128xf32, #tpu.memory_space<vmem>>) target(%dma_start3A_889 : memref<50x128xf32, #tpu.memory_space<hbm>>) target_semaphore(%dma_start3A_885 : memref<!tpu.dma_semaphore, #tpu.memory_space<semaphore_mem>>)
      %dma_start3A_894 = arith.constant 7 : i32
      %dma_start3A_895 = arith.constant 7 : i32
      %dma_start3A_896 = arith.constant 50 : i32
      %dma_start3A_897 = arith.constant 0 : i32
      %dma_start3A_898 = tpu.memref_slice %arg6[%dma_start3A_894, %dma_start3A_896, %dma_start3A_897] : memref<8x100x128xf32, #tpu.memory_space<vmem>> -> memref<1x50x128xf32, #tpu.memory_space<vmem>>
      %dma_start3A_899 = tpu.memref_squeeze %dma_start3A_898 : memref<1x50x128xf32, #tpu.memory_space<vmem>> -> memref<50x128xf32, #tpu.memory_space<vmem>>
      %dma_start3A_900 = arith.constant 0 : i32
      %dma_start3A_901 = arith.constant 0 : i32
      %dma_start3A_902 = tpu.memref_slice %arg4[%add3A_873, %dma_start3A_900, %dma_start3A_901] : memref<4096x50x128xf32, #tpu.memory_space<hbm>> -> memref<1x50x128xf32, #tpu.memory_space<hbm>>
      %dma_start3A_903 = tpu.memref_squeeze %dma_start3A_902 : memref<1x50x128xf32, #tpu.memory_space<hbm>> -> memref<50x128xf32, #tpu.memory_space<hbm>>
      %dma_start3A_904 = tpu.memref_slice %arg8[%dma_start3A_895] : memref<8x!tpu.dma_semaphore, #tpu.memory_space<semaphore_mem>> -> memref<1x!tpu.dma_semaphore, #tpu.memory_space<semaphore_mem>>
      %dma_start3A_905 = tpu.memref_squeeze %dma_start3A_904 : memref<1x!tpu.dma_semaphore, #tpu.memory_space<semaphore_mem>> -> memref<!tpu.dma_semaphore, #tpu.memory_space<semaphore_mem>>
      %dma_start3A_906 = arith.constant 0 : i32
      %dma_start3A_907 = arith.constant 0 : i32
      %dma_start3A_908 = tpu.memref_slice %arg4[%add3A_873, %dma_start3A_906, %dma_start3A_907] : memref<4096x50x128xf32, #tpu.memory_space<hbm>> -> memref<1x50x128xf32, #tpu.memory_space<hbm>>
      %dma_start3A_909 = tpu.memref_squeeze %dma_start3A_908 : memref<1x50x128xf32, #tpu.memory_space<hbm>> -> memref<50x128xf32, #tpu.memory_space<hbm>>
      %dma_start3A_910 = arith.constant 50 : i32
      %dma_start3A_911 = arith.constant 0 : i32
      %dma_start3A_912 = tpu.memref_slice %arg6[%dma_start3A_894, %dma_start3A_910, %dma_start3A_911] : memref<8x100x128xf32, #tpu.memory_space<vmem>> -> memref<1x50x128xf32, #tpu.memory_space<vmem>>
      %dma_start3A_913 = tpu.memref_squeeze %dma_start3A_912 : memref<1x50x128xf32, #tpu.memory_space<vmem>> -> memref<50x128xf32, #tpu.memory_space<vmem>>
      tpu.enqueue_dma source(%dma_start3A_913 : memref<50x128xf32, #tpu.memory_space<vmem>>) target(%dma_start3A_909 : memref<50x128xf32, #tpu.memory_space<hbm>>) target_semaphore(%dma_start3A_905 : memref<!tpu.dma_semaphore, #tpu.memory_space<semaphore_mem>>)
      %scan3A_914 = arith.constant 0 : i32
      scf.yield %scan3A_914 : i32
    }
    %scan3A_67 = arith.constant 8 : i32
    %add3A_68 = arith.constant 120 : i32
    %add3A_69 = arith.addi %mul3A_2, %add3A_68 : i32
    %add3A_70 = arith.constant 0 : i32
    %add3A_71 = arith.addi %add3A_69, %add3A_70 : i32
    %add3A_72 = arith.constant 120 : i32
    %add3A_73 = arith.addi %mul3A_2, %add3A_72 : i32
    %add3A_74 = arith.constant 1 : i32
    %add3A_75 = arith.addi %add3A_73, %add3A_74 : i32
    %dma_wait3A = arith.constant 4 : i32
    %dma_wait3A_76 = arith.constant 4 : i32
    %dma_wait3A_77 = arith.constant 0 : i32
    %dma_wait3A_78 = arith.constant 0 : i32
    %dma_wait3A_79 = tpu.memref_slice %arg6[%dma_wait3A, %dma_wait3A_77, %dma_wait3A_78] : memref<8x100x128xf32, #tpu.memory_space<vmem>> -> memref<1x50x128xf32, #tpu.memory_space<vmem>>
    %dma_wait3A_80 = tpu.memref_squeeze %dma_wait3A_79 : memref<1x50x128xf32, #tpu.memory_space<vmem>> -> memref<50x128xf32, #tpu.memory_space<vmem>>
    %dma_wait3A_81 = arith.constant 0 : i32
    %dma_wait3A_82 = arith.constant 0 : i32
    %dma_wait3A_83 = tpu.memref_slice %arg4[%add3A_71, %dma_wait3A_81, %dma_wait3A_82] : memref<4096x50x128xf32, #tpu.memory_space<hbm>> -> memref<1x50x128xf32, #tpu.memory_space<hbm>>
    %dma_wait3A_84 = tpu.memref_squeeze %dma_wait3A_83 : memref<1x50x128xf32, #tpu.memory_space<hbm>> -> memref<50x128xf32, #tpu.memory_space<hbm>>
    %dma_wait3A_85 = tpu.memref_slice %arg8[%dma_wait3A_76] : memref<8x!tpu.dma_semaphore, #tpu.memory_space<semaphore_mem>> -> memref<1x!tpu.dma_semaphore, #tpu.memory_space<semaphore_mem>>
    %dma_wait3A_86 = tpu.memref_squeeze %dma_wait3A_85 : memref<1x!tpu.dma_semaphore, #tpu.memory_space<semaphore_mem>> -> memref<!tpu.dma_semaphore, #tpu.memory_space<semaphore_mem>>
    %dma_wait3A_87 = arith.constant 0 : i32
    %dma_wait3A_88 = arith.constant 0 : i32
    %dma_wait3A_89 = tpu.memref_slice %arg4[%add3A_71, %dma_wait3A_87, %dma_wait3A_88] : memref<4096x50x128xf32, #tpu.memory_space<hbm>> -> memref<1x50x128xf32, #tpu.memory_space<hbm>>
    %dma_wait3A_90 = tpu.memref_squeeze %dma_wait3A_89 : memref<1x50x128xf32, #tpu.memory_space<hbm>> -> memref<50x128xf32, #tpu.memory_space<hbm>>
    %dma_wait3A_91 = arith.constant 0 : i32
    %dma_wait3A_92 = arith.constant 0 : i32
    %dma_wait3A_93 = tpu.memref_slice %arg6[%dma_wait3A, %dma_wait3A_91, %dma_wait3A_92] : memref<8x100x128xf32, #tpu.memory_space<vmem>> -> memref<1x50x128xf32, #tpu.memory_space<vmem>>
    %dma_wait3A_94 = tpu.memref_squeeze %dma_wait3A_93 : memref<1x50x128xf32, #tpu.memory_space<vmem>> -> memref<50x128xf32, #tpu.memory_space<vmem>>
    tpu.wait_dma2 semaphore(%dma_wait3A_86 : memref<!tpu.dma_semaphore, #tpu.memory_space<semaphore_mem>>) src(%dma_wait3A_94 : memref<50x128xf32, #tpu.memory_space<vmem>>) dst(%dma_wait3A_90 : memref<50x128xf32, #tpu.memory_space<hbm>>)
    %dma_wait3A_95 = arith.constant 4 : i32
    %dma_wait3A_96 = arith.constant 4 : i32
    %dma_wait3A_97 = arith.constant 50 : i32
    %dma_wait3A_98 = arith.constant 0 : i32
    %dma_wait3A_99 = tpu.memref_slice %arg6[%dma_wait3A_95, %dma_wait3A_97, %dma_wait3A_98] : memref<8x100x128xf32, #tpu.memory_space<vmem>> -> memref<1x50x128xf32, #tpu.memory_space<vmem>>
    %dma_wait3A_100 = tpu.memref_squeeze %dma_wait3A_99 : memref<1x50x128xf32, #tpu.memory_space<vmem>> -> memref<50x128xf32, #tpu.memory_space<vmem>>
    %dma_wait3A_101 = arith.constant 0 : i32
    %dma_wait3A_102 = arith.constant 0 : i32
    %dma_wait3A_103 = tpu.memref_slice %arg4[%add3A_75, %dma_wait3A_101, %dma_wait3A_102] : memref<4096x50x128xf32, #tpu.memory_space<hbm>> -> memref<1x50x128xf32, #tpu.memory_space<hbm>>
    %dma_wait3A_104 = tpu.memref_squeeze %dma_wait3A_103 : memref<1x50x128xf32, #tpu.memory_space<hbm>> -> memref<50x128xf32, #tpu.memory_space<hbm>>
    %dma_wait3A_105 = tpu.memref_slice %arg8[%dma_wait3A_96] : memref<8x!tpu.dma_semaphore, #tpu.memory_space<semaphore_mem>> -> memref<1x!tpu.dma_semaphore, #tpu.memory_space<semaphore_mem>>
    %dma_wait3A_106 = tpu.memref_squeeze %dma_wait3A_105 : memref<1x!tpu.dma_semaphore, #tpu.memory_space<semaphore_mem>> -> memref<!tpu.dma_semaphore, #tpu.memory_space<semaphore_mem>>
    %dma_wait3A_107 = arith.constant 0 : i32
    %dma_wait3A_108 = arith.constant 0 : i32
    %dma_wait3A_109 = tpu.memref_slice %arg4[%add3A_75, %dma_wait3A_107, %dma_wait3A_108] : memref<4096x50x128xf32, #tpu.memory_space<hbm>> -> memref<1x50x128xf32, #tpu.memory_space<hbm>>
    %dma_wait3A_110 = tpu.memref_squeeze %dma_wait3A_109 : memref<1x50x128xf32, #tpu.memory_space<hbm>> -> memref<50x128xf32, #tpu.memory_space<hbm>>
    %dma_wait3A_111 = arith.constant 50 : i32
    %dma_wait3A_112 = arith.constant 0 : i32
    %dma_wait3A_113 = tpu.memref_slice %arg6[%dma_wait3A_95, %dma_wait3A_111, %dma_wait3A_112] : memref<8x100x128xf32, #tpu.memory_space<vmem>> -> memref<1x50x128xf32, #tpu.memory_space<vmem>>
    %dma_wait3A_114 = tpu.memref_squeeze %dma_wait3A_113 : memref<1x50x128xf32, #tpu.memory_space<vmem>> -> memref<50x128xf32, #tpu.memory_space<vmem>>
    tpu.wait_dma2 semaphore(%dma_wait3A_106 : memref<!tpu.dma_semaphore, #tpu.memory_space<semaphore_mem>>) src(%dma_wait3A_114 : memref<50x128xf32, #tpu.memory_space<vmem>>) dst(%dma_wait3A_110 : memref<50x128xf32, #tpu.memory_space<hbm>>)
    %add3A_115 = arith.constant 122 : i32
    %add3A_116 = arith.addi %mul3A_2, %add3A_115 : i32
    %add3A_117 = arith.constant 0 : i32
    %add3A_118 = arith.addi %add3A_116, %add3A_117 : i32
    %add3A_119 = arith.constant 122 : i32
    %add3A_120 = arith.addi %mul3A_2, %add3A_119 : i32
    %add3A_121 = arith.constant 1 : i32
    %add3A_122 = arith.addi %add3A_120, %add3A_121 : i32
    %dma_wait3A_123 = arith.constant 5 : i32
    %dma_wait3A_124 = arith.constant 5 : i32
    %dma_wait3A_125 = arith.constant 0 : i32
    %dma_wait3A_126 = arith.constant 0 : i32
    %dma_wait3A_127 = tpu.memref_slice %arg6[%dma_wait3A_123, %dma_wait3A_125, %dma_wait3A_126] : memref<8x100x128xf32, #tpu.memory_space<vmem>> -> memref<1x50x128xf32, #tpu.memory_space<vmem>>
    %dma_wait3A_128 = tpu.memref_squeeze %dma_wait3A_127 : memref<1x50x128xf32, #tpu.memory_space<vmem>> -> memref<50x128xf32, #tpu.memory_space<vmem>>
    %dma_wait3A_129 = arith.constant 0 : i32
    %dma_wait3A_130 = arith.constant 0 : i32
    %dma_wait3A_131 = tpu.memref_slice %arg4[%add3A_118, %dma_wait3A_129, %dma_wait3A_130] : memref<4096x50x128xf32, #tpu.memory_space<hbm>> -> memref<1x50x128xf32, #tpu.memory_space<hbm>>
    %dma_wait3A_132 = tpu.memref_squeeze %dma_wait3A_131 : memref<1x50x128xf32, #tpu.memory_space<hbm>> -> memref<50x128xf32, #tpu.memory_space<hbm>>
    %dma_wait3A_133 = tpu.memref_slice %arg8[%dma_wait3A_124] : memref<8x!tpu.dma_semaphore, #tpu.memory_space<semaphore_mem>> -> memref<1x!tpu.dma_semaphore, #tpu.memory_space<semaphore_mem>>
    %dma_wait3A_134 = tpu.memref_squeeze %dma_wait3A_133 : memref<1x!tpu.dma_semaphore, #tpu.memory_space<semaphore_mem>> -> memref<!tpu.dma_semaphore, #tpu.memory_space<semaphore_mem>>
    %dma_wait3A_135 = arith.constant 0 : i32
    %dma_wait3A_136 = arith.constant 0 : i32
    %dma_wait3A_137 = tpu.memref_slice %arg4[%add3A_118, %dma_wait3A_135, %dma_wait3A_136] : memref<4096x50x128xf32, #tpu.memory_space<hbm>> -> memref<1x50x128xf32, #tpu.memory_space<hbm>>
    %dma_wait3A_138 = tpu.memref_squeeze %dma_wait3A_137 : memref<1x50x128xf32, #tpu.memory_space<hbm>> -> memref<50x128xf32, #tpu.memory_space<hbm>>
    %dma_wait3A_139 = arith.constant 0 : i32
    %dma_wait3A_140 = arith.constant 0 : i32
    %dma_wait3A_141 = tpu.memref_slice %arg6[%dma_wait3A_123, %dma_wait3A_139, %dma_wait3A_140] : memref<8x100x128xf32, #tpu.memory_space<vmem>> -> memref<1x50x128xf32, #tpu.memory_space<vmem>>
    %dma_wait3A_142 = tpu.memref_squeeze %dma_wait3A_141 : memref<1x50x128xf32, #tpu.memory_space<vmem>> -> memref<50x128xf32, #tpu.memory_space<vmem>>
    tpu.wait_dma2 semaphore(%dma_wait3A_134 : memref<!tpu.dma_semaphore, #tpu.memory_space<semaphore_mem>>) src(%dma_wait3A_142 : memref<50x128xf32, #tpu.memory_space<vmem>>) dst(%dma_wait3A_138 : memref<50x128xf32, #tpu.memory_space<hbm>>)
    %dma_wait3A_143 = arith.constant 5 : i32
    %dma_wait3A_144 = arith.constant 5 : i32
    %dma_wait3A_145 = arith.constant 50 : i32
    %dma_wait3A_146 = arith.constant 0 : i32
    %dma_wait3A_147 = tpu.memref_slice %arg6[%dma_wait3A_143, %dma_wait3A_145, %dma_wait3A_146] : memref<8x100x128xf32, #tpu.memory_space<vmem>> -> memref<1x50x128xf32, #tpu.memory_space<vmem>>
    %dma_wait3A_148 = tpu.memref_squeeze %dma_wait3A_147 : memref<1x50x128xf32, #tpu.memory_space<vmem>> -> memref<50x128xf32, #tpu.memory_space<vmem>>
    %dma_wait3A_149 = arith.constant 0 : i32
    %dma_wait3A_150 = arith.constant 0 : i32
    %dma_wait3A_151 = tpu.memref_slice %arg4[%add3A_122, %dma_wait3A_149, %dma_wait3A_150] : memref<4096x50x128xf32, #tpu.memory_space<hbm>> -> memref<1x50x128xf32, #tpu.memory_space<hbm>>
    %dma_wait3A_152 = tpu.memref_squeeze %dma_wait3A_151 : memref<1x50x128xf32, #tpu.memory_space<hbm>> -> memref<50x128xf32, #tpu.memory_space<hbm>>
    %dma_wait3A_153 = tpu.memref_slice %arg8[%dma_wait3A_144] : memref<8x!tpu.dma_semaphore, #tpu.memory_space<semaphore_mem>> -> memref<1x!tpu.dma_semaphore, #tpu.memory_space<semaphore_mem>>
    %dma_wait3A_154 = tpu.memref_squeeze %dma_wait3A_153 : memref<1x!tpu.dma_semaphore, #tpu.memory_space<semaphore_mem>> -> memref<!tpu.dma_semaphore, #tpu.memory_space<semaphore_mem>>
    %dma_wait3A_155 = arith.constant 0 : i32
    %dma_wait3A_156 = arith.constant 0 : i32
    %dma_wait3A_157 = tpu.memref_slice %arg4[%add3A_122, %dma_wait3A_155, %dma_wait3A_156] : memref<4096x50x128xf32, #tpu.memory_space<hbm>> -> memref<1x50x128xf32, #tpu.memory_space<hbm>>
    %dma_wait3A_158 = tpu.memref_squeeze %dma_wait3A_157 : memref<1x50x128xf32, #tpu.memory_space<hbm>> -> memref<50x128xf32, #tpu.memory_space<hbm>>
    %dma_wait3A_159 = arith.constant 50 : i32
    %dma_wait3A_160 = arith.constant 0 : i32
    %dma_wait3A_161 = tpu.memref_slice %arg6[%dma_wait3A_143, %dma_wait3A_159, %dma_wait3A_160] : memref<8x100x128xf32, #tpu.memory_space<vmem>> -> memref<1x50x128xf32, #tpu.memory_space<vmem>>
    %dma_wait3A_162 = tpu.memref_squeeze %dma_wait3A_161 : memref<1x50x128xf32, #tpu.memory_space<vmem>> -> memref<50x128xf32, #tpu.memory_space<vmem>>
    tpu.wait_dma2 semaphore(%dma_wait3A_154 : memref<!tpu.dma_semaphore, #tpu.memory_space<semaphore_mem>>) src(%dma_wait3A_162 : memref<50x128xf32, #tpu.memory_space<vmem>>) dst(%dma_wait3A_158 : memref<50x128xf32, #tpu.memory_space<hbm>>)
    %add3A_163 = arith.constant 124 : i32
    %add3A_164 = arith.addi %mul3A_2, %add3A_163 : i32
    %add3A_165 = arith.constant 0 : i32
    %add3A_166 = arith.addi %add3A_164, %add3A_165 : i32
    %add3A_167 = arith.constant 124 : i32
    %add3A_168 = arith.addi %mul3A_2, %add3A_167 : i32
    %add3A_169 = arith.constant 1 : i32
    %add3A_170 = arith.addi %add3A_168, %add3A_169 : i32
    %dma_wait3A_171 = arith.constant 6 : i32
    %dma_wait3A_172 = arith.constant 6 : i32
    %dma_wait3A_173 = arith.constant 0 : i32
    %dma_wait3A_174 = arith.constant 0 : i32
    %dma_wait3A_175 = tpu.memref_slice %arg6[%dma_wait3A_171, %dma_wait3A_173, %dma_wait3A_174] : memref<8x100x128xf32, #tpu.memory_space<vmem>> -> memref<1x50x128xf32, #tpu.memory_space<vmem>>
    %dma_wait3A_176 = tpu.memref_squeeze %dma_wait3A_175 : memref<1x50x128xf32, #tpu.memory_space<vmem>> -> memref<50x128xf32, #tpu.memory_space<vmem>>
    %dma_wait3A_177 = arith.constant 0 : i32
    %dma_wait3A_178 = arith.constant 0 : i32
    %dma_wait3A_179 = tpu.memref_slice %arg4[%add3A_166, %dma_wait3A_177, %dma_wait3A_178] : memref<4096x50x128xf32, #tpu.memory_space<hbm>> -> memref<1x50x128xf32, #tpu.memory_space<hbm>>
    %dma_wait3A_180 = tpu.memref_squeeze %dma_wait3A_179 : memref<1x50x128xf32, #tpu.memory_space<hbm>> -> memref<50x128xf32, #tpu.memory_space<hbm>>
    %dma_wait3A_181 = tpu.memref_slice %arg8[%dma_wait3A_172] : memref<8x!tpu.dma_semaphore, #tpu.memory_space<semaphore_mem>> -> memref<1x!tpu.dma_semaphore, #tpu.memory_space<semaphore_mem>>
    %dma_wait3A_182 = tpu.memref_squeeze %dma_wait3A_181 : memref<1x!tpu.dma_semaphore, #tpu.memory_space<semaphore_mem>> -> memref<!tpu.dma_semaphore, #tpu.memory_space<semaphore_mem>>
    %dma_wait3A_183 = arith.constant 0 : i32
    %dma_wait3A_184 = arith.constant 0 : i32
    %dma_wait3A_185 = tpu.memref_slice %arg4[%add3A_166, %dma_wait3A_183, %dma_wait3A_184] : memref<4096x50x128xf32, #tpu.memory_space<hbm>> -> memref<1x50x128xf32, #tpu.memory_space<hbm>>
    %dma_wait3A_186 = tpu.memref_squeeze %dma_wait3A_185 : memref<1x50x128xf32, #tpu.memory_space<hbm>> -> memref<50x128xf32, #tpu.memory_space<hbm>>
    %dma_wait3A_187 = arith.constant 0 : i32
    %dma_wait3A_188 = arith.constant 0 : i32
    %dma_wait3A_189 = tpu.memref_slice %arg6[%dma_wait3A_171, %dma_wait3A_187, %dma_wait3A_188] : memref<8x100x128xf32, #tpu.memory_space<vmem>> -> memref<1x50x128xf32, #tpu.memory_space<vmem>>
    %dma_wait3A_190 = tpu.memref_squeeze %dma_wait3A_189 : memref<1x50x128xf32, #tpu.memory_space<vmem>> -> memref<50x128xf32, #tpu.memory_space<vmem>>
    tpu.wait_dma2 semaphore(%dma_wait3A_182 : memref<!tpu.dma_semaphore, #tpu.memory_space<semaphore_mem>>) src(%dma_wait3A_190 : memref<50x128xf32, #tpu.memory_space<vmem>>) dst(%dma_wait3A_186 : memref<50x128xf32, #tpu.memory_space<hbm>>)
    %dma_wait3A_191 = arith.constant 6 : i32
    %dma_wait3A_192 = arith.constant 6 : i32
    %dma_wait3A_193 = arith.constant 50 : i32
    %dma_wait3A_194 = arith.constant 0 : i32
    %dma_wait3A_195 = tpu.memref_slice %arg6[%dma_wait3A_191, %dma_wait3A_193, %dma_wait3A_194] : memref<8x100x128xf32, #tpu.memory_space<vmem>> -> memref<1x50x128xf32, #tpu.memory_space<vmem>>
    %dma_wait3A_196 = tpu.memref_squeeze %dma_wait3A_195 : memref<1x50x128xf32, #tpu.memory_space<vmem>> -> memref<50x128xf32, #tpu.memory_space<vmem>>
    %dma_wait3A_197 = arith.constant 0 : i32
    %dma_wait3A_198 = arith.constant 0 : i32
    %dma_wait3A_199 = tpu.memref_slice %arg4[%add3A_170, %dma_wait3A_197, %dma_wait3A_198] : memref<4096x50x128xf32, #tpu.memory_space<hbm>> -> memref<1x50x128xf32, #tpu.memory_space<hbm>>
    %dma_wait3A_200 = tpu.memref_squeeze %dma_wait3A_199 : memref<1x50x128xf32, #tpu.memory_space<hbm>> -> memref<50x128xf32, #tpu.memory_space<hbm>>
    %dma_wait3A_201 = tpu.memref_slice %arg8[%dma_wait3A_192] : memref<8x!tpu.dma_semaphore, #tpu.memory_space<semaphore_mem>> -> memref<1x!tpu.dma_semaphore, #tpu.memory_space<semaphore_mem>>
    %dma_wait3A_202 = tpu.memref_squeeze %dma_wait3A_201 : memref<1x!tpu.dma_semaphore, #tpu.memory_space<semaphore_mem>> -> memref<!tpu.dma_semaphore, #tpu.memory_space<semaphore_mem>>
    %dma_wait3A_203 = arith.constant 0 : i32
    %dma_wait3A_204 = arith.constant 0 : i32
    %dma_wait3A_205 = tpu.memref_slice %arg4[%add3A_170, %dma_wait3A_203, %dma_wait3A_204] : memref<4096x50x128xf32, #tpu.memory_space<hbm>> -> memref<1x50x128xf32, #tpu.memory_space<hbm>>
    %dma_wait3A_206 = tpu.memref_squeeze %dma_wait3A_205 : memref<1x50x128xf32, #tpu.memory_space<hbm>> -> memref<50x128xf32, #tpu.memory_space<hbm>>
    %dma_wait3A_207 = arith.constant 50 : i32
    %dma_wait3A_208 = arith.constant 0 : i32
    %dma_wait3A_209 = tpu.memref_slice %arg6[%dma_wait3A_191, %dma_wait3A_207, %dma_wait3A_208] : memref<8x100x128xf32, #tpu.memory_space<vmem>> -> memref<1x50x128xf32, #tpu.memory_space<vmem>>
    %dma_wait3A_210 = tpu.memref_squeeze %dma_wait3A_209 : memref<1x50x128xf32, #tpu.memory_space<vmem>> -> memref<50x128xf32, #tpu.memory_space<vmem>>
    tpu.wait_dma2 semaphore(%dma_wait3A_202 : memref<!tpu.dma_semaphore, #tpu.memory_space<semaphore_mem>>) src(%dma_wait3A_210 : memref<50x128xf32, #tpu.memory_space<vmem>>) dst(%dma_wait3A_206 : memref<50x128xf32, #tpu.memory_space<hbm>>)
    %add3A_211 = arith.constant 126 : i32
    %add3A_212 = arith.addi %mul3A_2, %add3A_211 : i32
    %add3A_213 = arith.constant 0 : i32
    %add3A_214 = arith.addi %add3A_212, %add3A_213 : i32
    %add3A_215 = arith.constant 126 : i32
    %add3A_216 = arith.addi %mul3A_2, %add3A_215 : i32
    %add3A_217 = arith.constant 1 : i32
    %add3A_218 = arith.addi %add3A_216, %add3A_217 : i32
    %dma_wait3A_219 = arith.constant 7 : i32
    %dma_wait3A_220 = arith.constant 7 : i32
    %dma_wait3A_221 = arith.constant 0 : i32
    %dma_wait3A_222 = arith.constant 0 : i32
    %dma_wait3A_223 = tpu.memref_slice %arg6[%dma_wait3A_219, %dma_wait3A_221, %dma_wait3A_222] : memref<8x100x128xf32, #tpu.memory_space<vmem>> -> memref<1x50x128xf32, #tpu.memory_space<vmem>>
    %dma_wait3A_224 = tpu.memref_squeeze %dma_wait3A_223 : memref<1x50x128xf32, #tpu.memory_space<vmem>> -> memref<50x128xf32, #tpu.memory_space<vmem>>
    %dma_wait3A_225 = arith.constant 0 : i32
    %dma_wait3A_226 = arith.constant 0 : i32
    %dma_wait3A_227 = tpu.memref_slice %arg4[%add3A_214, %dma_wait3A_225, %dma_wait3A_226] : memref<4096x50x128xf32, #tpu.memory_space<hbm>> -> memref<1x50x128xf32, #tpu.memory_space<hbm>>
    %dma_wait3A_228 = tpu.memref_squeeze %dma_wait3A_227 : memref<1x50x128xf32, #tpu.memory_space<hbm>> -> memref<50x128xf32, #tpu.memory_space<hbm>>
    %dma_wait3A_229 = tpu.memref_slice %arg8[%dma_wait3A_220] : memref<8x!tpu.dma_semaphore, #tpu.memory_space<semaphore_mem>> -> memref<1x!tpu.dma_semaphore, #tpu.memory_space<semaphore_mem>>
    %dma_wait3A_230 = tpu.memref_squeeze %dma_wait3A_229 : memref<1x!tpu.dma_semaphore, #tpu.memory_space<semaphore_mem>> -> memref<!tpu.dma_semaphore, #tpu.memory_space<semaphore_mem>>
    %dma_wait3A_231 = arith.constant 0 : i32
    %dma_wait3A_232 = arith.constant 0 : i32
    %dma_wait3A_233 = tpu.memref_slice %arg4[%add3A_214, %dma_wait3A_231, %dma_wait3A_232] : memref<4096x50x128xf32, #tpu.memory_space<hbm>> -> memref<1x50x128xf32, #tpu.memory_space<hbm>>
    %dma_wait3A_234 = tpu.memref_squeeze %dma_wait3A_233 : memref<1x50x128xf32, #tpu.memory_space<hbm>> -> memref<50x128xf32, #tpu.memory_space<hbm>>
    %dma_wait3A_235 = arith.constant 0 : i32
    %dma_wait3A_236 = arith.constant 0 : i32
    %dma_wait3A_237 = tpu.memref_slice %arg6[%dma_wait3A_219, %dma_wait3A_235, %dma_wait3A_236] : memref<8x100x128xf32, #tpu.memory_space<vmem>> -> memref<1x50x128xf32, #tpu.memory_space<vmem>>
    %dma_wait3A_238 = tpu.memref_squeeze %dma_wait3A_237 : memref<1x50x128xf32, #tpu.memory_space<vmem>> -> memref<50x128xf32, #tpu.memory_space<vmem>>
    tpu.wait_dma2 semaphore(%dma_wait3A_230 : memref<!tpu.dma_semaphore, #tpu.memory_space<semaphore_mem>>) src(%dma_wait3A_238 : memref<50x128xf32, #tpu.memory_space<vmem>>) dst(%dma_wait3A_234 : memref<50x128xf32, #tpu.memory_space<hbm>>)
    %dma_wait3A_239 = arith.constant 7 : i32
    %dma_wait3A_240 = arith.constant 7 : i32
    %dma_wait3A_241 = arith.constant 50 : i32
    %dma_wait3A_242 = arith.constant 0 : i32
    %dma_wait3A_243 = tpu.memref_slice %arg6[%dma_wait3A_239, %dma_wait3A_241, %dma_wait3A_242] : memref<8x100x128xf32, #tpu.memory_space<vmem>> -> memref<1x50x128xf32, #tpu.memory_space<vmem>>
    %dma_wait3A_244 = tpu.memref_squeeze %dma_wait3A_243 : memref<1x50x128xf32, #tpu.memory_space<vmem>> -> memref<50x128xf32, #tpu.memory_space<vmem>>
    %dma_wait3A_245 = arith.constant 0 : i32
    %dma_wait3A_246 = arith.constant 0 : i32
    %dma_wait3A_247 = tpu.memref_slice %arg4[%add3A_218, %dma_wait3A_245, %dma_wait3A_246] : memref<4096x50x128xf32, #tpu.memory_space<hbm>> -> memref<1x50x128xf32, #tpu.memory_space<hbm>>
    %dma_wait3A_248 = tpu.memref_squeeze %dma_wait3A_247 : memref<1x50x128xf32, #tpu.memory_space<hbm>> -> memref<50x128xf32, #tpu.memory_space<hbm>>
    %dma_wait3A_249 = tpu.memref_slice %arg8[%dma_wait3A_240] : memref<8x!tpu.dma_semaphore, #tpu.memory_space<semaphore_mem>> -> memref<1x!tpu.dma_semaphore, #tpu.memory_space<semaphore_mem>>
    %dma_wait3A_250 = tpu.memref_squeeze %dma_wait3A_249 : memref<1x!tpu.dma_semaphore, #tpu.memory_space<semaphore_mem>> -> memref<!tpu.dma_semaphore, #tpu.memory_space<semaphore_mem>>
    %dma_wait3A_251 = arith.constant 0 : i32
    %dma_wait3A_252 = arith.constant 0 : i32
    %dma_wait3A_253 = tpu.memref_slice %arg4[%add3A_218, %dma_wait3A_251, %dma_wait3A_252] : memref<4096x50x128xf32, #tpu.memory_space<hbm>> -> memref<1x50x128xf32, #tpu.memory_space<hbm>>
    %dma_wait3A_254 = tpu.memref_squeeze %dma_wait3A_253 : memref<1x50x128xf32, #tpu.memory_space<hbm>> -> memref<50x128xf32, #tpu.memory_space<hbm>>
    %dma_wait3A_255 = arith.constant 50 : i32
    %dma_wait3A_256 = arith.constant 0 : i32
    %dma_wait3A_257 = tpu.memref_slice %arg6[%dma_wait3A_239, %dma_wait3A_255, %dma_wait3A_256] : memref<8x100x128xf32, #tpu.memory_space<vmem>> -> memref<1x50x128xf32, #tpu.memory_space<vmem>>
    %dma_wait3A_258 = tpu.memref_squeeze %dma_wait3A_257 : memref<1x50x128xf32, #tpu.memory_space<vmem>> -> memref<50x128xf32, #tpu.memory_space<vmem>>
    tpu.wait_dma2 semaphore(%dma_wait3A_250 : memref<!tpu.dma_semaphore, #tpu.memory_space<semaphore_mem>>) src(%dma_wait3A_258 : memref<50x128xf32, #tpu.memory_space<vmem>>) dst(%dma_wait3A_254 : memref<50x128xf32, #tpu.memory_space<hbm>>)
    return
  }
}

</mosaic_0001>

<sc_bundles>
// kernel: _sc_gather.3.cloned.1.call-start
scs
__scs_entry_jumppad:
0x0: {  	(pc) =	sbr.rel $0x88, $3  }
0x1: {  	(tag) =	ssettag $0x0;
	lr =	simm.s32 $0x1  }
0x2: {  	[smem:$0x3F9F] =	sst lr;
	_ =	strace $0xD0000000  }
0x3: {  	_ = 	snop  }
0x4: {  	_ = 	snop  }
0x5: {  	_ = 	snop  }
0x6: {  	_ = 	snop  }
0x7: {  	_ = 	snop  }
__scs_overlays_trampoline_lowered:
0x8: {  	[smem:$0x3FAE] =	sst s0  }
0x9: {  	[smem:$0x3FAF] =	sst s1  }
0xa: {  	[smem:$0x3FB0] =	sst s2  }
0xb: {  	[smem:$0x3FB1] =	sst s3  }
0xc: {  	[smem:$0x3FB2] =	sst s4  }
0xd: {  	[smem:$0x3FB3] =	sst s5  }
0xe: {  	[smem:$0x3FB4] =	sst s6  }
0xf: {  	[smem:$0x3FB5] =	sst s7  }
0x10: {  	[smem:$0x3FB6] =	sst s8  }
0x11: {  	[smem:$0x3FB7] =	sst s9;
	s0 =	simm.s32 @!p0 $0x0  }
0x12: {  	s1 =	sld [smem:$0x3F9D];
	s0 =	simm.s32 @p0 $0x1  }
0x13: {  	[smem:$0x3FB8] =	sst s0;
	s0 =	simm.s32 @!p1 $0x0  }
0x14: {  	s2 =	sld [smem:$0x3F9C];
	s0 =	simm.s32 @p1 $0x1  }
0x15: {  	[smem:$0x3FB9] =	sst s0;
	s0 =	simm.s32 @!p2 $0x0  }
0x16: {  	s3 =	sld [smem:$0x3FDB];
	s0 =	simm.s32 @p2 $0x1  }
0x17: {  	s4 =	simm.s32 $0x1BF5;
	[smem:$0x3FBB] =	sst s0  }
0x18: {  	s0 =	sld [smem:$0x3F9E];
	_ =	swait.ge [sflag:s4], $0x0  }
0x19: {  	s7 =	sld [smem:$0x3F9F]  }
0x1a: {  	s8 =	sadd.s32 $0xFFFFE003, lr  }
0x1b: {  	s9 =	sadd.s32 $0xFFFFFEF7, lr;
	s5 =	simm.s32 $0xFFFFFFFF;
	p2 =	slt.u32 s8, $0xFFFFF086  }
0x1c: {  	p1 =	slt.u32 s9, $0xF7A;
	s5 =	simm.s32 @!p2 $0x0  }
0x1d: {  	s5 =	simm.s32 @p1 $0x1;
	p0 =	seq.s32 s7, s2  }
0x1e: {  	s7 =	smul.u32 @!p0 $0xF7A, s2;
	p2 =	seq.s32 @!p0 s5, $0x0  }
0x1f: {  	s9 =	smul.u32 $0xF7A, s1;
	s8 =	simm.s32 @!p0 $0x1BF5;
	p2 =	por !p2, p0  }
0x20: {  	[sflag:s8] =	ssyncset.s32 @!p0 $0xFFFFF086;
	s6 =	sadd.s32 @!p0 s3, s7;
	s7 =	simm.s32 @!p0 $0x108  }
0x21: {  	s3 =	sadd.s32 s3, s9;
	s6 =	sadd.s32 @!p0 $0x88, s6;
	s7 =	simm.s32 @p2 $0x1082  }
0x22: {  	[simem:s7], [sflag:s8] =	dma.local @!p0 [hbm:s6], $0xF7A  }
0x23: {  	s9 =	sor.u32 $0xD0000000, s2;
	s6 =	simm.s32 $0x108;
	_ =	swait.ge @!p0 [sflag:s8], $0x0  }
0x24: {  	s3 =	sadd.s32 $0x88, s3;
	s6 =	simm.s32 @!p1 $0x1082;
	[sflag:s4] =	ssyncset.s32 $0xFFFFF086  }
0x25: {  	[simem:s6], [sflag:s4] =	dma.local [hbm:s3], $0xF7A  }
0x26: {  	[smem:$0x3F9F] =	sst s1;
	(tag) =	ssettag s2;
	_ =	strace s9  }
0x27: {  	s1 =	sld [smem:$0x3FAF]  }
0x28: {  	s2 =	sld [smem:$0x3FB0]  }
0x29: {  	s4 =	sld [smem:$0x3FB2]  }
0x2a: {  	p0 =	seq.s32 s5, $0x0;
	s5 =	sld [smem:$0x3FB3]  }
0x2b: {  	s6 =	sld [smem:$0x3FB4]  }
0x2c: {  	s7 =	sld [smem:$0x3FB5]  }
0x2d: {  	s3 =	simm.s32 $0x108;
	s8 =	sld [smem:$0x3FB6]  }
0x2e: {  	s3 =	simm.s32 @!p0 $0x1082;
	s9 =	sld [smem:$0x3FB7]  }
0x2f: {  	lr =	sadd.s32 s0, s3;
	s0 =	sld [smem:$0x3FAE]  }
0x30: {  	s3 =	sld [smem:$0x3FB1]  }
0x31: {  	[smem:$0x3FBA] =	sst s10  }
0x32: {  	s10 =	sld [smem:$0x3FB8];
	_ =	sdelay $0x3  }
0x33: {  	p0 =	seq.s32 s10, $0x1;
	s10 =	sld [smem:$0x3FBA];
	_ =	sdelay $0x3  }
0x34: {  	[smem:$0x3FBA] =	sst s10  }
0x35: {  	s10 =	sld [smem:$0x3FB9];
	_ =	sdelay $0x3  }
0x36: {  	p1 =	seq.s32 s10, $0x1;
	s10 =	sld [smem:$0x3FBA];
	_ =	sdelay $0x3  }
0x37: {  	[smem:$0x3FBA] =	sst s10  }
0x38: {  	s10 =	sld [smem:$0x3FBB]  }
0x39: {  	_ = 	snop;
	(pc) =	sbr.ind lr, $3  }
0x3a: {  	_ = 	snop  }
0x3b: {  	_ = 	snop  }
0x3c: {  	p2 =	seq.s32 s10, $0x1;
	s10 =	sld [smem:$0x3FBA]  }
0x3d: {  	_ =	shalt  }
0x3e: {  	_ =	shalt  }
0x3f: {  	_ =	shalt  }
0x40: {  	_ =	shalt  }
0x41: {  	_ =	shalt  }
0x42: {  	_ =	shalt  }
0x43: {  	_ =	shalt  }
0x44: {  	_ =	shalt  }
0x45: {  	_ =	shalt  }
0x46: {  	_ =	shalt  }
0x47: {  	_ =	shalt  }
0x48: {  	_ =	shalt  }
0x49: {  	_ =	shalt  }
0x4a: {  	_ =	shalt  }
0x4b: {  	_ =	shalt  }
0x4c: {  	_ =	shalt  }
0x4d: {  	_ =	shalt  }
0x4e: {  	_ =	shalt  }
0x4f: {  	_ =	shalt  }
0x50: {  	_ =	shalt  }
0x51: {  	_ =	shalt  }
0x52: {  	_ =	shalt  }
0x53: {  	_ =	shalt  }
0x54: {  	_ =	shalt  }
0x55: {  	_ =	shalt  }
0x56: {  	_ =	shalt  }
0x57: {  	_ =	shalt  }
0x58: {  	_ =	shalt  }
0x59: {  	_ =	shalt  }
0x5a: {  	_ =	shalt  }
0x5b: {  	_ =	shalt  }
0x5c: {  	_ =	shalt  }
0x5d: {  	_ =	shalt  }
0x5e: {  	_ =	shalt  }
0x5f: {  	_ =	shalt  }
0x60: {  	_ =	shalt  }
0x61: {  	_ =	shalt  }
0x62: {  	_ =	shalt  }
0x63: {  	_ =	shalt  }
0x64: {  	_ =	shalt  }
0x65: {  	_ =	shalt  }
0x66: {  	_ =	shalt  }
0x67: {  	_ =	shalt  }
0x68: {  	_ =	shalt  }
0x69: {  	_ =	shalt  }
0x6a: {  	_ =	shalt  }
0x6b: {  	_ =	shalt  }
0x6c: {  	_ =	shalt  }
0x6d: {  	_ =	shalt  }
0x6e: {  	_ =	shalt  }
0x6f: {  	_ =	shalt  }
0x70: {  	_ =	shalt  }
0x71: {  	_ =	shalt  }
0x72: {  	_ =	shalt  }
0x73: {  	_ =	shalt  }
0x74: {  	_ =	shalt  }
0x75: {  	_ =	shalt  }
0x76: {  	_ =	shalt  }
0x77: {  	_ =	shalt  }
0x78: {  	_ =	shalt  }
0x79: {  	_ =	shalt  }
0x7a: {  	_ =	shalt  }
0x7b: {  	_ =	shalt  }
0x7c: {  	_ =	shalt  }
0x7d: {  	_ =	shalt  }
0x7e: {  	_ =	shalt  }
0x7f: {  	_ =	shalt  }
0x80: {  	_ =	shalt  }
0x81: {  	_ =	shalt  }
0x82: {  	_ =	shalt  }
0x83: {  	_ =	shalt  }
0x84: {  	_ =	shalt  }
0x85: {  	_ =	shalt  }
0x86: {  	_ =	shalt  }
0x87: {  	_ =	shalt  }
.Lfunc_end0:
.L_simem_size_0:
called_computation_lowered:
.L_overlay_start_0:
0x88: {  	s2 =	sld [smem:$0x3FD9]  }
0x89: {  	s3 =	sld [smem:$0x3FFE];
	_ =	sdelay $0x1  }
0x8a: {  	s1 =	srdreg.scid  }
0x8b: {  	s0 =	sand.u32 $0x1, s1  }
0x8c: {  	s17 =	sshll.u32 s0, $0xA;
	s2 =	sadd.s32 s3, s2  }
0x8d: {  	s2 =	sadd.s32 s2, s17  }
0x8e: {  	[smem:$0x3FC6] =	sst s2  }
0x8f: {  	_ = 	snop  }
0x90: {  	s2 =	sld [smem:$0x3FC9]  }
0x91: {  	s18 =	sld [smem:$0x3FC8];
	(tm) =	ssettm $0x1  }
0x92: {  	s4 =	sld [smem:$0x3FFB];
	_ =	sdelay $0x3  }
0x93: {  	_ =	strace s4  }
0x94: {  	s4 =	sld [smem:$0x3FFC];
	_ =	sdelay $0x3  }
0x95: {  	_ =	strace s4  }
0x96: {  	s4 =	sld [smem:$0x3FFD];
	_ =	sdelay $0x3  }
0x97: {  	_ =	strace s4  }
0x98: {  	_ =	strace $0x8FFFFFFF  }
0x99: {  	s19 =	sld [smem:$0x3FDB];
	_ =	sdelay $0x1  }
0x9a: {  	s5 =	simm.s32 $_scs_section_size  }
0x9b: {  	s6 =	simm.s32 $_size__tile_overlayer_lowered;
	s7 =	simm.s32 $_tile_overlayer_lowered  }
0x9c: {  	s22 =	simm.s32 $0x1BFF;
	s21 =	sshll.u32 s7, $0x1;
	s4 =	sadd.s32 s5, s19  }
0x9d: {  	s8 =	simm.s32 $0x0;
	s20 =	sshll.u32 s6, $0x1;
	s6 =	sadd.s32 s21, s4  }
0x9e: {  	[timem:s8], [sflag:s22] =	dma.local [hbm:s6], s20  }
0x9f: {  	_ =	swait.ge [sflag:s22], s20  }
0xa0: {  	s5 =	ssub.s32 $0x0, s20;
	[sflag:s22] =	ssyncset.done $0x0  }
0xa1: {  	[sflag:s22] =	ssyncadd.s32 s5;
	_ =	sdelay $0x1  }
0xa2: {  	s23 =	simm.s32 $0x1B8B  }
0xa3: {  	_ =	swait.ge [sflag:s23], $0x1  }
0xa4: {  	[sflag:s23] =	ssyncset.done $0x0  }
0xa5: {  	s25 =	simm.s32 $0x1B8E;
	s24 =	sld [smem:$0x3FFE];
	[sflag:s23] =	ssyncadd.s32 $0xFFFFFFFF  }
0xa6: {  	s26 =	simm.s32 $execute0_lowered;
	[smem:$0x3FD2] =	sst s25  }
0xa7: {  	s6 =	sshll.u32 s26, $0x1;
	_ =	strace $0x80000046;
	[dreg:$0x1] =	wrdreg $0xFFFFFFFF  }
0xa8: {  	s28 =	simm.s32 $_size_execute0_lowered;
	s4 =	sadd.s32 s4, s6;
	[dreg:$0x0] =	wrdreg $0x0  }
0xa9: {  	s6 =	sshll.u32 s28, $0x1;
	[dreg:$0x2] =	wrdreg s4  }
0xaa: {  	[dreg:$0x3] =	wrdreg s6  }
0xab: {  	[dreg:$0x4] =	wrdreg $0xC0  }
0xac: {  	_ =	task [dreg:s8], $0x5FFFF  }
0xad: {  	[dreg:$0x1] =	wrdreg $0xFFFFFFFF  }
0xae: {  	[dreg:$0x0] =	wrdreg $0x60  }
0xaf: {  	[dreg:$0x2] =	wrdreg s2  }
0xb0: {  	[dreg:$0x3] =	wrdreg s18  }
0xb1: {  	[dreg:$0x4] =	wrdreg s24  }
0xb2: {  	[dreg:$0x5] =	wrdreg $0x9  }
0xb3: {  	_ =	task.clear_ibuf [dreg:s8], $0x6FFFF;
	_ =	strace $0x90000046  }
0xb4: {  	s29 =	simm.s32 $0x9;
	_ =	strace $0x80000048  }
0xb5: {  	_ =	swait.ge [sflag:s29], $0x1  }
0xb6: {  	[sflag:s29] =	ssyncadd.s32 $0xFFFFFFFF  }
0xb7: {  	_ =	strace $0x90000048  }
0xb8: {  	_ =	sfence  }
0xb9: {  	s30 =	sld [smem:$0x0];
	_ =	sdelay $0x2  }
0xba: {  	s31 =	sshll.u32 s1, $0xD;
	s1 =	sshrl.u32 s1, $0x2  }
0xbb: {  	s3 =	sand.u32 $0x4000, s31;
	s1 =	sadd.s32 s1, s30  }
0xbc: {  	s0 =	sor.u32 s3, s0;
	s1 =	sshll.u32 s1, $0x11  }
0xbd: {  	s0 =	sor.u32 s1, s0  }
0xbe: {  	s0 =	sadd.s32 $0x8F2B, s0  }
0xbf: {  	[sflag:s0] =	ssyncadd.remote.s32 $0x1  }
0xc0: {  	_ =	sfence.sel $0xFFFF  }
0xc1: {  	[dreg:$0x0] =	wrdreg $0xFFFFFFFF;
	(pc) =	sbr.abs _section_cstart, $3  }
0xc2: {  	[dreg:$0x1] =	wrdreg $0xFFFFFFFF  }
0xc3: {  	_ =	task.clear_ibuf [dreg:s8], $0x2FFFF;
	_ =	strace $0x9FFFFFFF  }
0xc4: {  	(tm) =	ssettm $0x7FFFFFFF  }
0xc5: {  	_ =	shalt  }
tec
execute0_lowered:
.L_overlay_start_1:
0x0: {  	(tag) =	ssettag $0x1  }
0x1: {  	s1 =	rddreg [dreg:$0x0]  }
0x2: {  	s0 =	rddreg [dreg:$0x1]  }
0x3: {  	s2 =	rddreg [dreg:$0x2]  }
0x4: {  	s4 =	srdreg.scid;
	s10 =	stileid.u32  }
0x5: {  	s3 =	simm.s32 $0x0;
	s19 =	simm.s32 $0x3900;
	s28 =	simm.s32 $0xB  }
0x6: {  	s29 =	simm.s32 $0x7;
	s30 =	simm.s32 $0xC;
	s31 =	simm.s32 $0x8  }
0x7: {  	s4 =	sand.u32 $0x1, s4;
	s5 =	smul.u32 $0x1C0000, s10;
	[smem:$0x7FF] =	sst s3  }
0x8: {  	s2 =	sadd.s32 $0x400, s2;
	s21 =	sshll.u32 s10, $0xB;
	s10 =	smul.u32 $0x38000, s10  }
0x9: {  	s6 =	smul.u32 $0xE0000, s4;
	_ =	strace $0x80000047;
	s7 =	ssub.s32 $0x2, s4  }
0xa: {  	s9 =	sshll.u32 s4, $0xA;
	s4 =	smul.u32 $0x1C000, s4;
	[dreg:$0xb] =	wrdreg s19  }
0xb: {  	s19 =	simm.s32 $0x15800;
	s8 =	sshrl.u32 s7, $0x1;
	s23 =	sadd.s32 s10, s2  }
0xc: {  	s5 =	sadd.s32 s6, s5;
	s20 =	ssub.s32 s7, s8;
	s7 =	sor.u32 s9, s21  }
0xd: {  	s4 =	sadd.s32 s4, s23;
	s21 =	simm.s32 $0xA100;
	s23 =	simm.s32 $0x10900  }
0xe: {  	s22 =	sor.u32 $0xC400, s5;
	s24 =	sor.u32 $0x8C00, s5;
	s26 =	sor.u32 $0x5400, s5  }
0xf: {  	[dreg:$0x5] =	wrdreg s4;
	s13 =	sor.u32 $0x1A400, s5;
	s15 =	sor.u32 $0x16C00, s5  }
0x10: {  	s5 =	sor.u32 $0x13400, s5;
	s0 =	sadd.s32 s0, s7;
	s18 =	smax.u32 s20, $0x1  }
0x11: {  	s7 =	simm.s32 $0x64;
	s20 =	simm.s32 $0x6D00;
	[dreg:$0xd] =	wrdreg s21  }
0x12: {  	s21 =	simm.s32 $0x18C00;
	[dreg:$0xf] =	wrdreg s23;
	s23 =	simm.s32 $0x9  }
0x13: {  	s8 =	sshrl.u32 s22, $0x3;
	s25 =	sshrl.u32 s24, $0x3;
	[dreg:$0x13] =	wrdreg s0  }
0x14: {  	s11 =	sshrl.u32 s26, $0x3;
	s14 =	sshrl.u32 s13, $0x3;
	[dreg:$0x14] =	wrdreg s18  }
0x15: {  	s5 =	sshrl.u32 s5, $0x3;
	[dreg:$0xc] =	wrdreg s20;
	s22 =	simm.s32 $0xD500  }
0x16: {  	s18 =	simm.s32 $0x2;
	s24 =	simm.s32 $0x13D00;
	[dreg:$0xe] =	wrdreg s22  }
0x17: {  	s20 =	simm.s32 $0x3;
	s26 =	simm.s32 $0x1A500;
	[dreg:$0x10] =	wrdreg s24  }
0x18: {  	s8 =	sadd.s32 s8, s2;
	s10 =	sadd.s32 s25, s2;
	[dreg:$0x12] =	wrdreg s26  }
0x19: {  	s12 =	sadd.s32 s11, s2;
	s4 =	sadd.s32 s14, s2;
	[dreg:$0x4] =	wrdreg s8  }
0x1a: {  	s17 =	sadd.s32 s5, s2;
	s22 =	simm.s32 $0x4;
	[dreg:$0x6] =	wrdreg s10  }
0x1b: {  	s25 =	simm.s32 $0x17100;
	s24 =	simm.s32 $0x5;
	[dreg:$0x7] =	wrdreg s12  }
0x1c: {  	s26 =	simm.s32 $0x6;
	s14 =	simm.s32 $0x8800;
	[dreg:$0x8] =	wrdreg s4  }
0x1d: {  	s8 =	sshrl.u32 s15, $0x3;
	[dreg:$0xa] =	wrdreg s17;
	s15 =	simm.s32 $0xF000  }
0x1e: {  	s17 =	simm.s32 $0x12400;
	[dreg:$0x11] =	wrdreg s25;
	s25 =	simm.s32 $0xA  }
0x1f: {  	s4 =	simm.s32 $0x0;
	s10 =	simm.s32 $0x2000;
	s16 =	sadd.s32 s8, s2  }
0x20: {  	s12 =	simm.s32 $0x5400;
	[dreg:$0x9] =	wrdreg s16;
	s16 =	simm.s32 $0x1  }
.LBB2_1:
0x21: {  	[dreg:$0x15] =	wrdreg s4  }
0x22: {  	s0 =	rddreg [dreg:$0x13];
	s9 =	simm.s32 $0x11  }
0x23: {  	[tilespmem:s3], [sflag:$0x11] =	stream.linear.gather [hbm4b:s0+s3], $0x2000, $0x38;
	[tilespmem:$0x1C000] =	vst v63  }
0x24: {  	_ =	swait.ge [sflag:s9], $0x2000  }
0x25: {  	[sflag:s9] =	ssyncset.done $0x0  }
0x26: {  	s4 =	simm.s32 $0x2000;
	[sflag:s9] =	ssyncadd.s32 $0xFFFFE000  }
0x27: {  	[tilespmem:s4], [sflag:$0x1] =	stream.indirect.gather [hbm4b:s1+s7], $0x80, s3, s7, $0xb8;
	[tilespmem:$0x1C000] =	vst v63  }
0x28: {  	s11 =	simm.s32 $0x80;
	s6 =	simm.s32 $0x5400;
	p0 =	por $0x1, $0x1  }
0x29: {  	[tilespmem:s6], [sflag:$0x2] =	stream.indirect.gather [hbm4b:s1+s7], $0x80, s11, s7, $0xb8;
	[tilespmem:$0x1C000] =	vst v63  }
0x2a: {  	s13 =	simm.s32 $0x100;
	s8 =	simm.s32 $0x8800;
	p0 =	por p0, p0  }
0x2b: {  	[tilespmem:s8], [sflag:$0x3] =	stream.indirect.gather [hbm4b:s1+s7], $0x80, s13, s7, $0xb8;
	[tilespmem:$0x1C000] =	vst v63  }
0x2c: {  	s2 =	simm.s32 $0x180;
	s0 =	simm.s32 @!p0 $0xD;
	s9 =	simm.s32 $0xBC00  }
0x2d: {  	[tilespmem:s9], [sflag:$0x4] =	stream.indirect.gather [hbm4b:s1+s7], $0x80, s2, s7, $0xb8;
	[tilespmem:$0x1C000] =	vst v63  }
0x2e: {  	_ =	swait.ge @!p0 [sflag:s0], $0x1900  }
0x2f: {  	[sflag:s0] =	ssyncset.done @!p0 $0x0  }
0x30: {  	[sflag:s0] =	ssyncadd.s32 @!p0 $0xFFFFE700  }
0x31: {  	_ =	swait.ge @!p0 [sflag:s0], $0x1900  }
0x32: {  	[sflag:s0] =	ssyncset.done @!p0 $0x0  }
0x33: {  	s5 =	simm.s32 $0x200;
	[sflag:s0] =	ssyncadd.s32 @!p0 $0xFFFFE700  }
0x34: {  	[tilespmem:s15], [sflag:$0x5] =	stream.indirect.gather [hbm4b:s1+s7], $0x80, s5, s7, $0xb8;
	[tilespmem:$0x1C000] =	vst v63  }
0x35: {  	_ =	swait.ge [sflag:s16], $0x3200  }
0x36: {  	s11 =	rddreg [dreg:$0x5];
	[sflag:s16] =	ssyncset.done $0x0  }
0x37: {  	[sflag:s16] =	ssyncadd.s32 $0xFFFFCE00;
	s0 =	sadd.s32 $0x0, s11  }
0x38: {  	[hbm4b:s0+s3] =	stream.linear.scatter [tilespmem:s4], [sflag:$0x9], $0x1900, $0x38;
	[tilespmem:$0x1C000] =	vst v63  }
0x39: {  	s5 =	simm.s32 @!p0 $0xE;
	s2 =	rddreg [dreg:$0xb];
	s13 =	sadd.s32 $0x380, s0  }
0x3a: {  	[hbm4b:s13+s3] =	stream.linear.scatter [tilespmem:s2], [sflag:$0x9], $0x1900, $0x38;
	[tilespmem:$0x1C000] =	vst v63  }
0x3b: {  	_ =	swait.ge @!p0 [sflag:s5], $0x1900  }
0x3c: {  	[sflag:s5] =	ssyncset.done @!p0 $0x0  }
0x3d: {  	[sflag:s5] =	ssyncadd.s32 @!p0 $0xFFFFE700  }
0x3e: {  	_ =	swait.ge @!p0 [sflag:s5], $0x1900  }
0x3f: {  	[sflag:s5] =	ssyncset.done @!p0 $0x0  }
0x40: {  	s4 =	simm.s32 $0x280;
	[sflag:s5] =	ssyncadd.s32 @!p0 $0xFFFFE700  }
0x41: {  	[tilespmem:s17], [sflag:$0x6] =	stream.indirect.gather [hbm4b:s1+s7], $0x80, s4, s7, $0xb8;
	[tilespmem:$0x1C000] =	vst v63  }
0x42: {  	_ =	swait.ge [sflag:s18], $0x3200  }
0x43: {  	[sflag:s18] =	ssyncset.done $0x0  }
0x44: {  	s11 =	sadd.s32 $0x700, s0;
	s5 =	rddreg [dreg:$0x7];
	[sflag:s18] =	ssyncadd.s32 $0xFFFFCE00  }
0x45: {  	[hbm4b:s11+s3] =	stream.linear.scatter [tilespmem:s6], [sflag:$0xA], $0x1900, $0x38;
	[tilespmem:$0x1C000] =	vst v63  }
0x46: {  	s4 =	simm.s32 @!p0 $0xF;
	s13 =	rddreg [dreg:$0xc];
	s2 =	sadd.s32 $0x0, s5  }
0x47: {  	[hbm4b:s2+s3] =	stream.linear.scatter [tilespmem:s13], [sflag:$0xA], $0x1900, $0x38;
	[tilespmem:$0x1C000] =	vst v63  }
0x48: {  	_ =	swait.ge @!p0 [sflag:s4], $0x1900  }
0x49: {  	[sflag:s4] =	ssyncset.done @!p0 $0x0  }
0x4a: {  	[sflag:s4] =	ssyncadd.s32 @!p0 $0xFFFFE700  }
0x4b: {  	_ =	swait.ge @!p0 [sflag:s4], $0x1900  }
0x4c: {  	[sflag:s4] =	ssyncset.done @!p0 $0x0  }
0x4d: {  	s11 =	simm.s32 $0x300;
	[sflag:s4] =	ssyncadd.s32 @!p0 $0xFFFFE700  }
0x4e: {  	[tilespmem:s19], [sflag:$0x7] =	stream.indirect.gather [hbm4b:s1+s7], $0x80, s11, s7, $0xb8;
	[tilespmem:$0x1C000] =	vst v63  }
0x4f: {  	_ =	swait.ge [sflag:s20], $0x3200  }
0x50: {  	[sflag:s20] =	ssyncset.done $0x0  }
0x51: {  	s5 =	sadd.s32 $0xE00, s0;
	s13 =	rddreg [dreg:$0x6];
	[sflag:s20] =	ssyncadd.s32 $0xFFFFCE00  }
0x52: {  	[hbm4b:s5+s3] =	stream.linear.scatter [tilespmem:s8], [sflag:$0xB], $0x1900, $0x38;
	[tilespmem:$0x1C000] =	vst v63  }
0x53: {  	s4 =	simm.s32 @!p0 $0x10;
	s6 =	rddreg [dreg:$0xd];
	s2 =	sadd.s32 $0x0, s13  }
0x54: {  	[hbm4b:s2+s3] =	stream.linear.scatter [tilespmem:s6], [sflag:$0xB], $0x1900, $0x38;
	[tilespmem:$0x1C000] =	vst v63  }
0x55: {  	_ =	swait.ge @!p0 [sflag:s4], $0x1900  }
0x56: {  	[sflag:s4] =	ssyncset.done @!p0 $0x0  }
0x57: {  	[sflag:s4] =	ssyncadd.s32 @!p0 $0xFFFFE700  }
0x58: {  	_ =	swait.ge @!p0 [sflag:s4], $0x1900  }
0x59: {  	[sflag:s4] =	ssyncset.done @!p0 $0x0  }
0x5a: {  	s11 =	simm.s32 $0x380;
	[sflag:s4] =	ssyncadd.s32 @!p0 $0xFFFFE700  }
0x5b: {  	[tilespmem:s21], [sflag:$0x8] =	stream.indirect.gather [hbm4b:s1+s7], $0x80, s11, s7, $0xb8;
	[tilespmem:$0x1C000] =	vst v63  }
0x5c: {  	_ =	swait.ge [sflag:s22], $0x3200  }
0x5d: {  	[sflag:s22] =	ssyncset.done $0x0  }
0x5e: {  	s5 =	sadd.s32 $0x1500, s0;
	s13 =	rddreg [dreg:$0x4];
	[sflag:s22] =	ssyncadd.s32 $0xFFFFCE00  }
0x5f: {  	[hbm4b:s5+s3] =	stream.linear.scatter [tilespmem:s9], [sflag:$0xC], $0x1900, $0x38;
	[tilespmem:$0x1C000] =	vst v63  }
0x60: {  	s6 =	rddreg [dreg:$0xe];
	s2 =	sadd.s32 $0x0, s13  }
0x61: {  	[hbm4b:s2+s3] =	stream.linear.scatter [tilespmem:s6], [sflag:$0xC], $0x1900, $0x38;
	[tilespmem:$0x1C000] =	vst v63  }
0x62: {  	_ =	swait.ge [sflag:s23], $0x1900  }
0x63: {  	[sflag:s23] =	ssyncset.done $0x0  }
0x64: {  	[sflag:s23] =	ssyncadd.s32 $0xFFFFE700  }
0x65: {  	p0 =	por $0x0, $0x0;
	_ =	swait.ge [sflag:s23], $0x1900  }
0x66: {  	s4 =	simm.s32 @!p0 $0x64;
	[sflag:s23] =	ssyncset.done $0x0  }
0x67: {  	s5 =	simm.s32 @!p0 $0x2000;
	s2 =	simm.s32 @!p0 $0x400;
	[sflag:s23] =	ssyncadd.s32 $0xFFFFE700  }
0x68: {  	[tilespmem:s5], [sflag:$0x1] =	stream.indirect.gather @!p0 [hbm4b:s1+s4], $0x80, s2, s4, $0xb8;
	[tilespmem:$0x1C000] =	vst v63  }
0x69: {  	_ =	swait.ge [sflag:s24], $0x3200  }
0x6a: {  	[sflag:s24] =	ssyncset.done $0x0  }
0x6b: {  	s8 =	sadd.s32 $0x1C00, s0;
	[sflag:s24] =	ssyncadd.s32 $0xFFFFCE00  }
0x6c: {  	[hbm4b:s8+s3] =	stream.linear.scatter [tilespmem:s15], [sflag:$0xD], $0x1900, $0x38;
	[tilespmem:$0x1C000] =	vst v63  }
0x6d: {  	s11 =	sadd.s32 $0x1F80, s0;
	s9 =	rddreg [dreg:$0xf]  }
0x6e: {  	[hbm4b:s11+s3] =	stream.linear.scatter [tilespmem:s9], [sflag:$0xD], $0x1900, $0x38;
	[tilespmem:$0x1C000] =	vst v63  }
0x6f: {  	_ =	swait.ge [sflag:s25], $0x1900  }
0x70: {  	[sflag:s25] =	ssyncset.done $0x0  }
0x71: {  	[sflag:s25] =	ssyncadd.s32 $0xFFFFE700  }
0x72: {  	_ =	swait.ge [sflag:s25], $0x1900  }
0x73: {  	[sflag:s25] =	ssyncset.done $0x0  }
0x74: {  	s2 =	simm.s32 @!p0 $0x480;
	s5 =	simm.s32 @!p0 $0x5400;
	[sflag:s25] =	ssyncadd.s32 $0xFFFFE700  }
0x75: {  	[tilespmem:s5], [sflag:$0x2] =	stream.indirect.gather @!p0 [hbm4b:s1+s4], $0x80, s2, s4, $0xb8;
	[tilespmem:$0x1C000] =	vst v63  }
0x76: {  	_ =	swait.ge [sflag:s26], $0x3200  }
0x77: {  	[sflag:s26] =	ssyncset.done $0x0  }
0x78: {  	s6 =	sadd.s32 $0x2300, s0;
	s13 =	rddreg [dreg:$0xa];
	[sflag:s26] =	ssyncadd.s32 $0xFFFFCE00  }
0x79: {  	[hbm4b:s6+s3] =	stream.linear.scatter [tilespmem:s17], [sflag:$0xE], $0x1900, $0x38;
	[tilespmem:$0x1C000] =	vst v63  }
0x7a: {  	s8 =	rddreg [dreg:$0x10];
	s2 =	sadd.s32 $0x0, s13  }
0x7b: {  	[hbm4b:s2+s3] =	stream.linear.scatter [tilespmem:s8], [sflag:$0xE], $0x1900, $0x38;
	[tilespmem:$0x1C000] =	vst v63  }
0x7c: {  	_ =	swait.ge [sflag:s28], $0x1900  }
0x7d: {  	[sflag:s28] =	ssyncset.done $0x0  }
0x7e: {  	[sflag:s28] =	ssyncadd.s32 $0xFFFFE700  }
0x7f: {  	_ =	swait.ge [sflag:s28], $0x1900  }
0x80: {  	[sflag:s28] =	ssyncset.done $0x0  }
0x81: {  	s5 =	simm.s32 @!p0 $0x8800;
	s2 =	simm.s32 @!p0 $0x500;
	[sflag:s28] =	ssyncadd.s32 $0xFFFFE700  }
0x82: {  	[tilespmem:s5], [sflag:$0x3] =	stream.indirect.gather @!p0 [hbm4b:s1+s4], $0x80, s2, s4, $0xb8;
	[tilespmem:$0x1C000] =	vst v63  }
0x83: {  	_ =	swait.ge [sflag:s29], $0x3200  }
0x84: {  	[sflag:s29] =	ssyncset.done $0x0  }
0x85: {  	s11 =	sadd.s32 $0x2A00, s0;
	s9 =	rddreg [dreg:$0x9];
	[sflag:s29] =	ssyncadd.s32 $0xFFFFCE00  }
0x86: {  	[hbm4b:s11+s3] =	stream.linear.scatter [tilespmem:s19], [sflag:$0xF], $0x1900, $0x38;
	[tilespmem:$0x1C000] =	vst v63  }
0x87: {  	s13 =	rddreg [dreg:$0x11];
	s2 =	sadd.s32 $0x0, s9  }
0x88: {  	[hbm4b:s2+s3] =	stream.linear.scatter [tilespmem:s13], [sflag:$0xF], $0x1900, $0x38;
	[tilespmem:$0x1C000] =	vst v63  }
0x89: {  	_ =	swait.ge [sflag:s30], $0x1900  }
0x8a: {  	[sflag:s30] =	ssyncset.done $0x0  }
0x8b: {  	[sflag:s30] =	ssyncadd.s32 $0xFFFFE700  }
0x8c: {  	_ =	swait.ge [sflag:s30], $0x1900  }
0x8d: {  	[sflag:s30] =	ssyncset.done $0x0  }
0x8e: {  	s5 =	simm.s32 @!p0 $0xBC00;
	s2 =	simm.s32 $0x580;
	[sflag:s30] =	ssyncadd.s32 $0xFFFFE700  }
0x8f: {  	[tilespmem:s5], [sflag:$0x4] =	stream.indirect.gather @!p0 [hbm4b:s1+s4], $0x80, s2, s4, $0xb8;
	[tilespmem:$0x1C000] =	vst v63  }
0x90: {  	p6 =	por $0x0, $0x0;
	s0 =	sadd.s32 $0x3100, s0;
	_ =	swait.ge [sflag:s31], $0x3200  }
0x91: {  	s6 =	simm.s32 $0x7000;
	s4 =	simm.s32 $0x3800;
	[sflag:s31] =	ssyncset.done $0x0  }
0x92: {  	p0 =	por p6, p6;
	s9 =	rddreg [dreg:$0x8];
	[sflag:s31] =	ssyncadd.s32 $0xFFFFCE00  }
0x93: {  	[hbm4b:s0+s3] =	stream.linear.scatter [tilespmem:s21], [sflag:$0x10], $0x1900, $0x38;
	[tilespmem:$0x1C000] =	vst v63  }
0x94: {  	s5 =	simm.s32 $0x980;
	s2 =	rddreg [dreg:$0x12];
	s0 =	simm.s32 $0x0  }
.LBB2_2:
0x95: {  	s11 =	simm.s32 @!p0 $0xD;
	s9 =	sadd.s32 s0, s9  }
0x96: {  	[hbm4b:s9+s3] =	stream.linear.scatter [tilespmem:s2], [sflag:$0x10], $0x1900, $0x38;
	[tilespmem:$0x1C000] =	vst v63  }
0x97: {  	_ =	swait.ge @!p0 [sflag:s11], $0x1900  }
0x98: {  	[sflag:s11] =	ssyncset.done @!p0 $0x0  }
0x99: {  	[sflag:s11] =	ssyncadd.s32 @!p0 $0xFFFFE700  }
0x9a: {  	_ =	swait.ge @!p0 [sflag:s11], $0x1900  }
0x9b: {  	[sflag:s11] =	ssyncset.done @!p0 $0x0  }
0x9c: {  	s8 =	sadd.s32 $0xFFFFFC80, s5;
	[sflag:s11] =	ssyncadd.s32 @!p0 $0xFFFFE700  }
0x9d: {  	[tilespmem:s15], [sflag:$0x5] =	stream.indirect.gather [hbm4b:s1+s7], $0x80, s8, s7, $0xb8;
	[tilespmem:$0x1C000] =	vst v63  }
0x9e: {  	_ =	swait.ge [sflag:s16], $0x3200  }
0x9f: {  	s0 =	smov.u32 s4;
	s9 =	rddreg [dreg:$0x5];
	[sflag:s16] =	ssyncset.done $0x0  }
0xa0: {  	[sflag:s16] =	ssyncadd.s32 $0xFFFFCE00;
	s2 =	sadd.s32 s0, s9  }
0xa1: {  	[hbm4b:s2+s3] =	stream.linear.scatter [tilespmem:s10], [sflag:$0x9], $0x1900, $0x38;
	[tilespmem:$0x1C000] =	vst v63  }
0xa2: {  	s13 =	simm.s32 @!p0 $0xE;
	s11 =	rddreg [dreg:$0xb];
	s8 =	sadd.s32 $0x380, s2  }
0xa3: {  	[hbm4b:s8+s3] =	stream.linear.scatter [tilespmem:s11], [sflag:$0x9], $0x1900, $0x38;
	[tilespmem:$0x1C000] =	vst v63  }
0xa4: {  	_ =	swait.ge @!p0 [sflag:s13], $0x1900  }
0xa5: {  	[sflag:s13] =	ssyncset.done @!p0 $0x0  }
0xa6: {  	[sflag:s13] =	ssyncadd.s32 @!p0 $0xFFFFE700  }
0xa7: {  	_ =	swait.ge @!p0 [sflag:s13], $0x1900  }
0xa8: {  	[sflag:s13] =	ssyncset.done @!p0 $0x0  }
0xa9: {  	s11 =	sadd.s32 $0xFFFFFD00, s5;
	[sflag:s13] =	ssyncadd.s32 @!p0 $0xFFFFE700  }
0xaa: {  	[tilespmem:s17], [sflag:$0x6] =	stream.indirect.gather [hbm4b:s1+s7], $0x80, s11, s7, $0xb8;
	[tilespmem:$0x1C000] =	vst v63  }
0xab: {  	_ =	swait.ge [sflag:s18], $0x3200  }
0xac: {  	[sflag:s18] =	ssyncset.done $0x0  }
0xad: {  	s13 =	sadd.s32 $0x700, s2;
	s9 =	rddreg [dreg:$0x7];
	[sflag:s18] =	ssyncadd.s32 $0xFFFFCE00  }
0xae: {  	[hbm4b:s13+s3] =	stream.linear.scatter [tilespmem:s12], [sflag:$0xA], $0x1900, $0x38;
	[tilespmem:$0x1C000] =	vst v63  }
0xaf: {  	s11 =	simm.s32 @!p0 $0xF;
	s8 =	rddreg [dreg:$0xc];
	s9 =	sadd.s32 s0, s9  }
0xb0: {  	[hbm4b:s9+s3] =	stream.linear.scatter [tilespmem:s8], [sflag:$0xA], $0x1900, $0x38;
	[tilespmem:$0x1C000] =	vst v63  }
0xb1: {  	_ =	swait.ge @!p0 [sflag:s11], $0x1900  }
0xb2: {  	[sflag:s11] =	ssyncset.done @!p0 $0x0  }
0xb3: {  	[sflag:s11] =	ssyncadd.s32 @!p0 $0xFFFFE700  }
0xb4: {  	_ =	swait.ge @!p0 [sflag:s11], $0x1900  }
0xb5: {  	[sflag:s11] =	ssyncset.done @!p0 $0x0  }
0xb6: {  	[sflag:s11] =	ssyncadd.s32 @!p0 $0xFFFFE700;
	s11 =	sadd.s32 $0xFFFFFD80, s5  }
0xb7: {  	[tilespmem:s19], [sflag:$0x7] =	stream.indirect.gather [hbm4b:s1+s7], $0x80, s11, s7, $0xb8;
	[tilespmem:$0x1C000] =	vst v63  }
0xb8: {  	_ =	swait.ge [sflag:s20], $0x3200  }
0xb9: {  	[sflag:s20] =	ssyncset.done $0x0  }
0xba: {  	s13 =	sadd.s32 $0xE00, s2;
	s9 =	rddreg [dreg:$0x6];
	[sflag:s20] =	ssyncadd.s32 $0xFFFFCE00  }
0xbb: {  	[hbm4b:s13+s3] =	stream.linear.scatter [tilespmem:s14], [sflag:$0xB], $0x1900, $0x38;
	[tilespmem:$0x1C000] =	vst v63  }
0xbc: {  	s11 =	simm.s32 @!p0 $0x10;
	s8 =	rddreg [dreg:$0xd];
	s9 =	sadd.s32 s0, s9  }
0xbd: {  	[hbm4b:s9+s3] =	stream.linear.scatter [tilespmem:s8], [sflag:$0xB], $0x1900, $0x38;
	[tilespmem:$0x1C000] =	vst v63  }
0xbe: {  	_ =	swait.ge @!p0 [sflag:s11], $0x1900  }
0xbf: {  	[sflag:s11] =	ssyncset.done @!p0 $0x0  }
0xc0: {  	[sflag:s11] =	ssyncadd.s32 @!p0 $0xFFFFE700  }
0xc1: {  	_ =	swait.ge @!p0 [sflag:s11], $0x1900  }
0xc2: {  	[sflag:s11] =	ssyncset.done @!p0 $0x0  }
0xc3: {  	s13 =	sadd.s32 $0xFFFFFE00, s5;
	[sflag:s11] =	ssyncadd.s32 @!p0 $0xFFFFE700  }
0xc4: {  	[tilespmem:s21], [sflag:$0x8] =	stream.indirect.gather [hbm4b:s1+s7], $0x80, s13, s7, $0xb8;
	[tilespmem:$0x1C000] =	vst v63  }
0xc5: {  	_ =	swait.ge [sflag:s22], $0x3200  }
0xc6: {  	s8 =	simm.s32 $0xBC00;
	[sflag:s22] =	ssyncset.done $0x0  }
0xc7: {  	s11 =	sadd.s32 $0x1500, s2;
	s9 =	rddreg [dreg:$0x4];
	[sflag:s22] =	ssyncadd.s32 $0xFFFFCE00  }
0xc8: {  	[hbm4b:s11+s3] =	stream.linear.scatter [tilespmem:s8], [sflag:$0xC], $0x1900, $0x38;
	[tilespmem:$0x1C000] =	vst v63  }
0xc9: {  	s13 =	rddreg [dreg:$0xe];
	s9 =	sadd.s32 s0, s9  }
0xca: {  	[hbm4b:s9+s3] =	stream.linear.scatter [tilespmem:s13], [sflag:$0xC], $0x1900, $0x38;
	[tilespmem:$0x1C000] =	vst v63  }
0xcb: {  	_ =	swait.ge [sflag:s23], $0x1900  }
0xcc: {  	[sflag:s23] =	ssyncset.done $0x0  }
0xcd: {  	p2 =	seq.s32 s6, $0x0;
	[sflag:s23] =	ssyncadd.s32 $0xFFFFE700  }
0xce: {  	p0 =	por p2, p2;
	p2 =	seq.s32 s0, $0x18800;
	_ =	swait.ge [sflag:s23], $0x1900  }
0xcf: {  	s11 =	sadd.s32 @!p2 $0xFFFFFE80, s5;
	[sflag:s23] =	ssyncset.done $0x0  }
0xd0: {  	s9 =	simm.s32 @!p2 $0x64;
	s13 =	simm.s32 @!p2 $0x2000;
	[sflag:s23] =	ssyncadd.s32 $0xFFFFE700  }
0xd1: {  	[tilespmem:s13], [sflag:$0x1] =	stream.indirect.gather @!p2 [hbm4b:s1+s9], $0x80, s11, s9, $0xb8;
	[tilespmem:$0x1C000] =	vst v63  }
0xd2: {  	_ =	swait.ge [sflag:s24], $0x3200  }
0xd3: {  	[sflag:s24] =	ssyncset.done $0x0  }
0xd4: {  	s8 =	sadd.s32 $0x1C00, s2;
	[sflag:s24] =	ssyncadd.s32 $0xFFFFCE00  }
0xd5: {  	[hbm4b:s8+s3] =	stream.linear.scatter [tilespmem:s15], [sflag:$0xD], $0x1900, $0x38;
	[tilespmem:$0x1C000] =	vst v63  }
0xd6: {  	s13 =	rddreg [dreg:$0xf];
	s8 =	sadd.s32 $0x1F80, s2  }
0xd7: {  	[hbm4b:s8+s3] =	stream.linear.scatter [tilespmem:s13], [sflag:$0xD], $0x1900, $0x38;
	[tilespmem:$0x1C000] =	vst v63  }
0xd8: {  	_ =	swait.ge [sflag:s25], $0x1900  }
0xd9: {  	[sflag:s25] =	ssyncset.done $0x0  }
0xda: {  	[sflag:s25] =	ssyncadd.s32 $0xFFFFE700  }
0xdb: {  	_ =	swait.ge [sflag:s25], $0x1900  }
0xdc: {  	[sflag:s25] =	ssyncset.done $0x0  }
0xdd: {  	s11 =	sadd.s32 @!p2 $0xFFFFFF00, s5;
	s13 =	simm.s32 @!p2 $0x5400;
	[sflag:s25] =	ssyncadd.s32 $0xFFFFE700  }
0xde: {  	[tilespmem:s13], [sflag:$0x2] =	stream.indirect.gather @!p2 [hbm4b:s1+s9], $0x80, s11, s9, $0xb8;
	[tilespmem:$0x1C000] =	vst v63  }
0xdf: {  	_ =	swait.ge [sflag:s26], $0x3200  }
0xe0: {  	[sflag:s26] =	ssyncset.done $0x0  }
0xe1: {  	s11 =	sadd.s32 $0x2300, s2;
	s13 =	rddreg [dreg:$0xa];
	[sflag:s26] =	ssyncadd.s32 $0xFFFFCE00  }
0xe2: {  	[hbm4b:s11+s3] =	stream.linear.scatter [tilespmem:s17], [sflag:$0xE], $0x1900, $0x38;
	[tilespmem:$0x1C000] =	vst v63  }
0xe3: {  	s8 =	rddreg [dreg:$0x10];
	s13 =	sadd.s32 s0, s13  }
0xe4: {  	[hbm4b:s13+s3] =	stream.linear.scatter [tilespmem:s8], [sflag:$0xE], $0x1900, $0x38;
	[tilespmem:$0x1C000] =	vst v63  }
0xe5: {  	_ =	swait.ge [sflag:s28], $0x1900  }
0xe6: {  	[sflag:s28] =	ssyncset.done $0x0  }
0xe7: {  	[sflag:s28] =	ssyncadd.s32 $0xFFFFE700  }
0xe8: {  	_ =	swait.ge [sflag:s28], $0x1900  }
0xe9: {  	[sflag:s28] =	ssyncset.done $0x0  }
0xea: {  	s11 =	simm.s32 @!p2 $0x8800;
	s8 =	sadd.s32 @!p2 $0xFFFFFF80, s5;
	[sflag:s28] =	ssyncadd.s32 $0xFFFFE700  }
0xeb: {  	[tilespmem:s11], [sflag:$0x3] =	stream.indirect.gather @!p2 [hbm4b:s1+s9], $0x80, s8, s9, $0xb8;
	[tilespmem:$0x1C000] =	vst v63  }
0xec: {  	_ =	swait.ge [sflag:s29], $0x3200  }
0xed: {  	[sflag:s29] =	ssyncset.done $0x0  }
0xee: {  	s8 =	sadd.s32 $0x2A00, s2;
	s11 =	rddreg [dreg:$0x9];
	[sflag:s29] =	ssyncadd.s32 $0xFFFFCE00  }
0xef: {  	[hbm4b:s8+s3] =	stream.linear.scatter [tilespmem:s19], [sflag:$0xF], $0x1900, $0x38;
	[tilespmem:$0x1C000] =	vst v63  }
0xf0: {  	s13 =	rddreg [dreg:$0x11];
	s11 =	sadd.s32 s0, s11  }
0xf1: {  	[hbm4b:s11+s3] =	stream.linear.scatter [tilespmem:s13], [sflag:$0xF], $0x1900, $0x38;
	[tilespmem:$0x1C000] =	vst v63  }
0xf2: {  	_ =	swait.ge [sflag:s30], $0x1900  }
0xf3: {  	[sflag:s30] =	ssyncset.done $0x0  }
0xf4: {  	[sflag:s30] =	ssyncadd.s32 $0xFFFFE700  }
0xf5: {  	_ =	swait.ge [sflag:s30], $0x1900  }
0xf6: {  	s4 =	smov.u32 s6;
	s6 =	sadd.s32 $0x3800, s6;
	[sflag:s30] =	ssyncset.done $0x0  }
0xf7: {  	p1 =	sne.s32 s6, $0x1C000;
	s8 =	simm.s32 @!p2 $0xBC00;
	[sflag:s30] =	ssyncadd.s32 $0xFFFFE700  }
0xf8: {  	[tilespmem:s8], [sflag:$0x4] =	stream.indirect.gather @!p2 [hbm4b:s1+s9], $0x80, s5, s9, $0xb8;
	[tilespmem:$0x1C000] =	vst v63  }
.Ltmp0:
0xf9: {  	_ = 	snop;
	(pc) =	sbr.rel @p1 .LBB2_2-.Ltmp0, $4  }
0xfa: {  	_ =	swait.ge [sflag:s31], $0x3200  }
0xfb: {  	s13 =	sadd.s32 $0x3100, s2;
	[sflag:s31] =	ssyncset.done $0x0;
	s9 =	rddreg [dreg:$0x8]  }
0xfc: {  	s5 =	sadd.s32 $0x400, s5;
	s2 =	rddreg [dreg:$0x12];
	[sflag:s31] =	ssyncadd.s32 $0xFFFFCE00  }
0xfd: {  	[hbm4b:s13+s3] =	stream.linear.scatter [tilespmem:s21], [sflag:$0x10], $0x1900, $0x38;
	[tilespmem:$0x1C000] =	vst v63  }
0xfe: {  	s6 =	simm.s32 @!p0 $0xD;
	s0 =	sadd.s32 s0, s9  }
0xff: {  	[hbm4b:s0+s3] =	stream.linear.scatter [tilespmem:s2], [sflag:$0x10], $0x1900, $0x38;
	[tilespmem:$0x1C000] =	vst v63  }
0x100: {  	_ =	swait.ge @!p0 [sflag:s6], $0x1900  }
0x101: {  	[sflag:s6] =	ssyncset.done @!p0 $0x0  }
0x102: {  	[sflag:s6] =	ssyncadd.s32 @!p0 $0xFFFFE700  }
0x103: {  	_ =	swait.ge @!p0 [sflag:s6], $0x1900  }
0x104: {  	[sflag:s6] =	ssyncset.done @!p0 $0x0  }
0x105: {  	s8 =	sadd.s32 $0xFFFFFC80, s5;
	[sflag:s6] =	ssyncadd.s32 @!p0 $0xFFFFE700  }
0x106: {  	[tilespmem:s15], [sflag:$0x5] =	stream.indirect.gather [hbm4b:s1+s7], $0x80, s8, s7, $0xb8;
	[tilespmem:$0x1C000] =	vst v63  }
0x107: {  	_ =	swait.ge [sflag:s16], $0x3200  }
0x108: {  	s9 =	rddreg [dreg:$0x5];
	[sflag:s16] =	ssyncset.done $0x0  }
0x109: {  	[sflag:s16] =	ssyncadd.s32 $0xFFFFCE00;
	s0 =	sadd.s32 s4, s9  }
0x10a: {  	[hbm4b:s0+s3] =	stream.linear.scatter [tilespmem:s10], [sflag:$0x9], $0x1900, $0x38;
	[tilespmem:$0x1C000] =	vst v63  }
0x10b: {  	s8 =	simm.s32 @!p0 $0xE;
	s11 =	rddreg [dreg:$0xb];
	s13 =	sadd.s32 $0x380, s0  }
0x10c: {  	[hbm4b:s13+s3] =	stream.linear.scatter [tilespmem:s11], [sflag:$0x9], $0x1900, $0x38;
	[tilespmem:$0x1C000] =	vst v63  }
0x10d: {  	_ =	swait.ge @!p0 [sflag:s8], $0x1900  }
0x10e: {  	[sflag:s8] =	ssyncset.done @!p0 $0x0  }
0x10f: {  	[sflag:s8] =	ssyncadd.s32 @!p0 $0xFFFFE700  }
0x110: {  	_ =	swait.ge @!p0 [sflag:s8], $0x1900  }
0x111: {  	[sflag:s8] =	ssyncset.done @!p0 $0x0  }
0x112: {  	[sflag:s8] =	ssyncadd.s32 @!p0 $0xFFFFE700;
	s8 =	sadd.s32 $0xFFFFFD00, s5  }
0x113: {  	[tilespmem:s17], [sflag:$0x6] =	stream.indirect.gather [hbm4b:s1+s7], $0x80, s8, s7, $0xb8;
	[tilespmem:$0x1C000] =	vst v63  }
0x114: {  	_ =	swait.ge [sflag:s18], $0x3200  }
0x115: {  	[sflag:s18] =	ssyncset.done $0x0  }
0x116: {  	s11 =	sadd.s32 $0x700, s0;
	s9 =	rddreg [dreg:$0x7];
	[sflag:s18] =	ssyncadd.s32 $0xFFFFCE00  }
0x117: {  	[hbm4b:s11+s3] =	stream.linear.scatter [tilespmem:s12], [sflag:$0xA], $0x1900, $0x38;
	[tilespmem:$0x1C000] =	vst v63  }
0x118: {  	s6 =	simm.s32 @!p0 $0xF;
	s13 =	rddreg [dreg:$0xc];
	s2 =	sadd.s32 s4, s9  }
0x119: {  	[hbm4b:s2+s3] =	stream.linear.scatter [tilespmem:s13], [sflag:$0xA], $0x1900, $0x38;
	[tilespmem:$0x1C000] =	vst v63  }
0x11a: {  	_ =	swait.ge @!p0 [sflag:s6], $0x1900  }
0x11b: {  	[sflag:s6] =	ssyncset.done @!p0 $0x0  }
0x11c: {  	[sflag:s6] =	ssyncadd.s32 @!p0 $0xFFFFE700  }
0x11d: {  	_ =	swait.ge @!p0 [sflag:s6], $0x1900  }
0x11e: {  	[sflag:s6] =	ssyncset.done @!p0 $0x0  }
0x11f: {  	s8 =	sadd.s32 $0xFFFFFD80, s5;
	[sflag:s6] =	ssyncadd.s32 @!p0 $0xFFFFE700  }
0x120: {  	[tilespmem:s19], [sflag:$0x7] =	stream.indirect.gather [hbm4b:s1+s7], $0x80, s8, s7, $0xb8;
	[tilespmem:$0x1C000] =	vst v63  }
0x121: {  	_ =	swait.ge [sflag:s20], $0x3200  }
0x122: {  	[sflag:s20] =	ssyncset.done $0x0  }
0x123: {  	s11 =	sadd.s32 $0xE00, s0;
	s9 =	rddreg [dreg:$0x6];
	[sflag:s20] =	ssyncadd.s32 $0xFFFFCE00  }
0x124: {  	[hbm4b:s11+s3] =	stream.linear.scatter [tilespmem:s14], [sflag:$0xB], $0x1900, $0x38;
	[tilespmem:$0x1C000] =	vst v63  }
0x125: {  	s6 =	simm.s32 @!p0 $0x10;
	s13 =	rddreg [dreg:$0xd];
	s2 =	sadd.s32 s4, s9  }
0x126: {  	[hbm4b:s2+s3] =	stream.linear.scatter [tilespmem:s13], [sflag:$0xB], $0x1900, $0x38;
	[tilespmem:$0x1C000] =	vst v63  }
0x127: {  	_ =	swait.ge @!p0 [sflag:s6], $0x1900  }
0x128: {  	[sflag:s6] =	ssyncset.done @!p0 $0x0  }
0x129: {  	[sflag:s6] =	ssyncadd.s32 @!p0 $0xFFFFE700  }
0x12a: {  	_ =	swait.ge @!p0 [sflag:s6], $0x1900  }
0x12b: {  	[sflag:s6] =	ssyncset.done @!p0 $0x0  }
0x12c: {  	[sflag:s6] =	ssyncadd.s32 @!p0 $0xFFFFE700;
	s6 =	sadd.s32 $0xFFFFFE00, s5  }
0x12d: {  	[tilespmem:s21], [sflag:$0x8] =	stream.indirect.gather [hbm4b:s1+s7], $0x80, s6, s7, $0xb8;
	[tilespmem:$0x1C000] =	vst v63  }
0x12e: {  	_ =	swait.ge [sflag:s22], $0x3200  }
0x12f: {  	s9 =	sadd.s32 $0x1500, s0;
	[sflag:s22] =	ssyncset.done $0x0  }
0x130: {  	s13 =	simm.s32 $0xBC00;
	s8 =	rddreg [dreg:$0x4];
	[sflag:s22] =	ssyncadd.s32 $0xFFFFCE00  }
0x131: {  	[hbm4b:s9+s3] =	stream.linear.scatter [tilespmem:s13], [sflag:$0xC], $0x1900, $0x38;
	[tilespmem:$0x1C000] =	vst v63  }
0x132: {  	s11 =	rddreg [dreg:$0xe];
	s2 =	sadd.s32 s4, s8  }
0x133: {  	[hbm4b:s2+s3] =	stream.linear.scatter [tilespmem:s11], [sflag:$0xC], $0x1900, $0x38;
	[tilespmem:$0x1C000] =	vst v63  }
0x134: {  	_ =	swait.ge [sflag:s23], $0x1900  }
0x135: {  	[sflag:s23] =	ssyncset.done $0x0  }
0x136: {  	[sflag:s23] =	ssyncadd.s32 $0xFFFFE700  }
0x137: {  	p0 =	seq.s32 s4, $0x18800;
	_ =	swait.ge [sflag:s23], $0x1900  }
0x138: {  	s6 =	simm.s32 @!p0 $0x64;
	[sflag:s23] =	ssyncset.done $0x0  }
0x139: {  	s8 =	simm.s32 @!p0 $0x2000;
	s2 =	sadd.s32 @!p0 $0xFFFFFE80, s5;
	[sflag:s23] =	ssyncadd.s32 $0xFFFFE700  }
0x13a: {  	[tilespmem:s8], [sflag:$0x1] =	stream.indirect.gather @!p0 [hbm4b:s1+s6], $0x80, s2, s6, $0xb8;
	[tilespmem:$0x1C000] =	vst v63  }
0x13b: {  	_ =	swait.ge [sflag:s24], $0x3200  }
0x13c: {  	[sflag:s24] =	ssyncset.done $0x0  }
0x13d: {  	s9 =	sadd.s32 $0x1C00, s0;
	[sflag:s24] =	ssyncadd.s32 $0xFFFFCE00  }
0x13e: {  	[hbm4b:s9+s3] =	stream.linear.scatter [tilespmem:s15], [sflag:$0xD], $0x1900, $0x38;
	[tilespmem:$0x1C000] =	vst v63  }
0x13f: {  	s13 =	sadd.s32 $0x1F80, s0;
	s11 =	rddreg [dreg:$0xf]  }
0x140: {  	[hbm4b:s13+s3] =	stream.linear.scatter [tilespmem:s11], [sflag:$0xD], $0x1900, $0x38;
	[tilespmem:$0x1C000] =	vst v63  }
0x141: {  	_ =	swait.ge [sflag:s25], $0x1900  }
0x142: {  	[sflag:s25] =	ssyncset.done $0x0  }
0x143: {  	[sflag:s25] =	ssyncadd.s32 $0xFFFFE700  }
0x144: {  	_ =	swait.ge [sflag:s25], $0x1900  }
0x145: {  	[sflag:s25] =	ssyncset.done $0x0  }
0x146: {  	s2 =	sadd.s32 @!p0 $0xFFFFFF00, s5;
	s8 =	simm.s32 @!p0 $0x5400;
	[sflag:s25] =	ssyncadd.s32 $0xFFFFE700  }
0x147: {  	[tilespmem:s8], [sflag:$0x2] =	stream.indirect.gather @!p0 [hbm4b:s1+s6], $0x80, s2, s6, $0xb8;
	[tilespmem:$0x1C000] =	vst v63  }
0x148: {  	_ =	swait.ge [sflag:s26], $0x3200  }
0x149: {  	[sflag:s26] =	ssyncset.done $0x0  }
0x14a: {  	s11 =	sadd.s32 $0x2300, s0;
	s9 =	rddreg [dreg:$0xa];
	[sflag:s26] =	ssyncadd.s32 $0xFFFFCE00  }
0x14b: {  	[hbm4b:s11+s3] =	stream.linear.scatter [tilespmem:s17], [sflag:$0xE], $0x1900, $0x38;
	[tilespmem:$0x1C000] =	vst v63  }
0x14c: {  	s13 =	rddreg [dreg:$0x10];
	s2 =	sadd.s32 s4, s9  }
0x14d: {  	[hbm4b:s2+s3] =	stream.linear.scatter [tilespmem:s13], [sflag:$0xE], $0x1900, $0x38;
	[tilespmem:$0x1C000] =	vst v63  }
0x14e: {  	_ =	swait.ge [sflag:s28], $0x1900  }
0x14f: {  	[sflag:s28] =	ssyncset.done $0x0  }
0x150: {  	[sflag:s28] =	ssyncadd.s32 $0xFFFFE700  }
0x151: {  	_ =	swait.ge [sflag:s28], $0x1900  }
0x152: {  	[sflag:s28] =	ssyncset.done $0x0  }
0x153: {  	s8 =	simm.s32 @!p0 $0x8800;
	s2 =	sadd.s32 @!p0 $0xFFFFFF80, s5;
	[sflag:s28] =	ssyncadd.s32 $0xFFFFE700  }
0x154: {  	[tilespmem:s8], [sflag:$0x3] =	stream.indirect.gather @!p0 [hbm4b:s1+s6], $0x80, s2, s6, $0xb8;
	[tilespmem:$0x1C000] =	vst v63  }
0x155: {  	_ =	swait.ge [sflag:s29], $0x3200  }
0x156: {  	[sflag:s29] =	ssyncset.done $0x0  }
0x157: {  	s11 =	sadd.s32 $0x2A00, s0;
	s9 =	rddreg [dreg:$0x9];
	[sflag:s29] =	ssyncadd.s32 $0xFFFFCE00  }
0x158: {  	[hbm4b:s11+s3] =	stream.linear.scatter [tilespmem:s19], [sflag:$0xF], $0x1900, $0x38;
	[tilespmem:$0x1C000] =	vst v63  }
0x159: {  	s13 =	rddreg [dreg:$0x11];
	s2 =	sadd.s32 s4, s9  }
0x15a: {  	[hbm4b:s2+s3] =	stream.linear.scatter [tilespmem:s13], [sflag:$0xF], $0x1900, $0x38;
	[tilespmem:$0x1C000] =	vst v63  }
0x15b: {  	_ =	swait.ge [sflag:s30], $0x1900  }
0x15c: {  	[sflag:s30] =	ssyncset.done $0x0  }
0x15d: {  	[sflag:s30] =	ssyncadd.s32 $0xFFFFE700  }
0x15e: {  	_ =	swait.ge [sflag:s30], $0x1900  }
0x15f: {  	[sflag:s30] =	ssyncset.done $0x0  }
0x160: {  	s2 =	simm.s32 @!p0 $0xBC00;
	[sflag:s30] =	ssyncadd.s32 $0xFFFFE700  }
0x161: {  	[tilespmem:s2], [sflag:$0x4] =	stream.indirect.gather @!p0 [hbm4b:s1+s6], $0x80, s5, s6, $0xb8;
	[tilespmem:$0x1C000] =	vst v63  }
0x162: {  	_ =	swait.ge [sflag:s31], $0x3200  }
0x163: {  	[sflag:s31] =	ssyncset.done $0x0  }
0x164: {  	s0 =	sadd.s32 $0x3100, s0;
	s11 =	rddreg [dreg:$0x8];
	[sflag:s31] =	ssyncadd.s32 $0xFFFFCE00  }
0x165: {  	[hbm4b:s0+s3] =	stream.linear.scatter [tilespmem:s21], [sflag:$0x10], $0x1900, $0x38;
	[tilespmem:$0x1C000] =	vst v63  }
0x166: {  	s5 =	simm.s32 $0xD;
	s13 =	rddreg [dreg:$0x12];
	s4 =	sadd.s32 s4, s11  }
0x167: {  	[hbm4b:s4+s3] =	stream.linear.scatter [tilespmem:s13], [sflag:$0x10], $0x1900, $0x38;
	[tilespmem:$0x1C000] =	vst v63  }
0x168: {  	_ =	swait.ge [sflag:s5], $0x1900  }
0x169: {  	[sflag:s5] =	ssyncset.done $0x0  }
0x16a: {  	[sflag:s5] =	ssyncadd.s32 $0xFFFFE700  }
0x16b: {  	_ =	swait.ge [sflag:s5], $0x1900  }
0x16c: {  	[sflag:s5] =	ssyncset.done $0x0  }
0x16d: {  	s6 =	simm.s32 $0xE;
	[sflag:s5] =	ssyncadd.s32 $0xFFFFE700  }
0x16e: {  	_ =	swait.ge [sflag:s6], $0x1900  }
0x16f: {  	[sflag:s6] =	ssyncset.done $0x0  }
0x170: {  	[sflag:s6] =	ssyncadd.s32 $0xFFFFE700  }
0x171: {  	_ =	swait.ge [sflag:s6], $0x1900  }
0x172: {  	[sflag:s6] =	ssyncset.done $0x0  }
0x173: {  	s8 =	simm.s32 $0xF;
	[sflag:s6] =	ssyncadd.s32 $0xFFFFE700  }
0x174: {  	_ =	swait.ge [sflag:s8], $0x1900  }
0x175: {  	[sflag:s8] =	ssyncset.done $0x0  }
0x176: {  	[sflag:s8] =	ssyncadd.s32 $0xFFFFE700  }
0x177: {  	_ =	swait.ge [sflag:s8], $0x1900  }
0x178: {  	[sflag:s8] =	ssyncset.done $0x0  }
0x179: {  	s9 =	simm.s32 $0x10;
	[sflag:s8] =	ssyncadd.s32 $0xFFFFE700  }
0x17a: {  	_ =	swait.ge [sflag:s9], $0x1900  }
0x17b: {  	[sflag:s9] =	ssyncset.done $0x0  }
0x17c: {  	[sflag:s9] =	ssyncadd.s32 $0xFFFFE700  }
0x17d: {  	_ =	swait.ge [sflag:s9], $0x1900  }
0x17e: {  	s11 =	rddreg [dreg:$0x15]  }
0x17f: {  	s13 =	rddreg [dreg:$0x14];
	s4 =	sadd.s32 $0x1, s11  }
0x180: {  	p0 =	sne.s32 s4, s13  }
.Ltmp1:
0x181: {  	_ = 	snop;
	(pc) =	sbr.rel @p0 .LBB2_1-.Ltmp1, $3  }
0x182: {  	_ =	sdelay $0x1  }
0x183: {  	[sflag:s9] =	ssyncset.done $0x0  }
0x184: {  	[sflag:s9] =	ssyncadd.s32 $0xFFFFE700  }
0x185: {  	_ =	sfence.sel $0x180000  }
0x186: {  	[bflag:$0x0] =	sbarrier.arrive $0xFFFF  }
0x187: {  	_ =	strace $0x90000047  }
0x188: {  	s0 =	stileid.u32;
	[bflag:$0x2] =	sbarrier.arrive $0xFFFF  }
0x189: {  	p0 =	sne.s32 s0, $0x0;
	s0 =	rddreg [dreg:$0x3]  }
0x18a: {  	s0 =	sadd.s32 @!p0 $0x100000, s0  }
0x18b: {  	[sflag:s0] =	ssyncadd.tile.s32 @!p0 $0x1;
	_ =	shalt  }
.Lfunc_end2:
_tile_overlayer_lowered:
.L_overlay_start_2:
0x18c: {  	(tag) =	ssettag $0x2  }
0x18d: {  	s0 =	rddreg [dreg:$0x0];
	s2 =	stileid.u32  }
0x18e: {  	s1 =	rddreg [dreg:$0x1];
	p0 =	sne.s32 s2, $0x0  }
0x18f: {  	s3 =	rddreg [dreg:$0x2];
	[bflag:$0x3] =	sbarrier.arrive $0xFFFF;
	s2 =	simm.s32 @!p0 $0x1C11  }
0x190: {  	[timem:s3], [sflag:s2] =	dma.local @!p0 [hbm:s0], s1  }
0x191: {  	s0 =	simm.s32 @!p0 $0x11  }
0x192: {  	_ =	swait.ge @!p0 [sflag:s0], s1  }
0x193: {  	s1 =	ssub.s32 @!p0 $0x0, s1;
	[sflag:s0] =	ssyncset.done @!p0 $0x0  }
0x194: {  	[sflag:s0] =	ssyncadd.s32 @!p0 s1  }
0x195: {  	[bflag:$0x3] =	sbarrier.arrive $0xFFFF  }
0x196: {  	_ =	shalt  }

</sc_bundles>
